<compile_context>
chip_gen: v7x
topology: tpu7x:2x2x1
jax: 0.10.2.dev20260603
libtpu: 0.0.44.dev20260713+nightly
codegen_flags: <defaults>
</compile_context>

<pallas_src>
import functools

import jax
import jax.numpy as jnp
from jax import lax
from jax.experimental import pallas as pl
from jax.experimental.pallas import tpu as pltpu
from jax.experimental.pallas import tpu_sc as plsc

_V = 1001
_VP = 1002
_D = 300
_DP = 320
_B = 4096 * 50
_NC = 2
_NS = 16
_NW = _NC * _NS
_BPW = _B // _NW
_CHUNK = 64
_NCHUNK = _BPW // _CHUNK
_CB = _CHUNK * _D
_NPAIR = _VP // 2

_mesh = plsc.VectorSubcoreMesh(core_axis_name="c", subcore_axis_name="s")


_IDXR = _B // 128


@functools.partial(
    pl.kernel,
    mesh=_mesh,
    compiler_params=pltpu.CompilerParams(use_tc_tiling_on_sc=False),
    out_type=jax.ShapeDtypeStruct((_B * _D,), jnp.float32),
    scratch_types=[
        pltpu.HBM((_VP, _DP), jnp.float32),
        pltpu.VMEM((_BPW // 128, 128), jnp.int32),
        pltpu.VMEM((600,), jnp.float32),
        pltpu.VMEM((2, _DP), jnp.float32),
        pltpu.VMEM((_CHUNK, _DP), jnp.float32),
        pltpu.VMEM((_CHUNK, _DP), jnp.float32),
        pltpu.VMEM((_CB,), jnp.float32),
        pltpu.VMEM((_CB,), jnp.float32),
        pltpu.SemaphoreType.DMA,
        pltpu.SemaphoreType.DMA,
        pltpu.SemaphoreType.DMA,
        pltpu.SemaphoreType.DMA,
    ],
)
def _emb_gather(idx_hbm, wflat_hbm, out_hbm, tbl, idx_v, rowp_v, padp_v,
                pad0, pad1, cmp0, cmp1, gs0, gs1, ws0, ws1):
    sid = lax.axis_index("s")
    wid = sid * _NC + lax.axis_index("c")
    base = wid * _BPW * _D

    def stage_pair(g, carry):
        pltpu.sync_copy(wflat_hbm.at[pl.ds(g * 2 * _D, 2 * _D)], rowp_v)
        for r in range(2):
            for k in range(18):
                padp_v[r, pl.ds(16 * k, 16)] = rowp_v[pl.ds(r * _D + 16 * k, 16)]
            padp_v[r, pl.ds(_D - 16, 16)] = rowp_v[pl.ds(r * _D + _D - 16, 16)]
        pltpu.sync_copy(padp_v, tbl.at[pl.ds(2 * g, 2)])
        return carry

    lax.fori_loop(0, (_NPAIR - sid + _NS - 1) // _NS,
                  lambda i, c: stage_pair(sid + i * _NS, c), 0)
    plsc.subcore_barrier()

    pltpu.sync_copy(idx_hbm.at[pl.ds(wid * (_BPW // 128), _BPW // 128)], idx_v)

    def gather_idx(j):
        return idx_v.at[j // 2, pl.ds(64 * (j % 2), _CHUNK)]

    pltpu.async_copy(tbl.at[gather_idx(0)], pad0, gs0)

    def compact(pad_v, cmp_v):
        @plsc.parallel_loop(0, _CHUNK, unroll=4)
        def _(r):
            for k in range(18):
                cmp_v[pl.ds(_D * r + 16 * k, 16)] = pad_v[r, pl.ds(16 * k, 16)]
            cmp_v[pl.ds(_D * r + _D - 16, 16)] = pad_v[r, pl.ds(_D - 16, 16)]

    def out_flat(j):
        return out_hbm.at[pl.ds(base + j * _CB, _CB)]

    def pair(t, carry):
        j0 = 2 * t
        pltpu.async_copy(tbl.at[gather_idx(j0 + 1)], pad1, gs1)
        pltpu.make_async_copy(tbl.at[gather_idx(j0)], pad0, gs0).wait()

        @pl.when(t >= 1)
        def _():
            pltpu.make_async_copy(cmp0, out_flat(j0 - 2), ws0).wait()

        compact(pad0, cmp0)
        pltpu.async_copy(cmp0, out_flat(j0), ws0)

        @pl.when(t < _NCHUNK // 2 - 1)
        def _():
            pltpu.async_copy(tbl.at[gather_idx(j0 + 2)], pad0, gs0)

        pltpu.make_async_copy(tbl.at[gather_idx(j0 + 1)], pad1, gs1).wait()

        @pl.when(t >= 1)
        def _():
            pltpu.make_async_copy(cmp1, out_flat(j0 - 1), ws1).wait()

        compact(pad1, cmp1)
        pltpu.async_copy(cmp1, out_flat(j0 + 1), ws1)
        return carry

    lax.fori_loop(0, _NCHUNK // 2, pair, 0)
    pltpu.make_async_copy(cmp0, out_flat(_NCHUNK - 2), ws0).wait()
    pltpu.make_async_copy(cmp1, out_flat(_NCHUNK - 1), ws1).wait()


def kernel(sentence, W):
    idx = jnp.bitwise_and(sentence.reshape(_IDXR, 128), jnp.int32(0xFFFF))
    wflat = jnp.concatenate([W.reshape(_V * _D), jnp.zeros((_D,), W.dtype)])
    out = _emb_gather(idx, wflat)
    return out.reshape(sentence.shape[0], sentence.shape[1], _D)

# --- scband reference (transcript-rebuilt; emitter-appended) ---
"""Pipeline reference for scband-fast-text-34041910788844 (READ-ONLY COPY).

The authoritative reference and input builder live on the scoring server;
editing this copy changes nothing except your own understanding.
"""

import jax, jax.numpy as jnp
import numpy as np

VOCAB = 1000
EMB_DIM = 300
BATCH = 4096
HIST = 50


def _build_table():
    # FastText.__init__: weight[i, :] = tensor(v) for each v in embedding_table.
    # embedding_table[i] is the scalar i, broadcast across the 300-dim row.
    base = jnp.arange(VOCAB, dtype=jnp.float32)
    table = jnp.broadcast_to(base[:, None], (VOCAB, EMB_DIM)).astype(jnp.float32)
    # add_unk=True appends one extra row, zeroed.
    unk = jnp.zeros((1, EMB_DIM), dtype=jnp.float32)
    return jnp.concatenate([table, unk], axis=0)  # [1001, 300]


def setup_inputs(seed: int = 0) -> dict:
    key = jax.random.key(seed)
    sentence = jax.random.randint(key, (BATCH, HIST), 0, VOCAB + 1, dtype=jnp.int32)
    W = _build_table()
    return {"sentence": sentence, "W": W}


def reference(sentence, W):
    # forward: self.embs(sentence) -> pure embedding gather
    return jnp.take(W, sentence, axis=0)  # [4096, 50, 300]

if __name__ == "__main__":
    import jax
    _d = setup_inputs()
    print(jax.jit(kernel)(*tuple(_d.values())))

</pallas_src>

<mosaic_0001>
#map = affine_map<(d0, d1) -> (0, 0)>
#map1 = affine_map<(d0, d1) -> (0)>
module attributes {stable_mosaic.version = 14 : i64} {
  func.func @_emb_gather(%arg0: i32, %arg1: i32, %arg2: memref<1600x128xi32, #tpu.memory_space<hbm>>, %arg3: memref<300600xf32, #tpu.memory_space<hbm>>, %arg4: memref<61440000xf32, #tpu.memory_space<hbm>>, %arg5: memref<1002x320xf32, #tpu.memory_space<hbm>>, %arg6: memref<50x128xi32, #tpu.memory_space<vmem>>, %arg7: memref<600xf32, #tpu.memory_space<vmem>>, %arg8: memref<2x320xf32, #tpu.memory_space<vmem>>, %arg9: memref<64x320xf32, #tpu.memory_space<vmem>>, %arg10: memref<64x320xf32, #tpu.memory_space<vmem>>, %arg11: memref<19200xf32, #tpu.memory_space<vmem>>, %arg12: memref<19200xf32, #tpu.memory_space<vmem>>, %arg13: memref<!tpu.dma_semaphore, #tpu.memory_space<semaphore_mem>>, %arg14: memref<!tpu.dma_semaphore, #tpu.memory_space<semaphore_mem>>, %arg15: memref<!tpu.dma_semaphore, #tpu.memory_space<semaphore_mem>>, %arg16: memref<!tpu.dma_semaphore, #tpu.memory_space<semaphore_mem>>) attributes {dimension_semantics = [#tpu.dimension_semantics<core_parallel>, #tpu.dimension_semantics<subcore_parallel>], iteration_bounds = array<i64: 2, 16>, scalar_prefetch = 0 : i64, scratch_operands = 12 : i64, tpu.core_type = #tpu.core_type<sc_vector_subcore>, window_params = [{transform_indices = #map}, {transform_indices = #map1}, {transform_indices = #map1}]} {
    %mul3A = arith.constant 2 : i32
    %mul3A_0 = arith.muli %arg1, %mul3A : i32
    %add3A = arith.addi %mul3A_0, %arg0 : i32
    %mul3A_1 = arith.constant 6400 : i32
    %mul3A_2 = arith.muli %add3A, %mul3A_1 : i32
    %mul3A_3 = arith.constant 300 : i32
    %mul3A_4 = arith.muli %mul3A_2, %mul3A_3 : i32
    %sub3A = arith.constant 501 : i32
    %sub3A_5 = arith.subi %sub3A, %arg1 : i32
    %add3A_6 = arith.constant 16 : i32
    %add3A_7 = arith.addi %sub3A_5, %add3A_6 : i32
    %sub3A_8 = arith.constant 1 : i32
    %sub3A_9 = arith.subi %add3A_7, %sub3A_8 : i32
    %jit3A = arith.constant 16 : i32
    %div3A = arith.divsi %sub3A_9, %jit3A : i32
    %sign3A = arith.constant 0 : i32
    %sign3A_10 = arith.cmpi sgt, %sub3A_9, %sign3A : i32
    %sign3A_11 = arith.extui %sign3A_10 : i1 to i32
    %sign3A_12 = arith.constant 0 : i32
    %sign3A_13 = arith.cmpi slt, %sub3A_9, %sign3A_12 : i32
    %sign3A_14 = arith.extui %sign3A_13 : i1 to i32
    %sign3A_15 = arith.subi %sign3A_11, %sign3A_14 : i32
    %sign3A_16 = arith.constant 0 : i32
    %sign3A_17 = arith.cmpi sgt, %jit3A, %sign3A_16 : i32
    %sign3A_18 = arith.extui %sign3A_17 : i1 to i32
    %sign3A_19 = arith.constant 0 : i32
    %sign3A_20 = arith.cmpi slt, %jit3A, %sign3A_19 : i32
    %sign3A_21 = arith.extui %sign3A_20 : i1 to i32
    %sign3A_22 = arith.subi %sign3A_18, %sign3A_21 : i32
    %ne3A = arith.cmpi ne, %sign3A_15, %sign3A_22 : i32
    %rem3A = arith.remsi %sub3A_9, %jit3A : i32
    %ne3A_23 = arith.constant 0 : i32
    %ne3A_24 = arith.cmpi ne, %rem3A, %ne3A_23 : i32
    %and3A = arith.andi %ne3A, %ne3A_24 : i1
    %sub3A_25 = arith.constant 1 : i32
    %sub3A_26 = arith.subi %div3A, %sub3A_25 : i32
    %select_n3A = arith.select %and3A, %sub3A_26, %div3A : i32
    %while3A = arith.constant 0 : i32
    %while3A_27 = arith.constant 0 : i32
    %while3A_28 = arith.subi %select_n3A, %while3A_27 : i32
    %while3A_29 = arith.addi %while3A_27, %while3A_28 : i32
    %while3A_30 = arith.constant 1 : i32
    %while3A_31 = arith.divsi %while3A_28, %while3A_30 : i32
    %while3A_32 = arith.muli %while3A_31, %while3A_30 : i32
    %while3A_33 = arith.addi %while3A_27, %while3A_32 : i32
    %while3A_34 = arith.constant 1 : i32
    scf.for %while3A_56 = %while3A_27 to %while3A_33 step %while3A_34  : i32 {
      %mul3A_57 = arith.constant 16 : i32
      %mul3A_58 = arith.muli %while3A_56, %mul3A_57 : i32
      %add3A_59 = arith.addi %arg1, %mul3A_58 : i32
      %mul3A_60 = arith.constant 2 : i32
      %mul3A_61 = arith.muli %add3A_59, %mul3A_60 : i32
      %mul3A_62 = arith.constant 300 : i32
      %mul3A_63 = arith.muli %mul3A_61, %mul3A_62 : i32
      "tpu.region"() ({
        %run_scoped3A = tpu.sem_alloc : memref<!tpu.dma_semaphore, #tpu.memory_space<semaphore_mem>>
        %dma_start3A_406 = tpu.memref_slice %arg3[%mul3A_63] : memref<300600xf32, #tpu.memory_space<hbm>> -> memref<600xf32, #tpu.memory_space<hbm>>
        %dma_start3A_407 = tpu.memref_slice %arg3[%mul3A_63] : memref<300600xf32, #tpu.memory_space<hbm>> -> memref<600xf32, #tpu.memory_space<hbm>>
        tpu.enqueue_dma source(%dma_start3A_407 : memref<600xf32, #tpu.memory_space<hbm>>) target(%arg7 : memref<600xf32, #tpu.memory_space<vmem>>) target_semaphore(%run_scoped3A : memref<!tpu.dma_semaphore, #tpu.memory_space<semaphore_mem>>)
        %dma_wait3A_408 = tpu.memref_slice %arg3[%mul3A_63] : memref<300600xf32, #tpu.memory_space<hbm>> -> memref<600xf32, #tpu.memory_space<hbm>>
        %dma_wait3A_409 = tpu.memref_slice %arg3[%mul3A_63] : memref<300600xf32, #tpu.memory_space<hbm>> -> memref<600xf32, #tpu.memory_space<hbm>>
        tpu.wait_dma2 semaphore(%run_scoped3A : memref<!tpu.dma_semaphore, #tpu.memory_space<semaphore_mem>>) src(%dma_wait3A_409 : memref<600xf32, #tpu.memory_space<hbm>>) dst(%arg7 : memref<600xf32, #tpu.memory_space<vmem>>)
        tpu.yield
      }) : () -> ()
      %get3A = arith.constant 0 : index
      %get3A_64 = tpu.vector_load %arg7[%get3A] {strides = array<i32>} : memref<600xf32, #tpu.memory_space<vmem>>, vector<16xf32>,
      %get3A_65 = vector.shape_cast %get3A_64 : vector<16xf32> to vector<16xf32>
      %swap3A = arith.constant 0 : i32
      %swap3A_66 = arith.index_cast %swap3A : i32 to index
      %swap3A_67 = arith.constant 0 : index
      %swap3A_68 = tpu.vector_load %arg8[%swap3A_66, %swap3A_67] {strides = array<i32>} : memref<2x320xf32, #tpu.memory_space<vmem>>, vector<1x16xf32>,
      %swap3A_69 = vector.shape_cast %swap3A_68 : vector<1x16xf32> to vector<16xf32>
      %swap3A_70 = vector.shape_cast %get3A_65 : vector<16xf32> to vector<1x16xf32>
      tpu.vector_store %arg8[%swap3A_66, %swap3A_67], %swap3A_70 {strides = array<i32>} : memref<2x320xf32, #tpu.memory_space<vmem>>, vector<1x16xf32>,
      %get3A_71 = arith.constant 16 : index
      %get3A_72 = tpu.vector_load %arg7[%get3A_71] {strides = array<i32>} : memref<600xf32, #tpu.memory_space<vmem>>, vector<16xf32>,
      %get3A_73 = vector.shape_cast %get3A_72 : vector<16xf32> to vector<16xf32>
      %swap3A_74 = arith.constant 0 : i32
      %swap3A_75 = arith.index_cast %swap3A_74 : i32 to index
      %swap3A_76 = arith.constant 16 : index
      %swap3A_77 = tpu.vector_load %arg8[%swap3A_75, %swap3A_76] {strides = array<i32>} : memref<2x320xf32, #tpu.memory_space<vmem>>, vector<1x16xf32>,
      %swap3A_78 = vector.shape_cast %swap3A_77 : vector<1x16xf32> to vector<16xf32>
      %swap3A_79 = vector.shape_cast %get3A_73 : vector<16xf32> to vector<1x16xf32>
      tpu.vector_store %arg8[%swap3A_75, %swap3A_76], %swap3A_79 {strides = array<i32>} : memref<2x320xf32, #tpu.memory_space<vmem>>, vector<1x16xf32>,
      %get3A_80 = arith.constant 32 : index
      %get3A_81 = tpu.vector_load %arg7[%get3A_80] {strides = array<i32>} : memref<600xf32, #tpu.memory_space<vmem>>, vector<16xf32>,
      %get3A_82 = vector.shape_cast %get3A_81 : vector<16xf32> to vector<16xf32>
      %swap3A_83 = arith.constant 0 : i32
      %swap3A_84 = arith.index_cast %swap3A_83 : i32 to index
      %swap3A_85 = arith.constant 32 : index
      %swap3A_86 = tpu.vector_load %arg8[%swap3A_84, %swap3A_85] {strides = array<i32>} : memref<2x320xf32, #tpu.memory_space<vmem>>, vector<1x16xf32>,
      %swap3A_87 = vector.shape_cast %swap3A_86 : vector<1x16xf32> to vector<16xf32>
      %swap3A_88 = vector.shape_cast %get3A_82 : vector<16xf32> to vector<1x16xf32>
      tpu.vector_store %arg8[%swap3A_84, %swap3A_85], %swap3A_88 {strides = array<i32>} : memref<2x320xf32, #tpu.memory_space<vmem>>, vector<1x16xf32>,
      %get3A_89 = arith.constant 48 : index
      %get3A_90 = tpu.vector_load %arg7[%get3A_89] {strides = array<i32>} : memref<600xf32, #tpu.memory_space<vmem>>, vector<16xf32>,
      %get3A_91 = vector.shape_cast %get3A_90 : vector<16xf32> to vector<16xf32>
      %swap3A_92 = arith.constant 0 : i32
      %swap3A_93 = arith.index_cast %swap3A_92 : i32 to index
      %swap3A_94 = arith.constant 48 : index
      %swap3A_95 = tpu.vector_load %arg8[%swap3A_93, %swap3A_94] {strides = array<i32>} : memref<2x320xf32, #tpu.memory_space<vmem>>, vector<1x16xf32>,
      %swap3A_96 = vector.shape_cast %swap3A_95 : vector<1x16xf32> to vector<16xf32>
      %swap3A_97 = vector.shape_cast %get3A_91 : vector<16xf32> to vector<1x16xf32>
      tpu.vector_store %arg8[%swap3A_93, %swap3A_94], %swap3A_97 {strides = array<i32>} : memref<2x320xf32, #tpu.memory_space<vmem>>, vector<1x16xf32>,
      %get3A_98 = arith.constant 64 : index
      %get3A_99 = tpu.vector_load %arg7[%get3A_98] {strides = array<i32>} : memref<600xf32, #tpu.memory_space<vmem>>, vector<16xf32>,
      %get3A_100 = vector.shape_cast %get3A_99 : vector<16xf32> to vector<16xf32>
      %swap3A_101 = arith.constant 0 : i32
      %swap3A_102 = arith.index_cast %swap3A_101 : i32 to index
      %swap3A_103 = arith.constant 64 : index
      %swap3A_104 = tpu.vector_load %arg8[%swap3A_102, %swap3A_103] {strides = array<i32>} : memref<2x320xf32, #tpu.memory_space<vmem>>, vector<1x16xf32>,
      %swap3A_105 = vector.shape_cast %swap3A_104 : vector<1x16xf32> to vector<16xf32>
      %swap3A_106 = vector.shape_cast %get3A_100 : vector<16xf32> to vector<1x16xf32>
      tpu.vector_store %arg8[%swap3A_102, %swap3A_103], %swap3A_106 {strides = array<i32>} : memref<2x320xf32, #tpu.memory_space<vmem>>, vector<1x16xf32>,
      %get3A_107 = arith.constant 80 : index
      %get3A_108 = tpu.vector_load %arg7[%get3A_107] {strides = array<i32>} : memref<600xf32, #tpu.memory_space<vmem>>, vector<16xf32>,
      %get3A_109 = vector.shape_cast %get3A_108 : vector<16xf32> to vector<16xf32>
      %swap3A_110 = arith.constant 0 : i32
      %swap3A_111 = arith.index_cast %swap3A_110 : i32 to index
      %swap3A_112 = arith.constant 80 : index
      %swap3A_113 = tpu.vector_load %arg8[%swap3A_111, %swap3A_112] {strides = array<i32>} : memref<2x320xf32, #tpu.memory_space<vmem>>, vector<1x16xf32>,
      %swap3A_114 = vector.shape_cast %swap3A_113 : vector<1x16xf32> to vector<16xf32>
      %swap3A_115 = vector.shape_cast %get3A_109 : vector<16xf32> to vector<1x16xf32>
      tpu.vector_store %arg8[%swap3A_111, %swap3A_112], %swap3A_115 {strides = array<i32>} : memref<2x320xf32, #tpu.memory_space<vmem>>, vector<1x16xf32>,
      %get3A_116 = arith.constant 96 : index
      %get3A_117 = tpu.vector_load %arg7[%get3A_116] {strides = array<i32>} : memref<600xf32, #tpu.memory_space<vmem>>, vector<16xf32>,
      %get3A_118 = vector.shape_cast %get3A_117 : vector<16xf32> to vector<16xf32>
      %swap3A_119 = arith.constant 0 : i32
      %swap3A_120 = arith.index_cast %swap3A_119 : i32 to index
      %swap3A_121 = arith.constant 96 : index
      %swap3A_122 = tpu.vector_load %arg8[%swap3A_120, %swap3A_121] {strides = array<i32>} : memref<2x320xf32, #tpu.memory_space<vmem>>, vector<1x16xf32>,
      %swap3A_123 = vector.shape_cast %swap3A_122 : vector<1x16xf32> to vector<16xf32>
      %swap3A_124 = vector.shape_cast %get3A_118 : vector<16xf32> to vector<1x16xf32>
      tpu.vector_store %arg8[%swap3A_120, %swap3A_121], %swap3A_124 {strides = array<i32>} : memref<2x320xf32, #tpu.memory_space<vmem>>, vector<1x16xf32>,
      %get3A_125 = arith.constant 112 : index
      %get3A_126 = tpu.vector_load %arg7[%get3A_125] {strides = array<i32>} : memref<600xf32, #tpu.memory_space<vmem>>, vector<16xf32>,
      %get3A_127 = vector.shape_cast %get3A_126 : vector<16xf32> to vector<16xf32>
      %swap3A_128 = arith.constant 0 : i32
      %swap3A_129 = arith.index_cast %swap3A_128 : i32 to index
      %swap3A_130 = arith.constant 112 : index
      %swap3A_131 = tpu.vector_load %arg8[%swap3A_129, %swap3A_130] {strides = array<i32>} : memref<2x320xf32, #tpu.memory_space<vmem>>, vector<1x16xf32>,
      %swap3A_132 = vector.shape_cast %swap3A_131 : vector<1x16xf32> to vector<16xf32>
      %swap3A_133 = vector.shape_cast %get3A_127 : vector<16xf32> to vector<1x16xf32>
      tpu.vector_store %arg8[%swap3A_129, %swap3A_130], %swap3A_133 {strides = array<i32>} : memref<2x320xf32, #tpu.memory_space<vmem>>, vector<1x16xf32>,
      %get3A_134 = arith.constant 128 : index
      %get3A_135 = tpu.vector_load %arg7[%get3A_134] {strides = array<i32>} : memref<600xf32, #tpu.memory_space<vmem>>, vector<16xf32>,
      %get3A_136 = vector.shape_cast %get3A_135 : vector<16xf32> to vector<16xf32>
      %swap3A_137 = arith.constant 0 : i32
      %swap3A_138 = arith.index_cast %swap3A_137 : i32 to index
      %swap3A_139 = arith.constant 128 : index
      %swap3A_140 = tpu.vector_load %arg8[%swap3A_138, %swap3A_139] {strides = array<i32>} : memref<2x320xf32, #tpu.memory_space<vmem>>, vector<1x16xf32>,
      %swap3A_141 = vector.shape_cast %swap3A_140 : vector<1x16xf32> to vector<16xf32>
      %swap3A_142 = vector.shape_cast %get3A_136 : vector<16xf32> to vector<1x16xf32>
      tpu.vector_store %arg8[%swap3A_138, %swap3A_139], %swap3A_142 {strides = array<i32>} : memref<2x320xf32, #tpu.memory_space<vmem>>, vector<1x16xf32>,
      %get3A_143 = arith.constant 144 : index
      %get3A_144 = tpu.vector_load %arg7[%get3A_143] {strides = array<i32>} : memref<600xf32, #tpu.memory_space<vmem>>, vector<16xf32>,
      %get3A_145 = vector.shape_cast %get3A_144 : vector<16xf32> to vector<16xf32>
      %swap3A_146 = arith.constant 0 : i32
      %swap3A_147 = arith.index_cast %swap3A_146 : i32 to index
      %swap3A_148 = arith.constant 144 : index
      %swap3A_149 = tpu.vector_load %arg8[%swap3A_147, %swap3A_148] {strides = array<i32>} : memref<2x320xf32, #tpu.memory_space<vmem>>, vector<1x16xf32>,
      %swap3A_150 = vector.shape_cast %swap3A_149 : vector<1x16xf32> to vector<16xf32>
      %swap3A_151 = vector.shape_cast %get3A_145 : vector<16xf32> to vector<1x16xf32>
      tpu.vector_store %arg8[%swap3A_147, %swap3A_148], %swap3A_151 {strides = array<i32>} : memref<2x320xf32, #tpu.memory_space<vmem>>, vector<1x16xf32>,
      %get3A_152 = arith.constant 160 : index
      %get3A_153 = tpu.vector_load %arg7[%get3A_152] {strides = array<i32>} : memref<600xf32, #tpu.memory_space<vmem>>, vector<16xf32>,
      %get3A_154 = vector.shape_cast %get3A_153 : vector<16xf32> to vector<16xf32>
      %swap3A_155 = arith.constant 0 : i32
      %swap3A_156 = arith.index_cast %swap3A_155 : i32 to index
      %swap3A_157 = arith.constant 160 : index
      %swap3A_158 = tpu.vector_load %arg8[%swap3A_156, %swap3A_157] {strides = array<i32>} : memref<2x320xf32, #tpu.memory_space<vmem>>, vector<1x16xf32>,
      %swap3A_159 = vector.shape_cast %swap3A_158 : vector<1x16xf32> to vector<16xf32>
      %swap3A_160 = vector.shape_cast %get3A_154 : vector<16xf32> to vector<1x16xf32>
      tpu.vector_store %arg8[%swap3A_156, %swap3A_157], %swap3A_160 {strides = array<i32>} : memref<2x320xf32, #tpu.memory_space<vmem>>, vector<1x16xf32>,
      %get3A_161 = arith.constant 176 : index
      %get3A_162 = tpu.vector_load %arg7[%get3A_161] {strides = array<i32>} : memref<600xf32, #tpu.memory_space<vmem>>, vector<16xf32>,
      %get3A_163 = vector.shape_cast %get3A_162 : vector<16xf32> to vector<16xf32>
      %swap3A_164 = arith.constant 0 : i32
      %swap3A_165 = arith.index_cast %swap3A_164 : i32 to index
      %swap3A_166 = arith.constant 176 : index
      %swap3A_167 = tpu.vector_load %arg8[%swap3A_165, %swap3A_166] {strides = array<i32>} : memref<2x320xf32, #tpu.memory_space<vmem>>, vector<1x16xf32>,
      %swap3A_168 = vector.shape_cast %swap3A_167 : vector<1x16xf32> to vector<16xf32>
      %swap3A_169 = vector.shape_cast %get3A_163 : vector<16xf32> to vector<1x16xf32>
      tpu.vector_store %arg8[%swap3A_165, %swap3A_166], %swap3A_169 {strides = array<i32>} : memref<2x320xf32, #tpu.memory_space<vmem>>, vector<1x16xf32>,
      %get3A_170 = arith.constant 192 : index
      %get3A_171 = tpu.vector_load %arg7[%get3A_170] {strides = array<i32>} : memref<600xf32, #tpu.memory_space<vmem>>, vector<16xf32>,
      %get3A_172 = vector.shape_cast %get3A_171 : vector<16xf32> to vector<16xf32>
      %swap3A_173 = arith.constant 0 : i32
      %swap3A_174 = arith.index_cast %swap3A_173 : i32 to index
      %swap3A_175 = arith.constant 192 : index
      %swap3A_176 = tpu.vector_load %arg8[%swap3A_174, %swap3A_175] {strides = array<i32>} : memref<2x320xf32, #tpu.memory_space<vmem>>, vector<1x16xf32>,
      %swap3A_177 = vector.shape_cast %swap3A_176 : vector<1x16xf32> to vector<16xf32>
      %swap3A_178 = vector.shape_cast %get3A_172 : vector<16xf32> to vector<1x16xf32>
      tpu.vector_store %arg8[%swap3A_174, %swap3A_175], %swap3A_178 {strides = array<i32>} : memref<2x320xf32, #tpu.memory_space<vmem>>, vector<1x16xf32>,
      %get3A_179 = arith.constant 208 : index
      %get3A_180 = tpu.vector_load %arg7[%get3A_179] {strides = array<i32>} : memref<600xf32, #tpu.memory_space<vmem>>, vector<16xf32>,
      %get3A_181 = vector.shape_cast %get3A_180 : vector<16xf32> to vector<16xf32>
      %swap3A_182 = arith.constant 0 : i32
      %swap3A_183 = arith.index_cast %swap3A_182 : i32 to index
      %swap3A_184 = arith.constant 208 : index
      %swap3A_185 = tpu.vector_load %arg8[%swap3A_183, %swap3A_184] {strides = array<i32>} : memref<2x320xf32, #tpu.memory_space<vmem>>, vector<1x16xf32>,
      %swap3A_186 = vector.shape_cast %swap3A_185 : vector<1x16xf32> to vector<16xf32>
      %swap3A_187 = vector.shape_cast %get3A_181 : vector<16xf32> to vector<1x16xf32>
      tpu.vector_store %arg8[%swap3A_183, %swap3A_184], %swap3A_187 {strides = array<i32>} : memref<2x320xf32, #tpu.memory_space<vmem>>, vector<1x16xf32>,
      %get3A_188 = arith.constant 224 : index
      %get3A_189 = tpu.vector_load %arg7[%get3A_188] {strides = array<i32>} : memref<600xf32, #tpu.memory_space<vmem>>, vector<16xf32>,
      %get3A_190 = vector.shape_cast %get3A_189 : vector<16xf32> to vector<16xf32>
      %swap3A_191 = arith.constant 0 : i32
      %swap3A_192 = arith.index_cast %swap3A_191 : i32 to index
      %swap3A_193 = arith.constant 224 : index
      %swap3A_194 = tpu.vector_load %arg8[%swap3A_192, %swap3A_193] {strides = array<i32>} : memref<2x320xf32, #tpu.memory_space<vmem>>, vector<1x16xf32>,
      %swap3A_195 = vector.shape_cast %swap3A_194 : vector<1x16xf32> to vector<16xf32>
      %swap3A_196 = vector.shape_cast %get3A_190 : vector<16xf32> to vector<1x16xf32>
      tpu.vector_store %arg8[%swap3A_192, %swap3A_193], %swap3A_196 {strides = array<i32>} : memref<2x320xf32, #tpu.memory_space<vmem>>, vector<1x16xf32>,
      %get3A_197 = arith.constant 240 : index
      %get3A_198 = tpu.vector_load %arg7[%get3A_197] {strides = array<i32>} : memref<600xf32, #tpu.memory_space<vmem>>, vector<16xf32>,
      %get3A_199 = vector.shape_cast %get3A_198 : vector<16xf32> to vector<16xf32>
      %swap3A_200 = arith.constant 0 : i32
      %swap3A_201 = arith.index_cast %swap3A_200 : i32 to index
      %swap3A_202 = arith.constant 240 : index
      %swap3A_203 = tpu.vector_load %arg8[%swap3A_201, %swap3A_202] {strides = array<i32>} : memref<2x320xf32, #tpu.memory_space<vmem>>, vector<1x16xf32>,
      %swap3A_204 = vector.shape_cast %swap3A_203 : vector<1x16xf32> to vector<16xf32>
      %swap3A_205 = vector.shape_cast %get3A_199 : vector<16xf32> to vector<1x16xf32>
      tpu.vector_store %arg8[%swap3A_201, %swap3A_202], %swap3A_205 {strides = array<i32>} : memref<2x320xf32, #tpu.memory_space<vmem>>, vector<1x16xf32>,
      %get3A_206 = arith.constant 256 : index
      %get3A_207 = tpu.vector_load %arg7[%get3A_206] {strides = array<i32>} : memref<600xf32, #tpu.memory_space<vmem>>, vector<16xf32>,
      %get3A_208 = vector.shape_cast %get3A_207 : vector<16xf32> to vector<16xf32>
      %swap3A_209 = arith.constant 0 : i32
      %swap3A_210 = arith.index_cast %swap3A_209 : i32 to index
      %swap3A_211 = arith.constant 256 : index
      %swap3A_212 = tpu.vector_load %arg8[%swap3A_210, %swap3A_211] {strides = array<i32>} : memref<2x320xf32, #tpu.memory_space<vmem>>, vector<1x16xf32>,
      %swap3A_213 = vector.shape_cast %swap3A_212 : vector<1x16xf32> to vector<16xf32>
      %swap3A_214 = vector.shape_cast %get3A_208 : vector<16xf32> to vector<1x16xf32>
      tpu.vector_store %arg8[%swap3A_210, %swap3A_211], %swap3A_214 {strides = array<i32>} : memref<2x320xf32, #tpu.memory_space<vmem>>, vector<1x16xf32>,
      %get3A_215 = arith.constant 272 : index
      %get3A_216 = tpu.vector_load %arg7[%get3A_215] {strides = array<i32>} : memref<600xf32, #tpu.memory_space<vmem>>, vector<16xf32>,
      %get3A_217 = vector.shape_cast %get3A_216 : vector<16xf32> to vector<16xf32>
      %swap3A_218 = arith.constant 0 : i32
      %swap3A_219 = arith.index_cast %swap3A_218 : i32 to index
      %swap3A_220 = arith.constant 272 : index
      %swap3A_221 = tpu.vector_load %arg8[%swap3A_219, %swap3A_220] {strides = array<i32>} : memref<2x320xf32, #tpu.memory_space<vmem>>, vector<1x16xf32>,
      %swap3A_222 = vector.shape_cast %swap3A_221 : vector<1x16xf32> to vector<16xf32>
      %swap3A_223 = vector.shape_cast %get3A_217 : vector<16xf32> to vector<1x16xf32>
      tpu.vector_store %arg8[%swap3A_219, %swap3A_220], %swap3A_223 {strides = array<i32>} : memref<2x320xf32, #tpu.memory_space<vmem>>, vector<1x16xf32>,
      %get3A_224 = arith.constant 284 : index
      %get3A_225 = tpu.vector_load %arg7[%get3A_224] {strides = array<i32>} : memref<600xf32, #tpu.memory_space<vmem>>, vector<16xf32>,
      %get3A_226 = vector.shape_cast %get3A_225 : vector<16xf32> to vector<16xf32>
      %swap3A_227 = arith.constant 0 : i32
      %swap3A_228 = arith.index_cast %swap3A_227 : i32 to index
      %swap3A_229 = arith.constant 284 : index
      %swap3A_230 = tpu.vector_load %arg8[%swap3A_228, %swap3A_229] {strides = array<i32>} : memref<2x320xf32, #tpu.memory_space<vmem>>, vector<1x16xf32>,
      %swap3A_231 = vector.shape_cast %swap3A_230 : vector<1x16xf32> to vector<16xf32>
      %swap3A_232 = vector.shape_cast %get3A_226 : vector<16xf32> to vector<1x16xf32>
      tpu.vector_store %arg8[%swap3A_228, %swap3A_229], %swap3A_232 {strides = array<i32>} : memref<2x320xf32, #tpu.memory_space<vmem>>, vector<1x16xf32>,
      %get3A_233 = arith.constant 300 : index
      %get3A_234 = tpu.vector_load %arg7[%get3A_233] {strides = array<i32>} : memref<600xf32, #tpu.memory_space<vmem>>, vector<16xf32>,
      %get3A_235 = vector.shape_cast %get3A_234 : vector<16xf32> to vector<16xf32>
      %swap3A_236 = arith.constant 1 : i32
      %swap3A_237 = arith.index_cast %swap3A_236 : i32 to index
      %swap3A_238 = arith.constant 0 : index
      %swap3A_239 = tpu.vector_load %arg8[%swap3A_237, %swap3A_238] {strides = array<i32>} : memref<2x320xf32, #tpu.memory_space<vmem>>, vector<1x16xf32>,
      %swap3A_240 = vector.shape_cast %swap3A_239 : vector<1x16xf32> to vector<16xf32>
      %swap3A_241 = vector.shape_cast %get3A_235 : vector<16xf32> to vector<1x16xf32>
      tpu.vector_store %arg8[%swap3A_237, %swap3A_238], %swap3A_241 {strides = array<i32>} : memref<2x320xf32, #tpu.memory_space<vmem>>, vector<1x16xf32>,
      %get3A_242 = arith.constant 316 : index
      %get3A_243 = tpu.vector_load %arg7[%get3A_242] {strides = array<i32>} : memref<600xf32, #tpu.memory_space<vmem>>, vector<16xf32>,
      %get3A_244 = vector.shape_cast %get3A_243 : vector<16xf32> to vector<16xf32>
      %swap3A_245 = arith.constant 1 : i32
      %swap3A_246 = arith.index_cast %swap3A_245 : i32 to index
      %swap3A_247 = arith.constant 16 : index
      %swap3A_248 = tpu.vector_load %arg8[%swap3A_246, %swap3A_247] {strides = array<i32>} : memref<2x320xf32, #tpu.memory_space<vmem>>, vector<1x16xf32>,
      %swap3A_249 = vector.shape_cast %swap3A_248 : vector<1x16xf32> to vector<16xf32>
      %swap3A_250 = vector.shape_cast %get3A_244 : vector<16xf32> to vector<1x16xf32>
      tpu.vector_store %arg8[%swap3A_246, %swap3A_247], %swap3A_250 {strides = array<i32>} : memref<2x320xf32, #tpu.memory_space<vmem>>, vector<1x16xf32>,
      %get3A_251 = arith.constant 332 : index
      %get3A_252 = tpu.vector_load %arg7[%get3A_251] {strides = array<i32>} : memref<600xf32, #tpu.memory_space<vmem>>, vector<16xf32>,
      %get3A_253 = vector.shape_cast %get3A_252 : vector<16xf32> to vector<16xf32>
      %swap3A_254 = arith.constant 1 : i32
      %swap3A_255 = arith.index_cast %swap3A_254 : i32 to index
      %swap3A_256 = arith.constant 32 : index
      %swap3A_257 = tpu.vector_load %arg8[%swap3A_255, %swap3A_256] {strides = array<i32>} : memref<2x320xf32, #tpu.memory_space<vmem>>, vector<1x16xf32>,
      %swap3A_258 = vector.shape_cast %swap3A_257 : vector<1x16xf32> to vector<16xf32>
      %swap3A_259 = vector.shape_cast %get3A_253 : vector<16xf32> to vector<1x16xf32>
      tpu.vector_store %arg8[%swap3A_255, %swap3A_256], %swap3A_259 {strides = array<i32>} : memref<2x320xf32, #tpu.memory_space<vmem>>, vector<1x16xf32>,
      %get3A_260 = arith.constant 348 : index
      %get3A_261 = tpu.vector_load %arg7[%get3A_260] {strides = array<i32>} : memref<600xf32, #tpu.memory_space<vmem>>, vector<16xf32>,
      %get3A_262 = vector.shape_cast %get3A_261 : vector<16xf32> to vector<16xf32>
      %swap3A_263 = arith.constant 1 : i32
      %swap3A_264 = arith.index_cast %swap3A_263 : i32 to index
      %swap3A_265 = arith.constant 48 : index
      %swap3A_266 = tpu.vector_load %arg8[%swap3A_264, %swap3A_265] {strides = array<i32>} : memref<2x320xf32, #tpu.memory_space<vmem>>, vector<1x16xf32>,
      %swap3A_267 = vector.shape_cast %swap3A_266 : vector<1x16xf32> to vector<16xf32>
      %swap3A_268 = vector.shape_cast %get3A_262 : vector<16xf32> to vector<1x16xf32>
      tpu.vector_store %arg8[%swap3A_264, %swap3A_265], %swap3A_268 {strides = array<i32>} : memref<2x320xf32, #tpu.memory_space<vmem>>, vector<1x16xf32>,
      %get3A_269 = arith.constant 364 : index
      %get3A_270 = tpu.vector_load %arg7[%get3A_269] {strides = array<i32>} : memref<600xf32, #tpu.memory_space<vmem>>, vector<16xf32>,
      %get3A_271 = vector.shape_cast %get3A_270 : vector<16xf32> to vector<16xf32>
      %swap3A_272 = arith.constant 1 : i32
      %swap3A_273 = arith.index_cast %swap3A_272 : i32 to index
      %swap3A_274 = arith.constant 64 : index
      %swap3A_275 = tpu.vector_load %arg8[%swap3A_273, %swap3A_274] {strides = array<i32>} : memref<2x320xf32, #tpu.memory_space<vmem>>, vector<1x16xf32>,
      %swap3A_276 = vector.shape_cast %swap3A_275 : vector<1x16xf32> to vector<16xf32>
      %swap3A_277 = vector.shape_cast %get3A_271 : vector<16xf32> to vector<1x16xf32>
      tpu.vector_store %arg8[%swap3A_273, %swap3A_274], %swap3A_277 {strides = array<i32>} : memref<2x320xf32, #tpu.memory_space<vmem>>, vector<1x16xf32>,
      %get3A_278 = arith.constant 380 : index
      %get3A_279 = tpu.vector_load %arg7[%get3A_278] {strides = array<i32>} : memref<600xf32, #tpu.memory_space<vmem>>, vector<16xf32>,
      %get3A_280 = vector.shape_cast %get3A_279 : vector<16xf32> to vector<16xf32>
      %swap3A_281 = arith.constant 1 : i32
      %swap3A_282 = arith.index_cast %swap3A_281 : i32 to index
      %swap3A_283 = arith.constant 80 : index
      %swap3A_284 = tpu.vector_load %arg8[%swap3A_282, %swap3A_283] {strides = array<i32>} : memref<2x320xf32, #tpu.memory_space<vmem>>, vector<1x16xf32>,
      %swap3A_285 = vector.shape_cast %swap3A_284 : vector<1x16xf32> to vector<16xf32>
      %swap3A_286 = vector.shape_cast %get3A_280 : vector<16xf32> to vector<1x16xf32>
      tpu.vector_store %arg8[%swap3A_282, %swap3A_283], %swap3A_286 {strides = array<i32>} : memref<2x320xf32, #tpu.memory_space<vmem>>, vector<1x16xf32>,
      %get3A_287 = arith.constant 396 : index
      %get3A_288 = tpu.vector_load %arg7[%get3A_287] {strides = array<i32>} : memref<600xf32, #tpu.memory_space<vmem>>, vector<16xf32>,
      %get3A_289 = vector.shape_cast %get3A_288 : vector<16xf32> to vector<16xf32>
      %swap3A_290 = arith.constant 1 : i32
      %swap3A_291 = arith.index_cast %swap3A_290 : i32 to index
      %swap3A_292 = arith.constant 96 : index
      %swap3A_293 = tpu.vector_load %arg8[%swap3A_291, %swap3A_292] {strides = array<i32>} : memref<2x320xf32, #tpu.memory_space<vmem>>, vector<1x16xf32>,
      %swap3A_294 = vector.shape_cast %swap3A_293 : vector<1x16xf32> to vector<16xf32>
      %swap3A_295 = vector.shape_cast %get3A_289 : vector<16xf32> to vector<1x16xf32>
      tpu.vector_store %arg8[%swap3A_291, %swap3A_292], %swap3A_295 {strides = array<i32>} : memref<2x320xf32, #tpu.memory_space<vmem>>, vector<1x16xf32>,
      %get3A_296 = arith.constant 412 : index
      %get3A_297 = tpu.vector_load %arg7[%get3A_296] {strides = array<i32>} : memref<600xf32, #tpu.memory_space<vmem>>, vector<16xf32>,
      %get3A_298 = vector.shape_cast %get3A_297 : vector<16xf32> to vector<16xf32>
      %swap3A_299 = arith.constant 1 : i32
      %swap3A_300 = arith.index_cast %swap3A_299 : i32 to index
      %swap3A_301 = arith.constant 112 : index
      %swap3A_302 = tpu.vector_load %arg8[%swap3A_300, %swap3A_301] {strides = array<i32>} : memref<2x320xf32, #tpu.memory_space<vmem>>, vector<1x16xf32>,
      %swap3A_303 = vector.shape_cast %swap3A_302 : vector<1x16xf32> to vector<16xf32>
      %swap3A_304 = vector.shape_cast %get3A_298 : vector<16xf32> to vector<1x16xf32>
      tpu.vector_store %arg8[%swap3A_300, %swap3A_301], %swap3A_304 {strides = array<i32>} : memref<2x320xf32, #tpu.memory_space<vmem>>, vector<1x16xf32>,
      %get3A_305 = arith.constant 428 : index
      %get3A_306 = tpu.vector_load %arg7[%get3A_305] {strides = array<i32>} : memref<600xf32, #tpu.memory_space<vmem>>, vector<16xf32>,
      %get3A_307 = vector.shape_cast %get3A_306 : vector<16xf32> to vector<16xf32>
      %swap3A_308 = arith.constant 1 : i32
      %swap3A_309 = arith.index_cast %swap3A_308 : i32 to index
      %swap3A_310 = arith.constant 128 : index
      %swap3A_311 = tpu.vector_load %arg8[%swap3A_309, %swap3A_310] {strides = array<i32>} : memref<2x320xf32, #tpu.memory_space<vmem>>, vector<1x16xf32>,
      %swap3A_312 = vector.shape_cast %swap3A_311 : vector<1x16xf32> to vector<16xf32>
      %swap3A_313 = vector.shape_cast %get3A_307 : vector<16xf32> to vector<1x16xf32>
      tpu.vector_store %arg8[%swap3A_309, %swap3A_310], %swap3A_313 {strides = array<i32>} : memref<2x320xf32, #tpu.memory_space<vmem>>, vector<1x16xf32>,
      %get3A_314 = arith.constant 444 : index
      %get3A_315 = tpu.vector_load %arg7[%get3A_314] {strides = array<i32>} : memref<600xf32, #tpu.memory_space<vmem>>, vector<16xf32>,
      %get3A_316 = vector.shape_cast %get3A_315 : vector<16xf32> to vector<16xf32>
      %swap3A_317 = arith.constant 1 : i32
      %swap3A_318 = arith.index_cast %swap3A_317 : i32 to index
      %swap3A_319 = arith.constant 144 : index
      %swap3A_320 = tpu.vector_load %arg8[%swap3A_318, %swap3A_319] {strides = array<i32>} : memref<2x320xf32, #tpu.memory_space<vmem>>, vector<1x16xf32>,
      %swap3A_321 = vector.shape_cast %swap3A_320 : vector<1x16xf32> to vector<16xf32>
      %swap3A_322 = vector.shape_cast %get3A_316 : vector<16xf32> to vector<1x16xf32>
      tpu.vector_store %arg8[%swap3A_318, %swap3A_319], %swap3A_322 {strides = array<i32>} : memref<2x320xf32, #tpu.memory_space<vmem>>, vector<1x16xf32>,
      %get3A_323 = arith.constant 460 : index
      %get3A_324 = tpu.vector_load %arg7[%get3A_323] {strides = array<i32>} : memref<600xf32, #tpu.memory_space<vmem>>, vector<16xf32>,
      %get3A_325 = vector.shape_cast %get3A_324 : vector<16xf32> to vector<16xf32>
      %swap3A_326 = arith.constant 1 : i32
      %swap3A_327 = arith.index_cast %swap3A_326 : i32 to index
      %swap3A_328 = arith.constant 160 : index
      %swap3A_329 = tpu.vector_load %arg8[%swap3A_327, %swap3A_328] {strides = array<i32>} : memref<2x320xf32, #tpu.memory_space<vmem>>, vector<1x16xf32>,
      %swap3A_330 = vector.shape_cast %swap3A_329 : vector<1x16xf32> to vector<16xf32>
      %swap3A_331 = vector.shape_cast %get3A_325 : vector<16xf32> to vector<1x16xf32>
      tpu.vector_store %arg8[%swap3A_327, %swap3A_328], %swap3A_331 {strides = array<i32>} : memref<2x320xf32, #tpu.memory_space<vmem>>, vector<1x16xf32>,
      %get3A_332 = arith.constant 476 : index
      %get3A_333 = tpu.vector_load %arg7[%get3A_332] {strides = array<i32>} : memref<600xf32, #tpu.memory_space<vmem>>, vector<16xf32>,
      %get3A_334 = vector.shape_cast %get3A_333 : vector<16xf32> to vector<16xf32>
      %swap3A_335 = arith.constant 1 : i32
      %swap3A_336 = arith.index_cast %swap3A_335 : i32 to index
      %swap3A_337 = arith.constant 176 : index
      %swap3A_338 = tpu.vector_load %arg8[%swap3A_336, %swap3A_337] {strides = array<i32>} : memref<2x320xf32, #tpu.memory_space<vmem>>, vector<1x16xf32>,
      %swap3A_339 = vector.shape_cast %swap3A_338 : vector<1x16xf32> to vector<16xf32>
      %swap3A_340 = vector.shape_cast %get3A_334 : vector<16xf32> to vector<1x16xf32>
      tpu.vector_store %arg8[%swap3A_336, %swap3A_337], %swap3A_340 {strides = array<i32>} : memref<2x320xf32, #tpu.memory_space<vmem>>, vector<1x16xf32>,
      %get3A_341 = arith.constant 492 : index
      %get3A_342 = tpu.vector_load %arg7[%get3A_341] {strides = array<i32>} : memref<600xf32, #tpu.memory_space<vmem>>, vector<16xf32>,
      %get3A_343 = vector.shape_cast %get3A_342 : vector<16xf32> to vector<16xf32>
      %swap3A_344 = arith.constant 1 : i32
      %swap3A_345 = arith.index_cast %swap3A_344 : i32 to index
      %swap3A_346 = arith.constant 192 : index
      %swap3A_347 = tpu.vector_load %arg8[%swap3A_345, %swap3A_346] {strides = array<i32>} : memref<2x320xf32, #tpu.memory_space<vmem>>, vector<1x16xf32>,
      %swap3A_348 = vector.shape_cast %swap3A_347 : vector<1x16xf32> to vector<16xf32>
      %swap3A_349 = vector.shape_cast %get3A_343 : vector<16xf32> to vector<1x16xf32>
      tpu.vector_store %arg8[%swap3A_345, %swap3A_346], %swap3A_349 {strides = array<i32>} : memref<2x320xf32, #tpu.memory_space<vmem>>, vector<1x16xf32>,
      %get3A_350 = arith.constant 508 : index
      %get3A_351 = tpu.vector_load %arg7[%get3A_350] {strides = array<i32>} : memref<600xf32, #tpu.memory_space<vmem>>, vector<16xf32>,
      %get3A_352 = vector.shape_cast %get3A_351 : vector<16xf32> to vector<16xf32>
      %swap3A_353 = arith.constant 1 : i32
      %swap3A_354 = arith.index_cast %swap3A_353 : i32 to index
      %swap3A_355 = arith.constant 208 : index
      %swap3A_356 = tpu.vector_load %arg8[%swap3A_354, %swap3A_355] {strides = array<i32>} : memref<2x320xf32, #tpu.memory_space<vmem>>, vector<1x16xf32>,
      %swap3A_357 = vector.shape_cast %swap3A_356 : vector<1x16xf32> to vector<16xf32>
      %swap3A_358 = vector.shape_cast %get3A_352 : vector<16xf32> to vector<1x16xf32>
      tpu.vector_store %arg8[%swap3A_354, %swap3A_355], %swap3A_358 {strides = array<i32>} : memref<2x320xf32, #tpu.memory_space<vmem>>, vector<1x16xf32>,
      %get3A_359 = arith.constant 524 : index
      %get3A_360 = tpu.vector_load %arg7[%get3A_359] {strides = array<i32>} : memref<600xf32, #tpu.memory_space<vmem>>, vector<16xf32>,
      %get3A_361 = vector.shape_cast %get3A_360 : vector<16xf32> to vector<16xf32>
      %swap3A_362 = arith.constant 1 : i32
      %swap3A_363 = arith.index_cast %swap3A_362 : i32 to index
      %swap3A_364 = arith.constant 224 : index
      %swap3A_365 = tpu.vector_load %arg8[%swap3A_363, %swap3A_364] {strides = array<i32>} : memref<2x320xf32, #tpu.memory_space<vmem>>, vector<1x16xf32>,
      %swap3A_366 = vector.shape_cast %swap3A_365 : vector<1x16xf32> to vector<16xf32>
      %swap3A_367 = vector.shape_cast %get3A_361 : vector<16xf32> to vector<1x16xf32>
      tpu.vector_store %arg8[%swap3A_363, %swap3A_364], %swap3A_367 {strides = array<i32>} : memref<2x320xf32, #tpu.memory_space<vmem>>, vector<1x16xf32>,
      %get3A_368 = arith.constant 540 : index
      %get3A_369 = tpu.vector_load %arg7[%get3A_368] {strides = array<i32>} : memref<600xf32, #tpu.memory_space<vmem>>, vector<16xf32>,
      %get3A_370 = vector.shape_cast %get3A_369 : vector<16xf32> to vector<16xf32>
      %swap3A_371 = arith.constant 1 : i32
      %swap3A_372 = arith.index_cast %swap3A_371 : i32 to index
      %swap3A_373 = arith.constant 240 : index
      %swap3A_374 = tpu.vector_load %arg8[%swap3A_372, %swap3A_373] {strides = array<i32>} : memref<2x320xf32, #tpu.memory_space<vmem>>, vector<1x16xf32>,
      %swap3A_375 = vector.shape_cast %swap3A_374 : vector<1x16xf32> to vector<16xf32>
      %swap3A_376 = vector.shape_cast %get3A_370 : vector<16xf32> to vector<1x16xf32>
      tpu.vector_store %arg8[%swap3A_372, %swap3A_373], %swap3A_376 {strides = array<i32>} : memref<2x320xf32, #tpu.memory_space<vmem>>, vector<1x16xf32>,
      %get3A_377 = arith.constant 556 : index
      %get3A_378 = tpu.vector_load %arg7[%get3A_377] {strides = array<i32>} : memref<600xf32, #tpu.memory_space<vmem>>, vector<16xf32>,
      %get3A_379 = vector.shape_cast %get3A_378 : vector<16xf32> to vector<16xf32>
      %swap3A_380 = arith.constant 1 : i32
      %swap3A_381 = arith.index_cast %swap3A_380 : i32 to index
      %swap3A_382 = arith.constant 256 : index
      %swap3A_383 = tpu.vector_load %arg8[%swap3A_381, %swap3A_382] {strides = array<i32>} : memref<2x320xf32, #tpu.memory_space<vmem>>, vector<1x16xf32>,
      %swap3A_384 = vector.shape_cast %swap3A_383 : vector<1x16xf32> to vector<16xf32>
      %swap3A_385 = vector.shape_cast %get3A_379 : vector<16xf32> to vector<1x16xf32>
      tpu.vector_store %arg8[%swap3A_381, %swap3A_382], %swap3A_385 {strides = array<i32>} : memref<2x320xf32, #tpu.memory_space<vmem>>, vector<1x16xf32>,
      %get3A_386 = arith.constant 572 : index
      %get3A_387 = tpu.vector_load %arg7[%get3A_386] {strides = array<i32>} : memref<600xf32, #tpu.memory_space<vmem>>, vector<16xf32>,
      %get3A_388 = vector.shape_cast %get3A_387 : vector<16xf32> to vector<16xf32>
      %swap3A_389 = arith.constant 1 : i32
      %swap3A_390 = arith.index_cast %swap3A_389 : i32 to index
      %swap3A_391 = arith.constant 272 : index
      %swap3A_392 = tpu.vector_load %arg8[%swap3A_390, %swap3A_391] {strides = array<i32>} : memref<2x320xf32, #tpu.memory_space<vmem>>, vector<1x16xf32>,
      %swap3A_393 = vector.shape_cast %swap3A_392 : vector<1x16xf32> to vector<16xf32>
      %swap3A_394 = vector.shape_cast %get3A_388 : vector<16xf32> to vector<1x16xf32>
      tpu.vector_store %arg8[%swap3A_390, %swap3A_391], %swap3A_394 {strides = array<i32>} : memref<2x320xf32, #tpu.memory_space<vmem>>, vector<1x16xf32>,
      %get3A_395 = arith.constant 584 : index
      %get3A_396 = tpu.vector_load %arg7[%get3A_395] {strides = array<i32>} : memref<600xf32, #tpu.memory_space<vmem>>, vector<16xf32>,
      %get3A_397 = vector.shape_cast %get3A_396 : vector<16xf32> to vector<16xf32>
      %swap3A_398 = arith.constant 1 : i32
      %swap3A_399 = arith.index_cast %swap3A_398 : i32 to index
      %swap3A_400 = arith.constant 284 : index
      %swap3A_401 = tpu.vector_load %arg8[%swap3A_399, %swap3A_400] {strides = array<i32>} : memref<2x320xf32, #tpu.memory_space<vmem>>, vector<1x16xf32>,
      %swap3A_402 = vector.shape_cast %swap3A_401 : vector<1x16xf32> to vector<16xf32>
      %swap3A_403 = vector.shape_cast %get3A_397 : vector<16xf32> to vector<1x16xf32>
      tpu.vector_store %arg8[%swap3A_399, %swap3A_400], %swap3A_403 {strides = array<i32>} : memref<2x320xf32, #tpu.memory_space<vmem>>, vector<1x16xf32>,
      %mul3A_404 = arith.constant 2 : i32
      %mul3A_405 = arith.muli %mul3A_404, %add3A_59 : i32
      "tpu.region"() ({
        %run_scoped3A = tpu.sem_alloc : memref<!tpu.dma_semaphore, #tpu.memory_space<semaphore_mem>>
        %dma_start3A_406 = arith.constant 0 : i32
        %dma_start3A_407 = tpu.memref_slice %arg5[%mul3A_405, %dma_start3A_406] : memref<1002x320xf32, #tpu.memory_space<hbm>> -> memref<2x320xf32, #tpu.memory_space<hbm>>
        %dma_start3A_408 = arith.constant 0 : i32
        %dma_start3A_409 = tpu.memref_slice %arg5[%mul3A_405, %dma_start3A_408] : memref<1002x320xf32, #tpu.memory_space<hbm>> -> memref<2x320xf32, #tpu.memory_space<hbm>>
        tpu.enqueue_dma source(%arg8 : memref<2x320xf32, #tpu.memory_space<vmem>>) target(%dma_start3A_409 : memref<2x320xf32, #tpu.memory_space<hbm>>) target_semaphore(%run_scoped3A : memref<!tpu.dma_semaphore, #tpu.memory_space<semaphore_mem>>)
        %dma_wait3A_410 = arith.constant 0 : i32
        %dma_wait3A_411 = tpu.memref_slice %arg5[%mul3A_405, %dma_wait3A_410] : memref<1002x320xf32, #tpu.memory_space<hbm>> -> memref<2x320xf32, #tpu.memory_space<hbm>>
        %dma_wait3A_412 = arith.constant 0 : i32
        %dma_wait3A_413 = tpu.memref_slice %arg5[%mul3A_405, %dma_wait3A_412] : memref<1002x320xf32, #tpu.memory_space<hbm>> -> memref<2x320xf32, #tpu.memory_space<hbm>>
        tpu.wait_dma2 semaphore(%run_scoped3A : memref<!tpu.dma_semaphore, #tpu.memory_space<semaphore_mem>>) src(%arg8 : memref<2x320xf32, #tpu.memory_space<vmem>>) dst(%dma_wait3A_413 : memref<2x320xf32, #tpu.memory_space<hbm>>)
        tpu.yield
      }) : () -> ()
    }
    %while3A_35 = arith.constant 1 : i32
    scf.for %while3A_56 = %while3A_33 to %while3A_29 step %while3A_35  : i32 {
      %mul3A_57 = arith.constant 16 : i32
      %mul3A_58 = arith.muli %while3A_56, %mul3A_57 : i32
      %add3A_59 = arith.addi %arg1, %mul3A_58 : i32
      %mul3A_60 = arith.constant 2 : i32
      %mul3A_61 = arith.muli %add3A_59, %mul3A_60 : i32
      %mul3A_62 = arith.constant 300 : i32
      %mul3A_63 = arith.muli %mul3A_61, %mul3A_62 : i32
      "tpu.region"() ({
        %run_scoped3A = tpu.sem_alloc : memref<!tpu.dma_semaphore, #tpu.memory_space<semaphore_mem>>
        %dma_start3A_406 = tpu.memref_slice %arg3[%mul3A_63] : memref<300600xf32, #tpu.memory_space<hbm>> -> memref<600xf32, #tpu.memory_space<hbm>>
        %dma_start3A_407 = tpu.memref_slice %arg3[%mul3A_63] : memref<300600xf32, #tpu.memory_space<hbm>> -> memref<600xf32, #tpu.memory_space<hbm>>
        tpu.enqueue_dma source(%dma_start3A_407 : memref<600xf32, #tpu.memory_space<hbm>>) target(%arg7 : memref<600xf32, #tpu.memory_space<vmem>>) target_semaphore(%run_scoped3A : memref<!tpu.dma_semaphore, #tpu.memory_space<semaphore_mem>>)
        %dma_wait3A_408 = tpu.memref_slice %arg3[%mul3A_63] : memref<300600xf32, #tpu.memory_space<hbm>> -> memref<600xf32, #tpu.memory_space<hbm>>
        %dma_wait3A_409 = tpu.memref_slice %arg3[%mul3A_63] : memref<300600xf32, #tpu.memory_space<hbm>> -> memref<600xf32, #tpu.memory_space<hbm>>
        tpu.wait_dma2 semaphore(%run_scoped3A : memref<!tpu.dma_semaphore, #tpu.memory_space<semaphore_mem>>) src(%dma_wait3A_409 : memref<600xf32, #tpu.memory_space<hbm>>) dst(%arg7 : memref<600xf32, #tpu.memory_space<vmem>>)
        tpu.yield
      }) : () -> ()
      %get3A = arith.constant 0 : index
      %get3A_64 = tpu.vector_load %arg7[%get3A] {strides = array<i32>} : memref<600xf32, #tpu.memory_space<vmem>>, vector<16xf32>,
      %get3A_65 = vector.shape_cast %get3A_64 : vector<16xf32> to vector<16xf32>
      %swap3A = arith.constant 0 : i32
      %swap3A_66 = arith.index_cast %swap3A : i32 to index
      %swap3A_67 = arith.constant 0 : index
      %swap3A_68 = tpu.vector_load %arg8[%swap3A_66, %swap3A_67] {strides = array<i32>} : memref<2x320xf32, #tpu.memory_space<vmem>>, vector<1x16xf32>,
      %swap3A_69 = vector.shape_cast %swap3A_68 : vector<1x16xf32> to vector<16xf32>
      %swap3A_70 = vector.shape_cast %get3A_65 : vector<16xf32> to vector<1x16xf32>
      tpu.vector_store %arg8[%swap3A_66, %swap3A_67], %swap3A_70 {strides = array<i32>} : memref<2x320xf32, #tpu.memory_space<vmem>>, vector<1x16xf32>,
      %get3A_71 = arith.constant 16 : index
      %get3A_72 = tpu.vector_load %arg7[%get3A_71] {strides = array<i32>} : memref<600xf32, #tpu.memory_space<vmem>>, vector<16xf32>,
      %get3A_73 = vector.shape_cast %get3A_72 : vector<16xf32> to vector<16xf32>
      %swap3A_74 = arith.constant 0 : i32
      %swap3A_75 = arith.index_cast %swap3A_74 : i32 to index
      %swap3A_76 = arith.constant 16 : index
      %swap3A_77 = tpu.vector_load %arg8[%swap3A_75, %swap3A_76] {strides = array<i32>} : memref<2x320xf32, #tpu.memory_space<vmem>>, vector<1x16xf32>,
      %swap3A_78 = vector.shape_cast %swap3A_77 : vector<1x16xf32> to vector<16xf32>
      %swap3A_79 = vector.shape_cast %get3A_73 : vector<16xf32> to vector<1x16xf32>
      tpu.vector_store %arg8[%swap3A_75, %swap3A_76], %swap3A_79 {strides = array<i32>} : memref<2x320xf32, #tpu.memory_space<vmem>>, vector<1x16xf32>,
      %get3A_80 = arith.constant 32 : index
      %get3A_81 = tpu.vector_load %arg7[%get3A_80] {strides = array<i32>} : memref<600xf32, #tpu.memory_space<vmem>>, vector<16xf32>,
      %get3A_82 = vector.shape_cast %get3A_81 : vector<16xf32> to vector<16xf32>
      %swap3A_83 = arith.constant 0 : i32
      %swap3A_84 = arith.index_cast %swap3A_83 : i32 to index
      %swap3A_85 = arith.constant 32 : index
      %swap3A_86 = tpu.vector_load %arg8[%swap3A_84, %swap3A_85] {strides = array<i32>} : memref<2x320xf32, #tpu.memory_space<vmem>>, vector<1x16xf32>,
      %swap3A_87 = vector.shape_cast %swap3A_86 : vector<1x16xf32> to vector<16xf32>
      %swap3A_88 = vector.shape_cast %get3A_82 : vector<16xf32> to vector<1x16xf32>
      tpu.vector_store %arg8[%swap3A_84, %swap3A_85], %swap3A_88 {strides = array<i32>} : memref<2x320xf32, #tpu.memory_space<vmem>>, vector<1x16xf32>,
      %get3A_89 = arith.constant 48 : index
      %get3A_90 = tpu.vector_load %arg7[%get3A_89] {strides = array<i32>} : memref<600xf32, #tpu.memory_space<vmem>>, vector<16xf32>,
      %get3A_91 = vector.shape_cast %get3A_90 : vector<16xf32> to vector<16xf32>
      %swap3A_92 = arith.constant 0 : i32
      %swap3A_93 = arith.index_cast %swap3A_92 : i32 to index
      %swap3A_94 = arith.constant 48 : index
      %swap3A_95 = tpu.vector_load %arg8[%swap3A_93, %swap3A_94] {strides = array<i32>} : memref<2x320xf32, #tpu.memory_space<vmem>>, vector<1x16xf32>,
      %swap3A_96 = vector.shape_cast %swap3A_95 : vector<1x16xf32> to vector<16xf32>
      %swap3A_97 = vector.shape_cast %get3A_91 : vector<16xf32> to vector<1x16xf32>
      tpu.vector_store %arg8[%swap3A_93, %swap3A_94], %swap3A_97 {strides = array<i32>} : memref<2x320xf32, #tpu.memory_space<vmem>>, vector<1x16xf32>,
      %get3A_98 = arith.constant 64 : index
      %get3A_99 = tpu.vector_load %arg7[%get3A_98] {strides = array<i32>} : memref<600xf32, #tpu.memory_space<vmem>>, vector<16xf32>,
      %get3A_100 = vector.shape_cast %get3A_99 : vector<16xf32> to vector<16xf32>
      %swap3A_101 = arith.constant 0 : i32
      %swap3A_102 = arith.index_cast %swap3A_101 : i32 to index
      %swap3A_103 = arith.constant 64 : index
      %swap3A_104 = tpu.vector_load %arg8[%swap3A_102, %swap3A_103] {strides = array<i32>} : memref<2x320xf32, #tpu.memory_space<vmem>>, vector<1x16xf32>,
      %swap3A_105 = vector.shape_cast %swap3A_104 : vector<1x16xf32> to vector<16xf32>
      %swap3A_106 = vector.shape_cast %get3A_100 : vector<16xf32> to vector<1x16xf32>
      tpu.vector_store %arg8[%swap3A_102, %swap3A_103], %swap3A_106 {strides = array<i32>} : memref<2x320xf32, #tpu.memory_space<vmem>>, vector<1x16xf32>,
      %get3A_107 = arith.constant 80 : index
      %get3A_108 = tpu.vector_load %arg7[%get3A_107] {strides = array<i32>} : memref<600xf32, #tpu.memory_space<vmem>>, vector<16xf32>,
      %get3A_109 = vector.shape_cast %get3A_108 : vector<16xf32> to vector<16xf32>
      %swap3A_110 = arith.constant 0 : i32
      %swap3A_111 = arith.index_cast %swap3A_110 : i32 to index
      %swap3A_112 = arith.constant 80 : index
      %swap3A_113 = tpu.vector_load %arg8[%swap3A_111, %swap3A_112] {strides = array<i32>} : memref<2x320xf32, #tpu.memory_space<vmem>>, vector<1x16xf32>,
      %swap3A_114 = vector.shape_cast %swap3A_113 : vector<1x16xf32> to vector<16xf32>
      %swap3A_115 = vector.shape_cast %get3A_109 : vector<16xf32> to vector<1x16xf32>
      tpu.vector_store %arg8[%swap3A_111, %swap3A_112], %swap3A_115 {strides = array<i32>} : memref<2x320xf32, #tpu.memory_space<vmem>>, vector<1x16xf32>,
      %get3A_116 = arith.constant 96 : index
      %get3A_117 = tpu.vector_load %arg7[%get3A_116] {strides = array<i32>} : memref<600xf32, #tpu.memory_space<vmem>>, vector<16xf32>,
      %get3A_118 = vector.shape_cast %get3A_117 : vector<16xf32> to vector<16xf32>
      %swap3A_119 = arith.constant 0 : i32
      %swap3A_120 = arith.index_cast %swap3A_119 : i32 to index
      %swap3A_121 = arith.constant 96 : index
      %swap3A_122 = tpu.vector_load %arg8[%swap3A_120, %swap3A_121] {strides = array<i32>} : memref<2x320xf32, #tpu.memory_space<vmem>>, vector<1x16xf32>,
      %swap3A_123 = vector.shape_cast %swap3A_122 : vector<1x16xf32> to vector<16xf32>
      %swap3A_124 = vector.shape_cast %get3A_118 : vector<16xf32> to vector<1x16xf32>
      tpu.vector_store %arg8[%swap3A_120, %swap3A_121], %swap3A_124 {strides = array<i32>} : memref<2x320xf32, #tpu.memory_space<vmem>>, vector<1x16xf32>,
      %get3A_125 = arith.constant 112 : index
      %get3A_126 = tpu.vector_load %arg7[%get3A_125] {strides = array<i32>} : memref<600xf32, #tpu.memory_space<vmem>>, vector<16xf32>,
      %get3A_127 = vector.shape_cast %get3A_126 : vector<16xf32> to vector<16xf32>
      %swap3A_128 = arith.constant 0 : i32
      %swap3A_129 = arith.index_cast %swap3A_128 : i32 to index
      %swap3A_130 = arith.constant 112 : index
      %swap3A_131 = tpu.vector_load %arg8[%swap3A_129, %swap3A_130] {strides = array<i32>} : memref<2x320xf32, #tpu.memory_space<vmem>>, vector<1x16xf32>,
      %swap3A_132 = vector.shape_cast %swap3A_131 : vector<1x16xf32> to vector<16xf32>
      %swap3A_133 = vector.shape_cast %get3A_127 : vector<16xf32> to vector<1x16xf32>
      tpu.vector_store %arg8[%swap3A_129, %swap3A_130], %swap3A_133 {strides = array<i32>} : memref<2x320xf32, #tpu.memory_space<vmem>>, vector<1x16xf32>,
      %get3A_134 = arith.constant 128 : index
      %get3A_135 = tpu.vector_load %arg7[%get3A_134] {strides = array<i32>} : memref<600xf32, #tpu.memory_space<vmem>>, vector<16xf32>,
      %get3A_136 = vector.shape_cast %get3A_135 : vector<16xf32> to vector<16xf32>
      %swap3A_137 = arith.constant 0 : i32
      %swap3A_138 = arith.index_cast %swap3A_137 : i32 to index
      %swap3A_139 = arith.constant 128 : index
      %swap3A_140 = tpu.vector_load %arg8[%swap3A_138, %swap3A_139] {strides = array<i32>} : memref<2x320xf32, #tpu.memory_space<vmem>>, vector<1x16xf32>,
      %swap3A_141 = vector.shape_cast %swap3A_140 : vector<1x16xf32> to vector<16xf32>
      %swap3A_142 = vector.shape_cast %get3A_136 : vector<16xf32> to vector<1x16xf32>
      tpu.vector_store %arg8[%swap3A_138, %swap3A_139], %swap3A_142 {strides = array<i32>} : memref<2x320xf32, #tpu.memory_space<vmem>>, vector<1x16xf32>,
      %get3A_143 = arith.constant 144 : index
      %get3A_144 = tpu.vector_load %arg7[%get3A_143] {strides = array<i32>} : memref<600xf32, #tpu.memory_space<vmem>>, vector<16xf32>,
      %get3A_145 = vector.shape_cast %get3A_144 : vector<16xf32> to vector<16xf32>
      %swap3A_146 = arith.constant 0 : i32
      %swap3A_147 = arith.index_cast %swap3A_146 : i32 to index
      %swap3A_148 = arith.constant 144 : index
      %swap3A_149 = tpu.vector_load %arg8[%swap3A_147, %swap3A_148] {strides = array<i32>} : memref<2x320xf32, #tpu.memory_space<vmem>>, vector<1x16xf32>,
      %swap3A_150 = vector.shape_cast %swap3A_149 : vector<1x16xf32> to vector<16xf32>
      %swap3A_151 = vector.shape_cast %get3A_145 : vector<16xf32> to vector<1x16xf32>
      tpu.vector_store %arg8[%swap3A_147, %swap3A_148], %swap3A_151 {strides = array<i32>} : memref<2x320xf32, #tpu.memory_space<vmem>>, vector<1x16xf32>,
      %get3A_152 = arith.constant 160 : index
      %get3A_153 = tpu.vector_load %arg7[%get3A_152] {strides = array<i32>} : memref<600xf32, #tpu.memory_space<vmem>>, vector<16xf32>,
      %get3A_154 = vector.shape_cast %get3A_153 : vector<16xf32> to vector<16xf32>
      %swap3A_155 = arith.constant 0 : i32
      %swap3A_156 = arith.index_cast %swap3A_155 : i32 to index
      %swap3A_157 = arith.constant 160 : index
      %swap3A_158 = tpu.vector_load %arg8[%swap3A_156, %swap3A_157] {strides = array<i32>} : memref<2x320xf32, #tpu.memory_space<vmem>>, vector<1x16xf32>,
      %swap3A_159 = vector.shape_cast %swap3A_158 : vector<1x16xf32> to vector<16xf32>
      %swap3A_160 = vector.shape_cast %get3A_154 : vector<16xf32> to vector<1x16xf32>
      tpu.vector_store %arg8[%swap3A_156, %swap3A_157], %swap3A_160 {strides = array<i32>} : memref<2x320xf32, #tpu.memory_space<vmem>>, vector<1x16xf32>,
      %get3A_161 = arith.constant 176 : index
      %get3A_162 = tpu.vector_load %arg7[%get3A_161] {strides = array<i32>} : memref<600xf32, #tpu.memory_space<vmem>>, vector<16xf32>,
      %get3A_163 = vector.shape_cast %get3A_162 : vector<16xf32> to vector<16xf32>
      %swap3A_164 = arith.constant 0 : i32
      %swap3A_165 = arith.index_cast %swap3A_164 : i32 to index
      %swap3A_166 = arith.constant 176 : index
      %swap3A_167 = tpu.vector_load %arg8[%swap3A_165, %swap3A_166] {strides = array<i32>} : memref<2x320xf32, #tpu.memory_space<vmem>>, vector<1x16xf32>,
      %swap3A_168 = vector.shape_cast %swap3A_167 : vector<1x16xf32> to vector<16xf32>
      %swap3A_169 = vector.shape_cast %get3A_163 : vector<16xf32> to vector<1x16xf32>
      tpu.vector_store %arg8[%swap3A_165, %swap3A_166], %swap3A_169 {strides = array<i32>} : memref<2x320xf32, #tpu.memory_space<vmem>>, vector<1x16xf32>,
      %get3A_170 = arith.constant 192 : index
      %get3A_171 = tpu.vector_load %arg7[%get3A_170] {strides = array<i32>} : memref<600xf32, #tpu.memory_space<vmem>>, vector<16xf32>,
      %get3A_172 = vector.shape_cast %get3A_171 : vector<16xf32> to vector<16xf32>
      %swap3A_173 = arith.constant 0 : i32
      %swap3A_174 = arith.index_cast %swap3A_173 : i32 to index
      %swap3A_175 = arith.constant 192 : index
      %swap3A_176 = tpu.vector_load %arg8[%swap3A_174, %swap3A_175] {strides = array<i32>} : memref<2x320xf32, #tpu.memory_space<vmem>>, vector<1x16xf32>,
      %swap3A_177 = vector.shape_cast %swap3A_176 : vector<1x16xf32> to vector<16xf32>
      %swap3A_178 = vector.shape_cast %get3A_172 : vector<16xf32> to vector<1x16xf32>
      tpu.vector_store %arg8[%swap3A_174, %swap3A_175], %swap3A_178 {strides = array<i32>} : memref<2x320xf32, #tpu.memory_space<vmem>>, vector<1x16xf32>,
      %get3A_179 = arith.constant 208 : index
      %get3A_180 = tpu.vector_load %arg7[%get3A_179] {strides = array<i32>} : memref<600xf32, #tpu.memory_space<vmem>>, vector<16xf32>,
      %get3A_181 = vector.shape_cast %get3A_180 : vector<16xf32> to vector<16xf32>
      %swap3A_182 = arith.constant 0 : i32
      %swap3A_183 = arith.index_cast %swap3A_182 : i32 to index
      %swap3A_184 = arith.constant 208 : index
      %swap3A_185 = tpu.vector_load %arg8[%swap3A_183, %swap3A_184] {strides = array<i32>} : memref<2x320xf32, #tpu.memory_space<vmem>>, vector<1x16xf32>,
      %swap3A_186 = vector.shape_cast %swap3A_185 : vector<1x16xf32> to vector<16xf32>
      %swap3A_187 = vector.shape_cast %get3A_181 : vector<16xf32> to vector<1x16xf32>
      tpu.vector_store %arg8[%swap3A_183, %swap3A_184], %swap3A_187 {strides = array<i32>} : memref<2x320xf32, #tpu.memory_space<vmem>>, vector<1x16xf32>,
      %get3A_188 = arith.constant 224 : index
      %get3A_189 = tpu.vector_load %arg7[%get3A_188] {strides = array<i32>} : memref<600xf32, #tpu.memory_space<vmem>>, vector<16xf32>,
      %get3A_190 = vector.shape_cast %get3A_189 : vector<16xf32> to vector<16xf32>
      %swap3A_191 = arith.constant 0 : i32
      %swap3A_192 = arith.index_cast %swap3A_191 : i32 to index
      %swap3A_193 = arith.constant 224 : index
      %swap3A_194 = tpu.vector_load %arg8[%swap3A_192, %swap3A_193] {strides = array<i32>} : memref<2x320xf32, #tpu.memory_space<vmem>>, vector<1x16xf32>,
      %swap3A_195 = vector.shape_cast %swap3A_194 : vector<1x16xf32> to vector<16xf32>
      %swap3A_196 = vector.shape_cast %get3A_190 : vector<16xf32> to vector<1x16xf32>
      tpu.vector_store %arg8[%swap3A_192, %swap3A_193], %swap3A_196 {strides = array<i32>} : memref<2x320xf32, #tpu.memory_space<vmem>>, vector<1x16xf32>,
      %get3A_197 = arith.constant 240 : index
      %get3A_198 = tpu.vector_load %arg7[%get3A_197] {strides = array<i32>} : memref<600xf32, #tpu.memory_space<vmem>>, vector<16xf32>,
      %get3A_199 = vector.shape_cast %get3A_198 : vector<16xf32> to vector<16xf32>
      %swap3A_200 = arith.constant 0 : i32
      %swap3A_201 = arith.index_cast %swap3A_200 : i32 to index
      %swap3A_202 = arith.constant 240 : index
      %swap3A_203 = tpu.vector_load %arg8[%swap3A_201, %swap3A_202] {strides = array<i32>} : memref<2x320xf32, #tpu.memory_space<vmem>>, vector<1x16xf32>,
      %swap3A_204 = vector.shape_cast %swap3A_203 : vector<1x16xf32> to vector<16xf32>
      %swap3A_205 = vector.shape_cast %get3A_199 : vector<16xf32> to vector<1x16xf32>
      tpu.vector_store %arg8[%swap3A_201, %swap3A_202], %swap3A_205 {strides = array<i32>} : memref<2x320xf32, #tpu.memory_space<vmem>>, vector<1x16xf32>,
      %get3A_206 = arith.constant 256 : index
      %get3A_207 = tpu.vector_load %arg7[%get3A_206] {strides = array<i32>} : memref<600xf32, #tpu.memory_space<vmem>>, vector<16xf32>,
      %get3A_208 = vector.shape_cast %get3A_207 : vector<16xf32> to vector<16xf32>
      %swap3A_209 = arith.constant 0 : i32
      %swap3A_210 = arith.index_cast %swap3A_209 : i32 to index
      %swap3A_211 = arith.constant 256 : index
      %swap3A_212 = tpu.vector_load %arg8[%swap3A_210, %swap3A_211] {strides = array<i32>} : memref<2x320xf32, #tpu.memory_space<vmem>>, vector<1x16xf32>,
      %swap3A_213 = vector.shape_cast %swap3A_212 : vector<1x16xf32> to vector<16xf32>
      %swap3A_214 = vector.shape_cast %get3A_208 : vector<16xf32> to vector<1x16xf32>
      tpu.vector_store %arg8[%swap3A_210, %swap3A_211], %swap3A_214 {strides = array<i32>} : memref<2x320xf32, #tpu.memory_space<vmem>>, vector<1x16xf32>,
      %get3A_215 = arith.constant 272 : index
      %get3A_216 = tpu.vector_load %arg7[%get3A_215] {strides = array<i32>} : memref<600xf32, #tpu.memory_space<vmem>>, vector<16xf32>,
      %get3A_217 = vector.shape_cast %get3A_216 : vector<16xf32> to vector<16xf32>
      %swap3A_218 = arith.constant 0 : i32
      %swap3A_219 = arith.index_cast %swap3A_218 : i32 to index
      %swap3A_220 = arith.constant 272 : index
      %swap3A_221 = tpu.vector_load %arg8[%swap3A_219, %swap3A_220] {strides = array<i32>} : memref<2x320xf32, #tpu.memory_space<vmem>>, vector<1x16xf32>,
      %swap3A_222 = vector.shape_cast %swap3A_221 : vector<1x16xf32> to vector<16xf32>
      %swap3A_223 = vector.shape_cast %get3A_217 : vector<16xf32> to vector<1x16xf32>
      tpu.vector_store %arg8[%swap3A_219, %swap3A_220], %swap3A_223 {strides = array<i32>} : memref<2x320xf32, #tpu.memory_space<vmem>>, vector<1x16xf32>,
      %get3A_224 = arith.constant 284 : index
      %get3A_225 = tpu.vector_load %arg7[%get3A_224] {strides = array<i32>} : memref<600xf32, #tpu.memory_space<vmem>>, vector<16xf32>,
      %get3A_226 = vector.shape_cast %get3A_225 : vector<16xf32> to vector<16xf32>
      %swap3A_227 = arith.constant 0 : i32
      %swap3A_228 = arith.index_cast %swap3A_227 : i32 to index
      %swap3A_229 = arith.constant 284 : index
      %swap3A_230 = tpu.vector_load %arg8[%swap3A_228, %swap3A_229] {strides = array<i32>} : memref<2x320xf32, #tpu.memory_space<vmem>>, vector<1x16xf32>,
      %swap3A_231 = vector.shape_cast %swap3A_230 : vector<1x16xf32> to vector<16xf32>
      %swap3A_232 = vector.shape_cast %get3A_226 : vector<16xf32> to vector<1x16xf32>
      tpu.vector_store %arg8[%swap3A_228, %swap3A_229], %swap3A_232 {strides = array<i32>} : memref<2x320xf32, #tpu.memory_space<vmem>>, vector<1x16xf32>,
      %get3A_233 = arith.constant 300 : index
      %get3A_234 = tpu.vector_load %arg7[%get3A_233] {strides = array<i32>} : memref<600xf32, #tpu.memory_space<vmem>>, vector<16xf32>,
      %get3A_235 = vector.shape_cast %get3A_234 : vector<16xf32> to vector<16xf32>
      %swap3A_236 = arith.constant 1 : i32
      %swap3A_237 = arith.index_cast %swap3A_236 : i32 to index
      %swap3A_238 = arith.constant 0 : index
      %swap3A_239 = tpu.vector_load %arg8[%swap3A_237, %swap3A_238] {strides = array<i32>} : memref<2x320xf32, #tpu.memory_space<vmem>>, vector<1x16xf32>,
      %swap3A_240 = vector.shape_cast %swap3A_239 : vector<1x16xf32> to vector<16xf32>
      %swap3A_241 = vector.shape_cast %get3A_235 : vector<16xf32> to vector<1x16xf32>
      tpu.vector_store %arg8[%swap3A_237, %swap3A_238], %swap3A_241 {strides = array<i32>} : memref<2x320xf32, #tpu.memory_space<vmem>>, vector<1x16xf32>,
      %get3A_242 = arith.constant 316 : index
      %get3A_243 = tpu.vector_load %arg7[%get3A_242] {strides = array<i32>} : memref<600xf32, #tpu.memory_space<vmem>>, vector<16xf32>,
      %get3A_244 = vector.shape_cast %get3A_243 : vector<16xf32> to vector<16xf32>
      %swap3A_245 = arith.constant 1 : i32
      %swap3A_246 = arith.index_cast %swap3A_245 : i32 to index
      %swap3A_247 = arith.constant 16 : index
      %swap3A_248 = tpu.vector_load %arg8[%swap3A_246, %swap3A_247] {strides = array<i32>} : memref<2x320xf32, #tpu.memory_space<vmem>>, vector<1x16xf32>,
      %swap3A_249 = vector.shape_cast %swap3A_248 : vector<1x16xf32> to vector<16xf32>
      %swap3A_250 = vector.shape_cast %get3A_244 : vector<16xf32> to vector<1x16xf32>
      tpu.vector_store %arg8[%swap3A_246, %swap3A_247], %swap3A_250 {strides = array<i32>} : memref<2x320xf32, #tpu.memory_space<vmem>>, vector<1x16xf32>,
      %get3A_251 = arith.constant 332 : index
      %get3A_252 = tpu.vector_load %arg7[%get3A_251] {strides = array<i32>} : memref<600xf32, #tpu.memory_space<vmem>>, vector<16xf32>,
      %get3A_253 = vector.shape_cast %get3A_252 : vector<16xf32> to vector<16xf32>
      %swap3A_254 = arith.constant 1 : i32
      %swap3A_255 = arith.index_cast %swap3A_254 : i32 to index
      %swap3A_256 = arith.constant 32 : index
      %swap3A_257 = tpu.vector_load %arg8[%swap3A_255, %swap3A_256] {strides = array<i32>} : memref<2x320xf32, #tpu.memory_space<vmem>>, vector<1x16xf32>,
      %swap3A_258 = vector.shape_cast %swap3A_257 : vector<1x16xf32> to vector<16xf32>
      %swap3A_259 = vector.shape_cast %get3A_253 : vector<16xf32> to vector<1x16xf32>
      tpu.vector_store %arg8[%swap3A_255, %swap3A_256], %swap3A_259 {strides = array<i32>} : memref<2x320xf32, #tpu.memory_space<vmem>>, vector<1x16xf32>,
      %get3A_260 = arith.constant 348 : index
      %get3A_261 = tpu.vector_load %arg7[%get3A_260] {strides = array<i32>} : memref<600xf32, #tpu.memory_space<vmem>>, vector<16xf32>,
      %get3A_262 = vector.shape_cast %get3A_261 : vector<16xf32> to vector<16xf32>
      %swap3A_263 = arith.constant 1 : i32
      %swap3A_264 = arith.index_cast %swap3A_263 : i32 to index
      %swap3A_265 = arith.constant 48 : index
      %swap3A_266 = tpu.vector_load %arg8[%swap3A_264, %swap3A_265] {strides = array<i32>} : memref<2x320xf32, #tpu.memory_space<vmem>>, vector<1x16xf32>,
      %swap3A_267 = vector.shape_cast %swap3A_266 : vector<1x16xf32> to vector<16xf32>
      %swap3A_268 = vector.shape_cast %get3A_262 : vector<16xf32> to vector<1x16xf32>
      tpu.vector_store %arg8[%swap3A_264, %swap3A_265], %swap3A_268 {strides = array<i32>} : memref<2x320xf32, #tpu.memory_space<vmem>>, vector<1x16xf32>,
      %get3A_269 = arith.constant 364 : index
      %get3A_270 = tpu.vector_load %arg7[%get3A_269] {strides = array<i32>} : memref<600xf32, #tpu.memory_space<vmem>>, vector<16xf32>,
      %get3A_271 = vector.shape_cast %get3A_270 : vector<16xf32> to vector<16xf32>
      %swap3A_272 = arith.constant 1 : i32
      %swap3A_273 = arith.index_cast %swap3A_272 : i32 to index
      %swap3A_274 = arith.constant 64 : index
      %swap3A_275 = tpu.vector_load %arg8[%swap3A_273, %swap3A_274] {strides = array<i32>} : memref<2x320xf32, #tpu.memory_space<vmem>>, vector<1x16xf32>,
      %swap3A_276 = vector.shape_cast %swap3A_275 : vector<1x16xf32> to vector<16xf32>
      %swap3A_277 = vector.shape_cast %get3A_271 : vector<16xf32> to vector<1x16xf32>
      tpu.vector_store %arg8[%swap3A_273, %swap3A_274], %swap3A_277 {strides = array<i32>} : memref<2x320xf32, #tpu.memory_space<vmem>>, vector<1x16xf32>,
      %get3A_278 = arith.constant 380 : index
      %get3A_279 = tpu.vector_load %arg7[%get3A_278] {strides = array<i32>} : memref<600xf32, #tpu.memory_space<vmem>>, vector<16xf32>,
      %get3A_280 = vector.shape_cast %get3A_279 : vector<16xf32> to vector<16xf32>
      %swap3A_281 = arith.constant 1 : i32
      %swap3A_282 = arith.index_cast %swap3A_281 : i32 to index
      %swap3A_283 = arith.constant 80 : index
      %swap3A_284 = tpu.vector_load %arg8[%swap3A_282, %swap3A_283] {strides = array<i32>} : memref<2x320xf32, #tpu.memory_space<vmem>>, vector<1x16xf32>,
      %swap3A_285 = vector.shape_cast %swap3A_284 : vector<1x16xf32> to vector<16xf32>
      %swap3A_286 = vector.shape_cast %get3A_280 : vector<16xf32> to vector<1x16xf32>
      tpu.vector_store %arg8[%swap3A_282, %swap3A_283], %swap3A_286 {strides = array<i32>} : memref<2x320xf32, #tpu.memory_space<vmem>>, vector<1x16xf32>,
      %get3A_287 = arith.constant 396 : index
      %get3A_288 = tpu.vector_load %arg7[%get3A_287] {strides = array<i32>} : memref<600xf32, #tpu.memory_space<vmem>>, vector<16xf32>,
      %get3A_289 = vector.shape_cast %get3A_288 : vector<16xf32> to vector<16xf32>
      %swap3A_290 = arith.constant 1 : i32
      %swap3A_291 = arith.index_cast %swap3A_290 : i32 to index
      %swap3A_292 = arith.constant 96 : index
      %swap3A_293 = tpu.vector_load %arg8[%swap3A_291, %swap3A_292] {strides = array<i32>} : memref<2x320xf32, #tpu.memory_space<vmem>>, vector<1x16xf32>,
      %swap3A_294 = vector.shape_cast %swap3A_293 : vector<1x16xf32> to vector<16xf32>
      %swap3A_295 = vector.shape_cast %get3A_289 : vector<16xf32> to vector<1x16xf32>
      tpu.vector_store %arg8[%swap3A_291, %swap3A_292], %swap3A_295 {strides = array<i32>} : memref<2x320xf32, #tpu.memory_space<vmem>>, vector<1x16xf32>,
      %get3A_296 = arith.constant 412 : index
      %get3A_297 = tpu.vector_load %arg7[%get3A_296] {strides = array<i32>} : memref<600xf32, #tpu.memory_space<vmem>>, vector<16xf32>,
      %get3A_298 = vector.shape_cast %get3A_297 : vector<16xf32> to vector<16xf32>
      %swap3A_299 = arith.constant 1 : i32
      %swap3A_300 = arith.index_cast %swap3A_299 : i32 to index
      %swap3A_301 = arith.constant 112 : index
      %swap3A_302 = tpu.vector_load %arg8[%swap3A_300, %swap3A_301] {strides = array<i32>} : memref<2x320xf32, #tpu.memory_space<vmem>>, vector<1x16xf32>,
      %swap3A_303 = vector.shape_cast %swap3A_302 : vector<1x16xf32> to vector<16xf32>
      %swap3A_304 = vector.shape_cast %get3A_298 : vector<16xf32> to vector<1x16xf32>
      tpu.vector_store %arg8[%swap3A_300, %swap3A_301], %swap3A_304 {strides = array<i32>} : memref<2x320xf32, #tpu.memory_space<vmem>>, vector<1x16xf32>,
      %get3A_305 = arith.constant 428 : index
      %get3A_306 = tpu.vector_load %arg7[%get3A_305] {strides = array<i32>} : memref<600xf32, #tpu.memory_space<vmem>>, vector<16xf32>,
      %get3A_307 = vector.shape_cast %get3A_306 : vector<16xf32> to vector<16xf32>
      %swap3A_308 = arith.constant 1 : i32
      %swap3A_309 = arith.index_cast %swap3A_308 : i32 to index
      %swap3A_310 = arith.constant 128 : index
      %swap3A_311 = tpu.vector_load %arg8[%swap3A_309, %swap3A_310] {strides = array<i32>} : memref<2x320xf32, #tpu.memory_space<vmem>>, vector<1x16xf32>,
      %swap3A_312 = vector.shape_cast %swap3A_311 : vector<1x16xf32> to vector<16xf32>
      %swap3A_313 = vector.shape_cast %get3A_307 : vector<16xf32> to vector<1x16xf32>
      tpu.vector_store %arg8[%swap3A_309, %swap3A_310], %swap3A_313 {strides = array<i32>} : memref<2x320xf32, #tpu.memory_space<vmem>>, vector<1x16xf32>,
      %get3A_314 = arith.constant 444 : index
      %get3A_315 = tpu.vector_load %arg7[%get3A_314] {strides = array<i32>} : memref<600xf32, #tpu.memory_space<vmem>>, vector<16xf32>,
      %get3A_316 = vector.shape_cast %get3A_315 : vector<16xf32> to vector<16xf32>
      %swap3A_317 = arith.constant 1 : i32
      %swap3A_318 = arith.index_cast %swap3A_317 : i32 to index
      %swap3A_319 = arith.constant 144 : index
      %swap3A_320 = tpu.vector_load %arg8[%swap3A_318, %swap3A_319] {strides = array<i32>} : memref<2x320xf32, #tpu.memory_space<vmem>>, vector<1x16xf32>,
      %swap3A_321 = vector.shape_cast %swap3A_320 : vector<1x16xf32> to vector<16xf32>
      %swap3A_322 = vector.shape_cast %get3A_316 : vector<16xf32> to vector<1x16xf32>
      tpu.vector_store %arg8[%swap3A_318, %swap3A_319], %swap3A_322 {strides = array<i32>} : memref<2x320xf32, #tpu.memory_space<vmem>>, vector<1x16xf32>,
      %get3A_323 = arith.constant 460 : index
      %get3A_324 = tpu.vector_load %arg7[%get3A_323] {strides = array<i32>} : memref<600xf32, #tpu.memory_space<vmem>>, vector<16xf32>,
      %get3A_325 = vector.shape_cast %get3A_324 : vector<16xf32> to vector<16xf32>
      %swap3A_326 = arith.constant 1 : i32
      %swap3A_327 = arith.index_cast %swap3A_326 : i32 to index
      %swap3A_328 = arith.constant 160 : index
      %swap3A_329 = tpu.vector_load %arg8[%swap3A_327, %swap3A_328] {strides = array<i32>} : memref<2x320xf32, #tpu.memory_space<vmem>>, vector<1x16xf32>,
      %swap3A_330 = vector.shape_cast %swap3A_329 : vector<1x16xf32> to vector<16xf32>
      %swap3A_331 = vector.shape_cast %get3A_325 : vector<16xf32> to vector<1x16xf32>
      tpu.vector_store %arg8[%swap3A_327, %swap3A_328], %swap3A_331 {strides = array<i32>} : memref<2x320xf32, #tpu.memory_space<vmem>>, vector<1x16xf32>,
      %get3A_332 = arith.constant 476 : index
      %get3A_333 = tpu.vector_load %arg7[%get3A_332] {strides = array<i32>} : memref<600xf32, #tpu.memory_space<vmem>>, vector<16xf32>,
      %get3A_334 = vector.shape_cast %get3A_333 : vector<16xf32> to vector<16xf32>
      %swap3A_335 = arith.constant 1 : i32
      %swap3A_336 = arith.index_cast %swap3A_335 : i32 to index
      %swap3A_337 = arith.constant 176 : index
      %swap3A_338 = tpu.vector_load %arg8[%swap3A_336, %swap3A_337] {strides = array<i32>} : memref<2x320xf32, #tpu.memory_space<vmem>>, vector<1x16xf32>,
      %swap3A_339 = vector.shape_cast %swap3A_338 : vector<1x16xf32> to vector<16xf32>
      %swap3A_340 = vector.shape_cast %get3A_334 : vector<16xf32> to vector<1x16xf32>
      tpu.vector_store %arg8[%swap3A_336, %swap3A_337], %swap3A_340 {strides = array<i32>} : memref<2x320xf32, #tpu.memory_space<vmem>>, vector<1x16xf32>,
      %get3A_341 = arith.constant 492 : index
      %get3A_342 = tpu.vector_load %arg7[%get3A_341] {strides = array<i32>} : memref<600xf32, #tpu.memory_space<vmem>>, vector<16xf32>,
      %get3A_343 = vector.shape_cast %get3A_342 : vector<16xf32> to vector<16xf32>
      %swap3A_344 = arith.constant 1 : i32
      %swap3A_345 = arith.index_cast %swap3A_344 : i32 to index
      %swap3A_346 = arith.constant 192 : index
      %swap3A_347 = tpu.vector_load %arg8[%swap3A_345, %swap3A_346] {strides = array<i32>} : memref<2x320xf32, #tpu.memory_space<vmem>>, vector<1x16xf32>,
      %swap3A_348 = vector.shape_cast %swap3A_347 : vector<1x16xf32> to vector<16xf32>
      %swap3A_349 = vector.shape_cast %get3A_343 : vector<16xf32> to vector<1x16xf32>
      tpu.vector_store %arg8[%swap3A_345, %swap3A_346], %swap3A_349 {strides = array<i32>} : memref<2x320xf32, #tpu.memory_space<vmem>>, vector<1x16xf32>,
      %get3A_350 = arith.constant 508 : index
      %get3A_351 = tpu.vector_load %arg7[%get3A_350] {strides = array<i32>} : memref<600xf32, #tpu.memory_space<vmem>>, vector<16xf32>,
      %get3A_352 = vector.shape_cast %get3A_351 : vector<16xf32> to vector<16xf32>
      %swap3A_353 = arith.constant 1 : i32
      %swap3A_354 = arith.index_cast %swap3A_353 : i32 to index
      %swap3A_355 = arith.constant 208 : index
      %swap3A_356 = tpu.vector_load %arg8[%swap3A_354, %swap3A_355] {strides = array<i32>} : memref<2x320xf32, #tpu.memory_space<vmem>>, vector<1x16xf32>,
      %swap3A_357 = vector.shape_cast %swap3A_356 : vector<1x16xf32> to vector<16xf32>
      %swap3A_358 = vector.shape_cast %get3A_352 : vector<16xf32> to vector<1x16xf32>
      tpu.vector_store %arg8[%swap3A_354, %swap3A_355], %swap3A_358 {strides = array<i32>} : memref<2x320xf32, #tpu.memory_space<vmem>>, vector<1x16xf32>,
      %get3A_359 = arith.constant 524 : index
      %get3A_360 = tpu.vector_load %arg7[%get3A_359] {strides = array<i32>} : memref<600xf32, #tpu.memory_space<vmem>>, vector<16xf32>,
      %get3A_361 = vector.shape_cast %get3A_360 : vector<16xf32> to vector<16xf32>
      %swap3A_362 = arith.constant 1 : i32
      %swap3A_363 = arith.index_cast %swap3A_362 : i32 to index
      %swap3A_364 = arith.constant 224 : index
      %swap3A_365 = tpu.vector_load %arg8[%swap3A_363, %swap3A_364] {strides = array<i32>} : memref<2x320xf32, #tpu.memory_space<vmem>>, vector<1x16xf32>,
      %swap3A_366 = vector.shape_cast %swap3A_365 : vector<1x16xf32> to vector<16xf32>
      %swap3A_367 = vector.shape_cast %get3A_361 : vector<16xf32> to vector<1x16xf32>
      tpu.vector_store %arg8[%swap3A_363, %swap3A_364], %swap3A_367 {strides = array<i32>} : memref<2x320xf32, #tpu.memory_space<vmem>>, vector<1x16xf32>,
      %get3A_368 = arith.constant 540 : index
      %get3A_369 = tpu.vector_load %arg7[%get3A_368] {strides = array<i32>} : memref<600xf32, #tpu.memory_space<vmem>>, vector<16xf32>,
      %get3A_370 = vector.shape_cast %get3A_369 : vector<16xf32> to vector<16xf32>
      %swap3A_371 = arith.constant 1 : i32
      %swap3A_372 = arith.index_cast %swap3A_371 : i32 to index
      %swap3A_373 = arith.constant 240 : index
      %swap3A_374 = tpu.vector_load %arg8[%swap3A_372, %swap3A_373] {strides = array<i32>} : memref<2x320xf32, #tpu.memory_space<vmem>>, vector<1x16xf32>,
      %swap3A_375 = vector.shape_cast %swap3A_374 : vector<1x16xf32> to vector<16xf32>
      %swap3A_376 = vector.shape_cast %get3A_370 : vector<16xf32> to vector<1x16xf32>
      tpu.vector_store %arg8[%swap3A_372, %swap3A_373], %swap3A_376 {strides = array<i32>} : memref<2x320xf32, #tpu.memory_space<vmem>>, vector<1x16xf32>,
      %get3A_377 = arith.constant 556 : index
      %get3A_378 = tpu.vector_load %arg7[%get3A_377] {strides = array<i32>} : memref<600xf32, #tpu.memory_space<vmem>>, vector<16xf32>,
      %get3A_379 = vector.shape_cast %get3A_378 : vector<16xf32> to vector<16xf32>
      %swap3A_380 = arith.constant 1 : i32
      %swap3A_381 = arith.index_cast %swap3A_380 : i32 to index
      %swap3A_382 = arith.constant 256 : index
      %swap3A_383 = tpu.vector_load %arg8[%swap3A_381, %swap3A_382] {strides = array<i32>} : memref<2x320xf32, #tpu.memory_space<vmem>>, vector<1x16xf32>,
      %swap3A_384 = vector.shape_cast %swap3A_383 : vector<1x16xf32> to vector<16xf32>
      %swap3A_385 = vector.shape_cast %get3A_379 : vector<16xf32> to vector<1x16xf32>
      tpu.vector_store %arg8[%swap3A_381, %swap3A_382], %swap3A_385 {strides = array<i32>} : memref<2x320xf32, #tpu.memory_space<vmem>>, vector<1x16xf32>,
      %get3A_386 = arith.constant 572 : index
      %get3A_387 = tpu.vector_load %arg7[%get3A_386] {strides = array<i32>} : memref<600xf32, #tpu.memory_space<vmem>>, vector<16xf32>,
      %get3A_388 = vector.shape_cast %get3A_387 : vector<16xf32> to vector<16xf32>
      %swap3A_389 = arith.constant 1 : i32
      %swap3A_390 = arith.index_cast %swap3A_389 : i32 to index
      %swap3A_391 = arith.constant 272 : index
      %swap3A_392 = tpu.vector_load %arg8[%swap3A_390, %swap3A_391] {strides = array<i32>} : memref<2x320xf32, #tpu.memory_space<vmem>>, vector<1x16xf32>,
      %swap3A_393 = vector.shape_cast %swap3A_392 : vector<1x16xf32> to vector<16xf32>
      %swap3A_394 = vector.shape_cast %get3A_388 : vector<16xf32> to vector<1x16xf32>
      tpu.vector_store %arg8[%swap3A_390, %swap3A_391], %swap3A_394 {strides = array<i32>} : memref<2x320xf32, #tpu.memory_space<vmem>>, vector<1x16xf32>,
      %get3A_395 = arith.constant 584 : index
      %get3A_396 = tpu.vector_load %arg7[%get3A_395] {strides = array<i32>} : memref<600xf32, #tpu.memory_space<vmem>>, vector<16xf32>,
      %get3A_397 = vector.shape_cast %get3A_396 : vector<16xf32> to vector<16xf32>
      %swap3A_398 = arith.constant 1 : i32
      %swap3A_399 = arith.index_cast %swap3A_398 : i32 to index
      %swap3A_400 = arith.constant 284 : index
      %swap3A_401 = tpu.vector_load %arg8[%swap3A_399, %swap3A_400] {strides = array<i32>} : memref<2x320xf32, #tpu.memory_space<vmem>>, vector<1x16xf32>,
      %swap3A_402 = vector.shape_cast %swap3A_401 : vector<1x16xf32> to vector<16xf32>
      %swap3A_403 = vector.shape_cast %get3A_397 : vector<16xf32> to vector<1x16xf32>
      tpu.vector_store %arg8[%swap3A_399, %swap3A_400], %swap3A_403 {strides = array<i32>} : memref<2x320xf32, #tpu.memory_space<vmem>>, vector<1x16xf32>,
      %mul3A_404 = arith.constant 2 : i32
      %mul3A_405 = arith.muli %mul3A_404, %add3A_59 : i32
      "tpu.region"() ({
        %run_scoped3A = tpu.sem_alloc : memref<!tpu.dma_semaphore, #tpu.memory_space<semaphore_mem>>
        %dma_start3A_406 = arith.constant 0 : i32
        %dma_start3A_407 = tpu.memref_slice %arg5[%mul3A_405, %dma_start3A_406] : memref<1002x320xf32, #tpu.memory_space<hbm>> -> memref<2x320xf32, #tpu.memory_space<hbm>>
        %dma_start3A_408 = arith.constant 0 : i32
        %dma_start3A_409 = tpu.memref_slice %arg5[%mul3A_405, %dma_start3A_408] : memref<1002x320xf32, #tpu.memory_space<hbm>> -> memref<2x320xf32, #tpu.memory_space<hbm>>
        tpu.enqueue_dma source(%arg8 : memref<2x320xf32, #tpu.memory_space<vmem>>) target(%dma_start3A_409 : memref<2x320xf32, #tpu.memory_space<hbm>>) target_semaphore(%run_scoped3A : memref<!tpu.dma_semaphore, #tpu.memory_space<semaphore_mem>>)
        %dma_wait3A_410 = arith.constant 0 : i32
        %dma_wait3A_411 = tpu.memref_slice %arg5[%mul3A_405, %dma_wait3A_410] : memref<1002x320xf32, #tpu.memory_space<hbm>> -> memref<2x320xf32, #tpu.memory_space<hbm>>
        %dma_wait3A_412 = arith.constant 0 : i32
        %dma_wait3A_413 = tpu.memref_slice %arg5[%mul3A_405, %dma_wait3A_412] : memref<1002x320xf32, #tpu.memory_space<hbm>> -> memref<2x320xf32, #tpu.memory_space<hbm>>
        tpu.wait_dma2 semaphore(%run_scoped3A : memref<!tpu.dma_semaphore, #tpu.memory_space<semaphore_mem>>) src(%arg8 : memref<2x320xf32, #tpu.memory_space<vmem>>) dst(%dma_wait3A_413 : memref<2x320xf32, #tpu.memory_space<hbm>>)
        tpu.yield
      }) : () -> ()
    }
    %barrier3A = arith.constant 0 : index
    tpu.barrier barrier_id(%barrier3A)
    %mul3A_36 = arith.constant 50 : i32
    %mul3A_37 = arith.muli %add3A, %mul3A_36 : i32
    "tpu.region"() ({
      %run_scoped3A = tpu.sem_alloc : memref<!tpu.dma_semaphore, #tpu.memory_space<semaphore_mem>>
      %dma_start3A_56 = arith.constant 0 : i32
      %dma_start3A_57 = tpu.memref_slice %arg2[%mul3A_37, %dma_start3A_56] : memref<1600x128xi32, #tpu.memory_space<hbm>> -> memref<50x128xi32, #tpu.memory_space<hbm>>
      %dma_start3A_58 = arith.constant 0 : i32
      %dma_start3A_59 = tpu.memref_slice %arg2[%mul3A_37, %dma_start3A_58] : memref<1600x128xi32, #tpu.memory_space<hbm>> -> memref<50x128xi32, #tpu.memory_space<hbm>>
      tpu.enqueue_dma source(%dma_start3A_59 : memref<50x128xi32, #tpu.memory_space<hbm>>) target(%arg6 : memref<50x128xi32, #tpu.memory_space<vmem>>) target_semaphore(%run_scoped3A : memref<!tpu.dma_semaphore, #tpu.memory_space<semaphore_mem>>)
      %dma_wait3A_60 = arith.constant 0 : i32
      %dma_wait3A_61 = tpu.memref_slice %arg2[%mul3A_37, %dma_wait3A_60] : memref<1600x128xi32, #tpu.memory_space<hbm>> -> memref<50x128xi32, #tpu.memory_space<hbm>>
      %dma_wait3A_62 = arith.constant 0 : i32
      %dma_wait3A_63 = tpu.memref_slice %arg2[%mul3A_37, %dma_wait3A_62] : memref<1600x128xi32, #tpu.memory_space<hbm>> -> memref<50x128xi32, #tpu.memory_space<hbm>>
      tpu.wait_dma2 semaphore(%run_scoped3A : memref<!tpu.dma_semaphore, #tpu.memory_space<semaphore_mem>>) src(%dma_wait3A_63 : memref<50x128xi32, #tpu.memory_space<hbm>>) dst(%arg6 : memref<50x128xi32, #tpu.memory_space<vmem>>)
      tpu.yield
    }) : () -> ()
    %dma_start3A = arith.constant 0 : i32
    %dma_start3A_38 = arith.constant 0 : i32
    %dma_start3A_39 = tpu.memref_slice %arg6[%dma_start3A, %dma_start3A_38] : memref<50x128xi32, #tpu.memory_space<vmem>> -> memref<1x64xi32, #tpu.memory_space<vmem>>
    %dma_start3A_40 = tpu.memref_squeeze %dma_start3A_39 : memref<1x64xi32, #tpu.memory_space<vmem>> -> memref<64xi32, #tpu.memory_space<vmem>>
    %dma_start3A_41 = arith.constant 0 : i32
    %dma_start3A_42 = arith.constant 0 : i32
    %dma_start3A_43 = tpu.memref_slice %arg5[%dma_start3A_41, %dma_start3A_42] : memref<1002x320xf32, #tpu.memory_space<hbm>> -> memref<1002x320xf32, #tpu.memory_space<hbm>>
    tpu.enqueue_indirect_dma source(%dma_start3A_43 : memref<1002x320xf32, #tpu.memory_space<hbm>>) target(%arg9 : memref<64x320xf32, #tpu.memory_space<vmem>>) offsets(%dma_start3A_40 : memref<64xi32, #tpu.memory_space<vmem>>) semaphore(%arg13 : memref<!tpu.dma_semaphore, #tpu.memory_space<semaphore_mem>>)
    %scan3A = arith.constant 0 : i32
    %scan3A_44 = arith.constant 0 : i32
    %scan3A_45 = arith.constant 50 : i32
    %scan3A_46 = arith.addi %scan3A_44, %scan3A_45 : i32
    %scan3A_47 = arith.constant 1 : i32
    scf.for %scan3A_56 = %scan3A_44 to %scan3A_46 step %scan3A_47  : i32 {
      %mul3A_57 = arith.constant 2 : i32
      %mul3A_58 = arith.muli %mul3A_57, %scan3A_56 : i32
      %add3A_59 = arith.constant 1 : i32
      %add3A_60 = arith.addi %mul3A_58, %add3A_59 : i32
      %jit3A_61 = arith.constant 2 : i32
      %div3A_62 = arith.divsi %add3A_60, %jit3A_61 : i32
      %sign3A_63 = arith.constant 0 : i32
      %sign3A_64 = arith.cmpi sgt, %add3A_60, %sign3A_63 : i32
      %sign3A_65 = arith.extui %sign3A_64 : i1 to i32
      %sign3A_66 = arith.constant 0 : i32
      %sign3A_67 = arith.cmpi slt, %add3A_60, %sign3A_66 : i32
      %sign3A_68 = arith.extui %sign3A_67 : i1 to i32
      %sign3A_69 = arith.subi %sign3A_65, %sign3A_68 : i32
      %sign3A_70 = arith.constant 0 : i32
      %sign3A_71 = arith.cmpi sgt, %jit3A_61, %sign3A_70 : i32
      %sign3A_72 = arith.extui %sign3A_71 : i1 to i32
      %sign3A_73 = arith.constant 0 : i32
      %sign3A_74 = arith.cmpi slt, %jit3A_61, %sign3A_73 : i32
      %sign3A_75 = arith.extui %sign3A_74 : i1 to i32
      %sign3A_76 = arith.subi %sign3A_72, %sign3A_75 : i32
      %ne3A_77 = arith.cmpi ne, %sign3A_69, %sign3A_76 : i32
      %rem3A_78 = arith.remsi %add3A_60, %jit3A_61 : i32
      %ne3A_79 = arith.constant 0 : i32
      %ne3A_80 = arith.cmpi ne, %rem3A_78, %ne3A_79 : i32
      %and3A_81 = arith.andi %ne3A_77, %ne3A_80 : i1
      %sub3A_82 = arith.constant 1 : i32
      %sub3A_83 = arith.subi %div3A_62, %sub3A_82 : i32
      %select_n3A_84 = arith.select %and3A_81, %sub3A_83, %div3A_62 : i32
      %jit3A_85 = arith.constant 2 : i32
      %eq3A = arith.constant 0 : i32
      %eq3A_86 = arith.cmpi eq, %jit3A_85, %eq3A : i32
      %jit3A_87 = arith.constant 1 : i32
      %select_n3A_88 = arith.select %eq3A_86, %jit3A_87, %jit3A_85 : i32
      %rem3A_89 = arith.remsi %add3A_60, %select_n3A_88 : i32
      %ne3A_90 = arith.constant 0 : i32
      %ne3A_91 = arith.cmpi ne, %rem3A_89, %ne3A_90 : i32
      %lt3A = arith.constant 0 : i32
      %lt3A_92 = arith.cmpi slt, %rem3A_89, %lt3A : i32
      %lt3A_93 = arith.constant 0 : i32
      %lt3A_94 = arith.cmpi slt, %select_n3A_88, %lt3A_93 : i32
      %ne3A_95 = arith.xori %lt3A_92, %lt3A_94 : i1
      %and3A_96 = arith.andi %ne3A_95, %ne3A_91 : i1
      %add3A_97 = arith.addi %rem3A_89, %select_n3A_88 : i32
      %select_n3A_98 = arith.select %and3A_96, %add3A_97, %rem3A_89 : i32
      %mul3A_99 = arith.constant 64 : i32
      %mul3A_100 = arith.muli %mul3A_99, %select_n3A_98 : i32
      %dma_start3A_101 = tpu.memref_slice %arg6[%select_n3A_84, %mul3A_100] : memref<50x128xi32, #tpu.memory_space<vmem>> -> memref<1x64xi32, #tpu.memory_space<vmem>>
      %dma_start3A_102 = tpu.memref_squeeze %dma_start3A_101 : memref<1x64xi32, #tpu.memory_space<vmem>> -> memref<64xi32, #tpu.memory_space<vmem>>
      %dma_start3A_103 = arith.constant 0 : i32
      %dma_start3A_104 = arith.constant 0 : i32
      %dma_start3A_105 = tpu.memref_slice %arg5[%dma_start3A_103, %dma_start3A_104] : memref<1002x320xf32, #tpu.memory_space<hbm>> -> memref<1002x320xf32, #tpu.memory_space<hbm>>
      tpu.enqueue_indirect_dma source(%dma_start3A_105 : memref<1002x320xf32, #tpu.memory_space<hbm>>) target(%arg10 : memref<64x320xf32, #tpu.memory_space<vmem>>) offsets(%dma_start3A_102 : memref<64xi32, #tpu.memory_space<vmem>>) semaphore(%arg14 : memref<!tpu.dma_semaphore, #tpu.memory_space<semaphore_mem>>)
      %jit3A_106 = arith.constant 2 : i32
      %div3A_107 = arith.divsi %mul3A_58, %jit3A_106 : i32
      %sign3A_108 = arith.constant 0 : i32
      %sign3A_109 = arith.cmpi sgt, %mul3A_58, %sign3A_108 : i32
      %sign3A_110 = arith.extui %sign3A_109 : i1 to i32
      %sign3A_111 = arith.constant 0 : i32
      %sign3A_112 = arith.cmpi slt, %mul3A_58, %sign3A_111 : i32
      %sign3A_113 = arith.extui %sign3A_112 : i1 to i32
      %sign3A_114 = arith.subi %sign3A_110, %sign3A_113 : i32
      %sign3A_115 = arith.constant 0 : i32
      %sign3A_116 = arith.cmpi sgt, %jit3A_106, %sign3A_115 : i32
      %sign3A_117 = arith.extui %sign3A_116 : i1 to i32
      %sign3A_118 = arith.constant 0 : i32
      %sign3A_119 = arith.cmpi slt, %jit3A_106, %sign3A_118 : i32
      %sign3A_120 = arith.extui %sign3A_119 : i1 to i32
      %sign3A_121 = arith.subi %sign3A_117, %sign3A_120 : i32
      %ne3A_122 = arith.cmpi ne, %sign3A_114, %sign3A_121 : i32
      %rem3A_123 = arith.remsi %mul3A_58, %jit3A_106 : i32
      %ne3A_124 = arith.constant 0 : i32
      %ne3A_125 = arith.cmpi ne, %rem3A_123, %ne3A_124 : i32
      %and3A_126 = arith.andi %ne3A_122, %ne3A_125 : i1
      %sub3A_127 = arith.constant 1 : i32
      %sub3A_128 = arith.subi %div3A_107, %sub3A_127 : i32
      %select_n3A_129 = arith.select %and3A_126, %sub3A_128, %div3A_107 : i32
      %jit3A_130 = arith.constant 2 : i32
      %eq3A_131 = arith.constant 0 : i32
      %eq3A_132 = arith.cmpi eq, %jit3A_130, %eq3A_131 : i32
      %jit3A_133 = arith.constant 1 : i32
      %select_n3A_134 = arith.select %eq3A_132, %jit3A_133, %jit3A_130 : i32
      %rem3A_135 = arith.remsi %mul3A_58, %select_n3A_134 : i32
      %ne3A_136 = arith.constant 0 : i32
      %ne3A_137 = arith.cmpi ne, %rem3A_135, %ne3A_136 : i32
      %lt3A_138 = arith.constant 0 : i32
      %lt3A_139 = arith.cmpi slt, %rem3A_135, %lt3A_138 : i32
      %lt3A_140 = arith.constant 0 : i32
      %lt3A_141 = arith.cmpi slt, %select_n3A_134, %lt3A_140 : i32
      %ne3A_142 = arith.xori %lt3A_139, %lt3A_141 : i1
      %and3A_143 = arith.andi %ne3A_142, %ne3A_137 : i1
      %add3A_144 = arith.addi %rem3A_135, %select_n3A_134 : i32
      %select_n3A_145 = arith.select %and3A_143, %add3A_144, %rem3A_135 : i32
      %mul3A_146 = arith.constant 64 : i32
      %mul3A_147 = arith.muli %mul3A_146, %select_n3A_145 : i32
      %dma_wait3A_148 = tpu.memref_slice %arg6[%select_n3A_129, %mul3A_147] : memref<50x128xi32, #tpu.memory_space<vmem>> -> memref<1x64xi32, #tpu.memory_space<vmem>>
      %dma_wait3A_149 = tpu.memref_squeeze %dma_wait3A_148 : memref<1x64xi32, #tpu.memory_space<vmem>> -> memref<64xi32, #tpu.memory_space<vmem>>
      %dma_wait3A_150 = arith.constant 0 : i32
      %dma_wait3A_151 = arith.constant 0 : i32
      %dma_wait3A_152 = tpu.memref_slice %arg5[%dma_wait3A_150, %dma_wait3A_151] : memref<1002x320xf32, #tpu.memory_space<hbm>> -> memref<1002x320xf32, #tpu.memory_space<hbm>>
      tpu.wait_indirect_dma semaphore(%arg13 : memref<!tpu.dma_semaphore, #tpu.memory_space<semaphore_mem>>) src(%dma_wait3A_152 : memref<1002x320xf32, #tpu.memory_space<hbm>>) dst(%arg9 : memref<64x320xf32, #tpu.memory_space<vmem>>)
      %ge3A = arith.constant 1 : i32
      %ge3A_153 = arith.cmpi sge, %scan3A_56, %ge3A : i32
      %convert_element_type3A = arith.extui %ge3A_153 : i1 to i32
      %cond3A = arith.constant 0 : i32
      %cond3A_154 = arith.cmpi ne, %convert_element_type3A, %cond3A : i32
      scf.if %cond3A_154 {
        %sub3A_231 = arith.constant 2 : i32
        %sub3A_232 = arith.subi %mul3A_58, %sub3A_231 : i32
        %mul3A_233 = arith.constant 19200 : i32
        %mul3A_234 = arith.muli %sub3A_232, %mul3A_233 : i32
        %add3A_235 = arith.addi %mul3A_4, %mul3A_234 : i32
        %dma_wait3A_236 = tpu.memref_slice %arg4[%add3A_235] : memref<61440000xf32, #tpu.memory_space<hbm>> -> memref<19200xf32, #tpu.memory_space<hbm>>
        %dma_wait3A_237 = tpu.memref_slice %arg4[%add3A_235] : memref<61440000xf32, #tpu.memory_space<hbm>> -> memref<19200xf32, #tpu.memory_space<hbm>>
        tpu.wait_dma2 semaphore(%arg15 : memref<!tpu.dma_semaphore, #tpu.memory_space<semaphore_mem>>) src(%arg11 : memref<19200xf32, #tpu.memory_space<vmem>>) dst(%dma_wait3A_237 : memref<19200xf32, #tpu.memory_space<hbm>>)
      } else {
      }
      %parallel_loop3A = arith.constant 0 : i32
      %parallel_loop3A_155 = arith.constant 64 : i32
      %parallel_loop3A_156 = arith.constant 1 : i32
      scf.for %parallel_loop3A_231 = %parallel_loop3A to %parallel_loop3A_155 step %parallel_loop3A_156  : i32 {
        %parallel_loop3A_232 = arith.index_cast %parallel_loop3A_231 : i32 to index
        %parallel_loop3A_233 = arith.constant 0 : index
        %parallel_loop3A_234 = tpu.vector_load %arg9[%parallel_loop3A_232, %parallel_loop3A_233] {strides = array<i32>} : memref<64x320xf32, #tpu.memory_space<vmem>>, vector<1x16xf32>,
        %parallel_loop3A_235 = vector.shape_cast %parallel_loop3A_234 : vector<1x16xf32> to vector<16xf32>
        %parallel_loop3A_236 = arith.constant 300 : i32
        %parallel_loop3A_237 = arith.muli %parallel_loop3A_236, %parallel_loop3A_231 : i32
        %parallel_loop3A_238 = arith.constant 0 : i32
        %parallel_loop3A_239 = arith.addi %parallel_loop3A_237, %parallel_loop3A_238 : i32
        %parallel_loop3A_240 = arith.index_cast %parallel_loop3A_239 : i32 to index
        %parallel_loop3A_241 = tpu.vector_load %arg11[%parallel_loop3A_240] {strides = array<i32>} : memref<19200xf32, #tpu.memory_space<vmem>>, vector<16xf32>,
        %parallel_loop3A_242 = vector.shape_cast %parallel_loop3A_241 : vector<16xf32> to vector<16xf32>
        %parallel_loop3A_243 = vector.shape_cast %parallel_loop3A_235 : vector<16xf32> to vector<16xf32>
        tpu.vector_store %arg11[%parallel_loop3A_240], %parallel_loop3A_243 {strides = array<i32>} : memref<19200xf32, #tpu.memory_space<vmem>>, vector<16xf32>,
        %parallel_loop3A_244 = arith.index_cast %parallel_loop3A_231 : i32 to index
        %parallel_loop3A_245 = arith.constant 16 : index
        %parallel_loop3A_246 = tpu.vector_load %arg9[%parallel_loop3A_244, %parallel_loop3A_245] {strides = array<i32>} : memref<64x320xf32, #tpu.memory_space<vmem>>, vector<1x16xf32>,
        %parallel_loop3A_247 = vector.shape_cast %parallel_loop3A_246 : vector<1x16xf32> to vector<16xf32>
        %parallel_loop3A_248 = arith.constant 300 : i32
        %parallel_loop3A_249 = arith.muli %parallel_loop3A_248, %parallel_loop3A_231 : i32
        %parallel_loop3A_250 = arith.constant 16 : i32
        %parallel_loop3A_251 = arith.addi %parallel_loop3A_249, %parallel_loop3A_250 : i32
        %parallel_loop3A_252 = arith.index_cast %parallel_loop3A_251 : i32 to index
        %parallel_loop3A_253 = tpu.vector_load %arg11[%parallel_loop3A_252] {strides = array<i32>} : memref<19200xf32, #tpu.memory_space<vmem>>, vector<16xf32>,
        %parallel_loop3A_254 = vector.shape_cast %parallel_loop3A_253 : vector<16xf32> to vector<16xf32>
        %parallel_loop3A_255 = vector.shape_cast %parallel_loop3A_247 : vector<16xf32> to vector<16xf32>
        tpu.vector_store %arg11[%parallel_loop3A_252], %parallel_loop3A_255 {strides = array<i32>} : memref<19200xf32, #tpu.memory_space<vmem>>, vector<16xf32>,
        %parallel_loop3A_256 = arith.index_cast %parallel_loop3A_231 : i32 to index
        %parallel_loop3A_257 = arith.constant 32 : index
        %parallel_loop3A_258 = tpu.vector_load %arg9[%parallel_loop3A_256, %parallel_loop3A_257] {strides = array<i32>} : memref<64x320xf32, #tpu.memory_space<vmem>>, vector<1x16xf32>,
        %parallel_loop3A_259 = vector.shape_cast %parallel_loop3A_258 : vector<1x16xf32> to vector<16xf32>
        %parallel_loop3A_260 = arith.constant 300 : i32
        %parallel_loop3A_261 = arith.muli %parallel_loop3A_260, %parallel_loop3A_231 : i32
        %parallel_loop3A_262 = arith.constant 32 : i32
        %parallel_loop3A_263 = arith.addi %parallel_loop3A_261, %parallel_loop3A_262 : i32
        %parallel_loop3A_264 = arith.index_cast %parallel_loop3A_263 : i32 to index
        %parallel_loop3A_265 = tpu.vector_load %arg11[%parallel_loop3A_264] {strides = array<i32>} : memref<19200xf32, #tpu.memory_space<vmem>>, vector<16xf32>,
        %parallel_loop3A_266 = vector.shape_cast %parallel_loop3A_265 : vector<16xf32> to vector<16xf32>
        %parallel_loop3A_267 = vector.shape_cast %parallel_loop3A_259 : vector<16xf32> to vector<16xf32>
        tpu.vector_store %arg11[%parallel_loop3A_264], %parallel_loop3A_267 {strides = array<i32>} : memref<19200xf32, #tpu.memory_space<vmem>>, vector<16xf32>,
        %parallel_loop3A_268 = arith.index_cast %parallel_loop3A_231 : i32 to index
        %parallel_loop3A_269 = arith.constant 48 : index
        %parallel_loop3A_270 = tpu.vector_load %arg9[%parallel_loop3A_268, %parallel_loop3A_269] {strides = array<i32>} : memref<64x320xf32, #tpu.memory_space<vmem>>, vector<1x16xf32>,
        %parallel_loop3A_271 = vector.shape_cast %parallel_loop3A_270 : vector<1x16xf32> to vector<16xf32>
        %parallel_loop3A_272 = arith.constant 300 : i32
        %parallel_loop3A_273 = arith.muli %parallel_loop3A_272, %parallel_loop3A_231 : i32
        %parallel_loop3A_274 = arith.constant 48 : i32
        %parallel_loop3A_275 = arith.addi %parallel_loop3A_273, %parallel_loop3A_274 : i32
        %parallel_loop3A_276 = arith.index_cast %parallel_loop3A_275 : i32 to index
        %parallel_loop3A_277 = tpu.vector_load %arg11[%parallel_loop3A_276] {strides = array<i32>} : memref<19200xf32, #tpu.memory_space<vmem>>, vector<16xf32>,
        %parallel_loop3A_278 = vector.shape_cast %parallel_loop3A_277 : vector<16xf32> to vector<16xf32>
        %parallel_loop3A_279 = vector.shape_cast %parallel_loop3A_271 : vector<16xf32> to vector<16xf32>
        tpu.vector_store %arg11[%parallel_loop3A_276], %parallel_loop3A_279 {strides = array<i32>} : memref<19200xf32, #tpu.memory_space<vmem>>, vector<16xf32>,
        %parallel_loop3A_280 = arith.index_cast %parallel_loop3A_231 : i32 to index
        %parallel_loop3A_281 = arith.constant 64 : index
        %parallel_loop3A_282 = tpu.vector_load %arg9[%parallel_loop3A_280, %parallel_loop3A_281] {strides = array<i32>} : memref<64x320xf32, #tpu.memory_space<vmem>>, vector<1x16xf32>,
        %parallel_loop3A_283 = vector.shape_cast %parallel_loop3A_282 : vector<1x16xf32> to vector<16xf32>
        %parallel_loop3A_284 = arith.constant 300 : i32
        %parallel_loop3A_285 = arith.muli %parallel_loop3A_284, %parallel_loop3A_231 : i32
        %parallel_loop3A_286 = arith.constant 64 : i32
        %parallel_loop3A_287 = arith.addi %parallel_loop3A_285, %parallel_loop3A_286 : i32
        %parallel_loop3A_288 = arith.index_cast %parallel_loop3A_287 : i32 to index
        %parallel_loop3A_289 = tpu.vector_load %arg11[%parallel_loop3A_288] {strides = array<i32>} : memref<19200xf32, #tpu.memory_space<vmem>>, vector<16xf32>,
        %parallel_loop3A_290 = vector.shape_cast %parallel_loop3A_289 : vector<16xf32> to vector<16xf32>
        %parallel_loop3A_291 = vector.shape_cast %parallel_loop3A_283 : vector<16xf32> to vector<16xf32>
        tpu.vector_store %arg11[%parallel_loop3A_288], %parallel_loop3A_291 {strides = array<i32>} : memref<19200xf32, #tpu.memory_space<vmem>>, vector<16xf32>,
        %parallel_loop3A_292 = arith.index_cast %parallel_loop3A_231 : i32 to index
        %parallel_loop3A_293 = arith.constant 80 : index
        %parallel_loop3A_294 = tpu.vector_load %arg9[%parallel_loop3A_292, %parallel_loop3A_293] {strides = array<i32>} : memref<64x320xf32, #tpu.memory_space<vmem>>, vector<1x16xf32>,
        %parallel_loop3A_295 = vector.shape_cast %parallel_loop3A_294 : vector<1x16xf32> to vector<16xf32>
        %parallel_loop3A_296 = arith.constant 300 : i32
        %parallel_loop3A_297 = arith.muli %parallel_loop3A_296, %parallel_loop3A_231 : i32
        %parallel_loop3A_298 = arith.constant 80 : i32
        %parallel_loop3A_299 = arith.addi %parallel_loop3A_297, %parallel_loop3A_298 : i32
        %parallel_loop3A_300 = arith.index_cast %parallel_loop3A_299 : i32 to index
        %parallel_loop3A_301 = tpu.vector_load %arg11[%parallel_loop3A_300] {strides = array<i32>} : memref<19200xf32, #tpu.memory_space<vmem>>, vector<16xf32>,
        %parallel_loop3A_302 = vector.shape_cast %parallel_loop3A_301 : vector<16xf32> to vector<16xf32>
        %parallel_loop3A_303 = vector.shape_cast %parallel_loop3A_295 : vector<16xf32> to vector<16xf32>
        tpu.vector_store %arg11[%parallel_loop3A_300], %parallel_loop3A_303 {strides = array<i32>} : memref<19200xf32, #tpu.memory_space<vmem>>, vector<16xf32>,
        %parallel_loop3A_304 = arith.index_cast %parallel_loop3A_231 : i32 to index
        %parallel_loop3A_305 = arith.constant 96 : index
        %parallel_loop3A_306 = tpu.vector_load %arg9[%parallel_loop3A_304, %parallel_loop3A_305] {strides = array<i32>} : memref<64x320xf32, #tpu.memory_space<vmem>>, vector<1x16xf32>,
        %parallel_loop3A_307 = vector.shape_cast %parallel_loop3A_306 : vector<1x16xf32> to vector<16xf32>
        %parallel_loop3A_308 = arith.constant 300 : i32
        %parallel_loop3A_309 = arith.muli %parallel_loop3A_308, %parallel_loop3A_231 : i32
        %parallel_loop3A_310 = arith.constant 96 : i32
        %parallel_loop3A_311 = arith.addi %parallel_loop3A_309, %parallel_loop3A_310 : i32
        %parallel_loop3A_312 = arith.index_cast %parallel_loop3A_311 : i32 to index
        %parallel_loop3A_313 = tpu.vector_load %arg11[%parallel_loop3A_312] {strides = array<i32>} : memref<19200xf32, #tpu.memory_space<vmem>>, vector<16xf32>,
        %parallel_loop3A_314 = vector.shape_cast %parallel_loop3A_313 : vector<16xf32> to vector<16xf32>
        %parallel_loop3A_315 = vector.shape_cast %parallel_loop3A_307 : vector<16xf32> to vector<16xf32>
        tpu.vector_store %arg11[%parallel_loop3A_312], %parallel_loop3A_315 {strides = array<i32>} : memref<19200xf32, #tpu.memory_space<vmem>>, vector<16xf32>,
        %parallel_loop3A_316 = arith.index_cast %parallel_loop3A_231 : i32 to index
        %parallel_loop3A_317 = arith.constant 112 : index
        %parallel_loop3A_318 = tpu.vector_load %arg9[%parallel_loop3A_316, %parallel_loop3A_317] {strides = array<i32>} : memref<64x320xf32, #tpu.memory_space<vmem>>, vector<1x16xf32>,
        %parallel_loop3A_319 = vector.shape_cast %parallel_loop3A_318 : vector<1x16xf32> to vector<16xf32>
        %parallel_loop3A_320 = arith.constant 300 : i32
        %parallel_loop3A_321 = arith.muli %parallel_loop3A_320, %parallel_loop3A_231 : i32
        %parallel_loop3A_322 = arith.constant 112 : i32
        %parallel_loop3A_323 = arith.addi %parallel_loop3A_321, %parallel_loop3A_322 : i32
        %parallel_loop3A_324 = arith.index_cast %parallel_loop3A_323 : i32 to index
        %parallel_loop3A_325 = tpu.vector_load %arg11[%parallel_loop3A_324] {strides = array<i32>} : memref<19200xf32, #tpu.memory_space<vmem>>, vector<16xf32>,
        %parallel_loop3A_326 = vector.shape_cast %parallel_loop3A_325 : vector<16xf32> to vector<16xf32>
        %parallel_loop3A_327 = vector.shape_cast %parallel_loop3A_319 : vector<16xf32> to vector<16xf32>
        tpu.vector_store %arg11[%parallel_loop3A_324], %parallel_loop3A_327 {strides = array<i32>} : memref<19200xf32, #tpu.memory_space<vmem>>, vector<16xf32>,
        %parallel_loop3A_328 = arith.index_cast %parallel_loop3A_231 : i32 to index
        %parallel_loop3A_329 = arith.constant 128 : index
        %parallel_loop3A_330 = tpu.vector_load %arg9[%parallel_loop3A_328, %parallel_loop3A_329] {strides = array<i32>} : memref<64x320xf32, #tpu.memory_space<vmem>>, vector<1x16xf32>,
        %parallel_loop3A_331 = vector.shape_cast %parallel_loop3A_330 : vector<1x16xf32> to vector<16xf32>
        %parallel_loop3A_332 = arith.constant 300 : i32
        %parallel_loop3A_333 = arith.muli %parallel_loop3A_332, %parallel_loop3A_231 : i32
        %parallel_loop3A_334 = arith.constant 128 : i32
        %parallel_loop3A_335 = arith.addi %parallel_loop3A_333, %parallel_loop3A_334 : i32
        %parallel_loop3A_336 = arith.index_cast %parallel_loop3A_335 : i32 to index
        %parallel_loop3A_337 = tpu.vector_load %arg11[%parallel_loop3A_336] {strides = array<i32>} : memref<19200xf32, #tpu.memory_space<vmem>>, vector<16xf32>,
        %parallel_loop3A_338 = vector.shape_cast %parallel_loop3A_337 : vector<16xf32> to vector<16xf32>
        %parallel_loop3A_339 = vector.shape_cast %parallel_loop3A_331 : vector<16xf32> to vector<16xf32>
        tpu.vector_store %arg11[%parallel_loop3A_336], %parallel_loop3A_339 {strides = array<i32>} : memref<19200xf32, #tpu.memory_space<vmem>>, vector<16xf32>,
        %parallel_loop3A_340 = arith.index_cast %parallel_loop3A_231 : i32 to index
        %parallel_loop3A_341 = arith.constant 144 : index
        %parallel_loop3A_342 = tpu.vector_load %arg9[%parallel_loop3A_340, %parallel_loop3A_341] {strides = array<i32>} : memref<64x320xf32, #tpu.memory_space<vmem>>, vector<1x16xf32>,
        %parallel_loop3A_343 = vector.shape_cast %parallel_loop3A_342 : vector<1x16xf32> to vector<16xf32>
        %parallel_loop3A_344 = arith.constant 300 : i32
        %parallel_loop3A_345 = arith.muli %parallel_loop3A_344, %parallel_loop3A_231 : i32
        %parallel_loop3A_346 = arith.constant 144 : i32
        %parallel_loop3A_347 = arith.addi %parallel_loop3A_345, %parallel_loop3A_346 : i32
        %parallel_loop3A_348 = arith.index_cast %parallel_loop3A_347 : i32 to index
        %parallel_loop3A_349 = tpu.vector_load %arg11[%parallel_loop3A_348] {strides = array<i32>} : memref<19200xf32, #tpu.memory_space<vmem>>, vector<16xf32>,
        %parallel_loop3A_350 = vector.shape_cast %parallel_loop3A_349 : vector<16xf32> to vector<16xf32>
        %parallel_loop3A_351 = vector.shape_cast %parallel_loop3A_343 : vector<16xf32> to vector<16xf32>
        tpu.vector_store %arg11[%parallel_loop3A_348], %parallel_loop3A_351 {strides = array<i32>} : memref<19200xf32, #tpu.memory_space<vmem>>, vector<16xf32>,
        %parallel_loop3A_352 = arith.index_cast %parallel_loop3A_231 : i32 to index
        %parallel_loop3A_353 = arith.constant 160 : index
        %parallel_loop3A_354 = tpu.vector_load %arg9[%parallel_loop3A_352, %parallel_loop3A_353] {strides = array<i32>} : memref<64x320xf32, #tpu.memory_space<vmem>>, vector<1x16xf32>,
        %parallel_loop3A_355 = vector.shape_cast %parallel_loop3A_354 : vector<1x16xf32> to vector<16xf32>
        %parallel_loop3A_356 = arith.constant 300 : i32
        %parallel_loop3A_357 = arith.muli %parallel_loop3A_356, %parallel_loop3A_231 : i32
        %parallel_loop3A_358 = arith.constant 160 : i32
        %parallel_loop3A_359 = arith.addi %parallel_loop3A_357, %parallel_loop3A_358 : i32
        %parallel_loop3A_360 = arith.index_cast %parallel_loop3A_359 : i32 to index
        %parallel_loop3A_361 = tpu.vector_load %arg11[%parallel_loop3A_360] {strides = array<i32>} : memref<19200xf32, #tpu.memory_space<vmem>>, vector<16xf32>,
        %parallel_loop3A_362 = vector.shape_cast %parallel_loop3A_361 : vector<16xf32> to vector<16xf32>
        %parallel_loop3A_363 = vector.shape_cast %parallel_loop3A_355 : vector<16xf32> to vector<16xf32>
        tpu.vector_store %arg11[%parallel_loop3A_360], %parallel_loop3A_363 {strides = array<i32>} : memref<19200xf32, #tpu.memory_space<vmem>>, vector<16xf32>,
        %parallel_loop3A_364 = arith.index_cast %parallel_loop3A_231 : i32 to index
        %parallel_loop3A_365 = arith.constant 176 : index
        %parallel_loop3A_366 = tpu.vector_load %arg9[%parallel_loop3A_364, %parallel_loop3A_365] {strides = array<i32>} : memref<64x320xf32, #tpu.memory_space<vmem>>, vector<1x16xf32>,
        %parallel_loop3A_367 = vector.shape_cast %parallel_loop3A_366 : vector<1x16xf32> to vector<16xf32>
        %parallel_loop3A_368 = arith.constant 300 : i32
        %parallel_loop3A_369 = arith.muli %parallel_loop3A_368, %parallel_loop3A_231 : i32
        %parallel_loop3A_370 = arith.constant 176 : i32
        %parallel_loop3A_371 = arith.addi %parallel_loop3A_369, %parallel_loop3A_370 : i32
        %parallel_loop3A_372 = arith.index_cast %parallel_loop3A_371 : i32 to index
        %parallel_loop3A_373 = tpu.vector_load %arg11[%parallel_loop3A_372] {strides = array<i32>} : memref<19200xf32, #tpu.memory_space<vmem>>, vector<16xf32>,
        %parallel_loop3A_374 = vector.shape_cast %parallel_loop3A_373 : vector<16xf32> to vector<16xf32>
        %parallel_loop3A_375 = vector.shape_cast %parallel_loop3A_367 : vector<16xf32> to vector<16xf32>
        tpu.vector_store %arg11[%parallel_loop3A_372], %parallel_loop3A_375 {strides = array<i32>} : memref<19200xf32, #tpu.memory_space<vmem>>, vector<16xf32>,
        %parallel_loop3A_376 = arith.index_cast %parallel_loop3A_231 : i32 to index
        %parallel_loop3A_377 = arith.constant 192 : index
        %parallel_loop3A_378 = tpu.vector_load %arg9[%parallel_loop3A_376, %parallel_loop3A_377] {strides = array<i32>} : memref<64x320xf32, #tpu.memory_space<vmem>>, vector<1x16xf32>,
        %parallel_loop3A_379 = vector.shape_cast %parallel_loop3A_378 : vector<1x16xf32> to vector<16xf32>
        %parallel_loop3A_380 = arith.constant 300 : i32
        %parallel_loop3A_381 = arith.muli %parallel_loop3A_380, %parallel_loop3A_231 : i32
        %parallel_loop3A_382 = arith.constant 192 : i32
        %parallel_loop3A_383 = arith.addi %parallel_loop3A_381, %parallel_loop3A_382 : i32
        %parallel_loop3A_384 = arith.index_cast %parallel_loop3A_383 : i32 to index
        %parallel_loop3A_385 = tpu.vector_load %arg11[%parallel_loop3A_384] {strides = array<i32>} : memref<19200xf32, #tpu.memory_space<vmem>>, vector<16xf32>,
        %parallel_loop3A_386 = vector.shape_cast %parallel_loop3A_385 : vector<16xf32> to vector<16xf32>
        %parallel_loop3A_387 = vector.shape_cast %parallel_loop3A_379 : vector<16xf32> to vector<16xf32>
        tpu.vector_store %arg11[%parallel_loop3A_384], %parallel_loop3A_387 {strides = array<i32>} : memref<19200xf32, #tpu.memory_space<vmem>>, vector<16xf32>,
        %parallel_loop3A_388 = arith.index_cast %parallel_loop3A_231 : i32 to index
        %parallel_loop3A_389 = arith.constant 208 : index
        %parallel_loop3A_390 = tpu.vector_load %arg9[%parallel_loop3A_388, %parallel_loop3A_389] {strides = array<i32>} : memref<64x320xf32, #tpu.memory_space<vmem>>, vector<1x16xf32>,
        %parallel_loop3A_391 = vector.shape_cast %parallel_loop3A_390 : vector<1x16xf32> to vector<16xf32>
        %parallel_loop3A_392 = arith.constant 300 : i32
        %parallel_loop3A_393 = arith.muli %parallel_loop3A_392, %parallel_loop3A_231 : i32
        %parallel_loop3A_394 = arith.constant 208 : i32
        %parallel_loop3A_395 = arith.addi %parallel_loop3A_393, %parallel_loop3A_394 : i32
        %parallel_loop3A_396 = arith.index_cast %parallel_loop3A_395 : i32 to index
        %parallel_loop3A_397 = tpu.vector_load %arg11[%parallel_loop3A_396] {strides = array<i32>} : memref<19200xf32, #tpu.memory_space<vmem>>, vector<16xf32>,
        %parallel_loop3A_398 = vector.shape_cast %parallel_loop3A_397 : vector<16xf32> to vector<16xf32>
        %parallel_loop3A_399 = vector.shape_cast %parallel_loop3A_391 : vector<16xf32> to vector<16xf32>
        tpu.vector_store %arg11[%parallel_loop3A_396], %parallel_loop3A_399 {strides = array<i32>} : memref<19200xf32, #tpu.memory_space<vmem>>, vector<16xf32>,
        %parallel_loop3A_400 = arith.index_cast %parallel_loop3A_231 : i32 to index
        %parallel_loop3A_401 = arith.constant 224 : index
        %parallel_loop3A_402 = tpu.vector_load %arg9[%parallel_loop3A_400, %parallel_loop3A_401] {strides = array<i32>} : memref<64x320xf32, #tpu.memory_space<vmem>>, vector<1x16xf32>,
        %parallel_loop3A_403 = vector.shape_cast %parallel_loop3A_402 : vector<1x16xf32> to vector<16xf32>
        %parallel_loop3A_404 = arith.constant 300 : i32
        %parallel_loop3A_405 = arith.muli %parallel_loop3A_404, %parallel_loop3A_231 : i32
        %parallel_loop3A_406 = arith.constant 224 : i32
        %parallel_loop3A_407 = arith.addi %parallel_loop3A_405, %parallel_loop3A_406 : i32
        %parallel_loop3A_408 = arith.index_cast %parallel_loop3A_407 : i32 to index
        %parallel_loop3A_409 = tpu.vector_load %arg11[%parallel_loop3A_408] {strides = array<i32>} : memref<19200xf32, #tpu.memory_space<vmem>>, vector<16xf32>,
        %parallel_loop3A_410 = vector.shape_cast %parallel_loop3A_409 : vector<16xf32> to vector<16xf32>
        %parallel_loop3A_411 = vector.shape_cast %parallel_loop3A_403 : vector<16xf32> to vector<16xf32>
        tpu.vector_store %arg11[%parallel_loop3A_408], %parallel_loop3A_411 {strides = array<i32>} : memref<19200xf32, #tpu.memory_space<vmem>>, vector<16xf32>,
        %parallel_loop3A_412 = arith.index_cast %parallel_loop3A_231 : i32 to index
        %parallel_loop3A_413 = arith.constant 240 : index
        %parallel_loop3A_414 = tpu.vector_load %arg9[%parallel_loop3A_412, %parallel_loop3A_413] {strides = array<i32>} : memref<64x320xf32, #tpu.memory_space<vmem>>, vector<1x16xf32>,
        %parallel_loop3A_415 = vector.shape_cast %parallel_loop3A_414 : vector<1x16xf32> to vector<16xf32>
        %parallel_loop3A_416 = arith.constant 300 : i32
        %parallel_loop3A_417 = arith.muli %parallel_loop3A_416, %parallel_loop3A_231 : i32
        %parallel_loop3A_418 = arith.constant 240 : i32
        %parallel_loop3A_419 = arith.addi %parallel_loop3A_417, %parallel_loop3A_418 : i32
        %parallel_loop3A_420 = arith.index_cast %parallel_loop3A_419 : i32 to index
        %parallel_loop3A_421 = tpu.vector_load %arg11[%parallel_loop3A_420] {strides = array<i32>} : memref<19200xf32, #tpu.memory_space<vmem>>, vector<16xf32>,
        %parallel_loop3A_422 = vector.shape_cast %parallel_loop3A_421 : vector<16xf32> to vector<16xf32>
        %parallel_loop3A_423 = vector.shape_cast %parallel_loop3A_415 : vector<16xf32> to vector<16xf32>
        tpu.vector_store %arg11[%parallel_loop3A_420], %parallel_loop3A_423 {strides = array<i32>} : memref<19200xf32, #tpu.memory_space<vmem>>, vector<16xf32>,
        %parallel_loop3A_424 = arith.index_cast %parallel_loop3A_231 : i32 to index
        %parallel_loop3A_425 = arith.constant 256 : index
        %parallel_loop3A_426 = tpu.vector_load %arg9[%parallel_loop3A_424, %parallel_loop3A_425] {strides = array<i32>} : memref<64x320xf32, #tpu.memory_space<vmem>>, vector<1x16xf32>,
        %parallel_loop3A_427 = vector.shape_cast %parallel_loop3A_426 : vector<1x16xf32> to vector<16xf32>
        %parallel_loop3A_428 = arith.constant 300 : i32
        %parallel_loop3A_429 = arith.muli %parallel_loop3A_428, %parallel_loop3A_231 : i32
        %parallel_loop3A_430 = arith.constant 256 : i32
        %parallel_loop3A_431 = arith.addi %parallel_loop3A_429, %parallel_loop3A_430 : i32
        %parallel_loop3A_432 = arith.index_cast %parallel_loop3A_431 : i32 to index
        %parallel_loop3A_433 = tpu.vector_load %arg11[%parallel_loop3A_432] {strides = array<i32>} : memref<19200xf32, #tpu.memory_space<vmem>>, vector<16xf32>,
        %parallel_loop3A_434 = vector.shape_cast %parallel_loop3A_433 : vector<16xf32> to vector<16xf32>
        %parallel_loop3A_435 = vector.shape_cast %parallel_loop3A_427 : vector<16xf32> to vector<16xf32>
        tpu.vector_store %arg11[%parallel_loop3A_432], %parallel_loop3A_435 {strides = array<i32>} : memref<19200xf32, #tpu.memory_space<vmem>>, vector<16xf32>,
        %parallel_loop3A_436 = arith.index_cast %parallel_loop3A_231 : i32 to index
        %parallel_loop3A_437 = arith.constant 272 : index
        %parallel_loop3A_438 = tpu.vector_load %arg9[%parallel_loop3A_436, %parallel_loop3A_437] {strides = array<i32>} : memref<64x320xf32, #tpu.memory_space<vmem>>, vector<1x16xf32>,
        %parallel_loop3A_439 = vector.shape_cast %parallel_loop3A_438 : vector<1x16xf32> to vector<16xf32>
        %parallel_loop3A_440 = arith.constant 300 : i32
        %parallel_loop3A_441 = arith.muli %parallel_loop3A_440, %parallel_loop3A_231 : i32
        %parallel_loop3A_442 = arith.constant 272 : i32
        %parallel_loop3A_443 = arith.addi %parallel_loop3A_441, %parallel_loop3A_442 : i32
        %parallel_loop3A_444 = arith.index_cast %parallel_loop3A_443 : i32 to index
        %parallel_loop3A_445 = tpu.vector_load %arg11[%parallel_loop3A_444] {strides = array<i32>} : memref<19200xf32, #tpu.memory_space<vmem>>, vector<16xf32>,
        %parallel_loop3A_446 = vector.shape_cast %parallel_loop3A_445 : vector<16xf32> to vector<16xf32>
        %parallel_loop3A_447 = vector.shape_cast %parallel_loop3A_439 : vector<16xf32> to vector<16xf32>
        tpu.vector_store %arg11[%parallel_loop3A_444], %parallel_loop3A_447 {strides = array<i32>} : memref<19200xf32, #tpu.memory_space<vmem>>, vector<16xf32>,
        %parallel_loop3A_448 = arith.index_cast %parallel_loop3A_231 : i32 to index
        %parallel_loop3A_449 = arith.constant 284 : index
        %parallel_loop3A_450 = tpu.vector_load %arg9[%parallel_loop3A_448, %parallel_loop3A_449] {strides = array<i32>} : memref<64x320xf32, #tpu.memory_space<vmem>>, vector<1x16xf32>,
        %parallel_loop3A_451 = vector.shape_cast %parallel_loop3A_450 : vector<1x16xf32> to vector<16xf32>
        %parallel_loop3A_452 = arith.constant 300 : i32
        %parallel_loop3A_453 = arith.muli %parallel_loop3A_452, %parallel_loop3A_231 : i32
        %parallel_loop3A_454 = arith.constant 300 : i32
        %parallel_loop3A_455 = arith.addi %parallel_loop3A_453, %parallel_loop3A_454 : i32
        %parallel_loop3A_456 = arith.constant 16 : i32
        %parallel_loop3A_457 = arith.subi %parallel_loop3A_455, %parallel_loop3A_456 : i32
        %parallel_loop3A_458 = arith.index_cast %parallel_loop3A_457 : i32 to index
        %parallel_loop3A_459 = tpu.vector_load %arg11[%parallel_loop3A_458] {strides = array<i32>} : memref<19200xf32, #tpu.memory_space<vmem>>, vector<16xf32>,
        %parallel_loop3A_460 = vector.shape_cast %parallel_loop3A_459 : vector<16xf32> to vector<16xf32>
        %parallel_loop3A_461 = vector.shape_cast %parallel_loop3A_451 : vector<16xf32> to vector<16xf32>
        tpu.vector_store %arg11[%parallel_loop3A_458], %parallel_loop3A_461 {strides = array<i32>} : memref<19200xf32, #tpu.memory_space<vmem>>, vector<16xf32>,
      } {sc.loop_unroll_factor = 4 : i64, sc.parallel_access}
      %mul3A_157 = arith.constant 19200 : i32
      %mul3A_158 = arith.muli %mul3A_58, %mul3A_157 : i32
      %add3A_159 = arith.addi %mul3A_4, %mul3A_158 : i32
      %dma_start3A_160 = tpu.memref_slice %arg4[%add3A_159] : memref<61440000xf32, #tpu.memory_space<hbm>> -> memref<19200xf32, #tpu.memory_space<hbm>>
      %dma_start3A_161 = tpu.memref_slice %arg4[%add3A_159] : memref<61440000xf32, #tpu.memory_space<hbm>> -> memref<19200xf32, #tpu.memory_space<hbm>>
      tpu.enqueue_dma source(%arg11 : memref<19200xf32, #tpu.memory_space<vmem>>) target(%dma_start3A_161 : memref<19200xf32, #tpu.memory_space<hbm>>) target_semaphore(%arg15 : memref<!tpu.dma_semaphore, #tpu.memory_space<semaphore_mem>>)
      %lt3A_162 = arith.constant 49 : i32
      %lt3A_163 = arith.cmpi slt, %scan3A_56, %lt3A_162 : i32
      %convert_element_type3A_164 = arith.extui %lt3A_163 : i1 to i32
      %cond3A_165 = arith.constant 0 : i32
      %cond3A_166 = arith.cmpi ne, %convert_element_type3A_164, %cond3A_165 : i32
      scf.if %cond3A_166 {
        %add3A_231 = arith.constant 2 : i32
        %add3A_232 = arith.addi %mul3A_58, %add3A_231 : i32
        %jit3A_233 = arith.constant 2 : i32
        %div3A_234 = arith.divsi %add3A_232, %jit3A_233 : i32
        %sign3A_235 = arith.constant 0 : i32
        %sign3A_236 = arith.cmpi sgt, %add3A_232, %sign3A_235 : i32
        %sign3A_237 = arith.extui %sign3A_236 : i1 to i32
        %sign3A_238 = arith.constant 0 : i32
        %sign3A_239 = arith.cmpi slt, %add3A_232, %sign3A_238 : i32
        %sign3A_240 = arith.extui %sign3A_239 : i1 to i32
        %sign3A_241 = arith.subi %sign3A_237, %sign3A_240 : i32
        %sign3A_242 = arith.constant 0 : i32
        %sign3A_243 = arith.cmpi sgt, %jit3A_233, %sign3A_242 : i32
        %sign3A_244 = arith.extui %sign3A_243 : i1 to i32
        %sign3A_245 = arith.constant 0 : i32
        %sign3A_246 = arith.cmpi slt, %jit3A_233, %sign3A_245 : i32
        %sign3A_247 = arith.extui %sign3A_246 : i1 to i32
        %sign3A_248 = arith.subi %sign3A_244, %sign3A_247 : i32
        %ne3A_249 = arith.cmpi ne, %sign3A_241, %sign3A_248 : i32
        %rem3A_250 = arith.remsi %add3A_232, %jit3A_233 : i32
        %ne3A_251 = arith.constant 0 : i32
        %ne3A_252 = arith.cmpi ne, %rem3A_250, %ne3A_251 : i32
        %and3A_253 = arith.andi %ne3A_249, %ne3A_252 : i1
        %sub3A_254 = arith.constant 1 : i32
        %sub3A_255 = arith.subi %div3A_234, %sub3A_254 : i32
        %select_n3A_256 = arith.select %and3A_253, %sub3A_255, %div3A_234 : i32
        %jit3A_257 = arith.constant 2 : i32
        %eq3A_258 = arith.constant 0 : i32
        %eq3A_259 = arith.cmpi eq, %jit3A_257, %eq3A_258 : i32
        %jit3A_260 = arith.constant 1 : i32
        %select_n3A_261 = arith.select %eq3A_259, %jit3A_260, %jit3A_257 : i32
        %rem3A_262 = arith.remsi %add3A_232, %select_n3A_261 : i32
        %ne3A_263 = arith.constant 0 : i32
        %ne3A_264 = arith.cmpi ne, %rem3A_262, %ne3A_263 : i32
        %lt3A_265 = arith.constant 0 : i32
        %lt3A_266 = arith.cmpi slt, %rem3A_262, %lt3A_265 : i32
        %lt3A_267 = arith.constant 0 : i32
        %lt3A_268 = arith.cmpi slt, %select_n3A_261, %lt3A_267 : i32
        %ne3A_269 = arith.xori %lt3A_266, %lt3A_268 : i1
        %and3A_270 = arith.andi %ne3A_269, %ne3A_264 : i1
        %add3A_271 = arith.addi %rem3A_262, %select_n3A_261 : i32
        %select_n3A_272 = arith.select %and3A_270, %add3A_271, %rem3A_262 : i32
        %mul3A_273 = arith.constant 64 : i32
        %mul3A_274 = arith.muli %mul3A_273, %select_n3A_272 : i32
        %dma_start3A_275 = tpu.memref_slice %arg6[%select_n3A_256, %mul3A_274] : memref<50x128xi32, #tpu.memory_space<vmem>> -> memref<1x64xi32, #tpu.memory_space<vmem>>
        %dma_start3A_276 = tpu.memref_squeeze %dma_start3A_275 : memref<1x64xi32, #tpu.memory_space<vmem>> -> memref<64xi32, #tpu.memory_space<vmem>>
        %dma_start3A_277 = arith.constant 0 : i32
        %dma_start3A_278 = arith.constant 0 : i32
        %dma_start3A_279 = tpu.memref_slice %arg5[%dma_start3A_277, %dma_start3A_278] : memref<1002x320xf32, #tpu.memory_space<hbm>> -> memref<1002x320xf32, #tpu.memory_space<hbm>>
        tpu.enqueue_indirect_dma source(%dma_start3A_279 : memref<1002x320xf32, #tpu.memory_space<hbm>>) target(%arg9 : memref<64x320xf32, #tpu.memory_space<vmem>>) offsets(%dma_start3A_276 : memref<64xi32, #tpu.memory_space<vmem>>) semaphore(%arg13 : memref<!tpu.dma_semaphore, #tpu.memory_space<semaphore_mem>>)
      } else {
      }
      %add3A_167 = arith.constant 1 : i32
      %add3A_168 = arith.addi %mul3A_58, %add3A_167 : i32
      %jit3A_169 = arith.constant 2 : i32
      %div3A_170 = arith.divsi %add3A_168, %jit3A_169 : i32
      %sign3A_171 = arith.constant 0 : i32
      %sign3A_172 = arith.cmpi sgt, %add3A_168, %sign3A_171 : i32
      %sign3A_173 = arith.extui %sign3A_172 : i1 to i32
      %sign3A_174 = arith.constant 0 : i32
      %sign3A_175 = arith.cmpi slt, %add3A_168, %sign3A_174 : i32
      %sign3A_176 = arith.extui %sign3A_175 : i1 to i32
      %sign3A_177 = arith.subi %sign3A_173, %sign3A_176 : i32
      %sign3A_178 = arith.constant 0 : i32
      %sign3A_179 = arith.cmpi sgt, %jit3A_169, %sign3A_178 : i32
      %sign3A_180 = arith.extui %sign3A_179 : i1 to i32
      %sign3A_181 = arith.constant 0 : i32
      %sign3A_182 = arith.cmpi slt, %jit3A_169, %sign3A_181 : i32
      %sign3A_183 = arith.extui %sign3A_182 : i1 to i32
      %sign3A_184 = arith.subi %sign3A_180, %sign3A_183 : i32
      %ne3A_185 = arith.cmpi ne, %sign3A_177, %sign3A_184 : i32
      %rem3A_186 = arith.remsi %add3A_168, %jit3A_169 : i32
      %ne3A_187 = arith.constant 0 : i32
      %ne3A_188 = arith.cmpi ne, %rem3A_186, %ne3A_187 : i32
      %and3A_189 = arith.andi %ne3A_185, %ne3A_188 : i1
      %sub3A_190 = arith.constant 1 : i32
      %sub3A_191 = arith.subi %div3A_170, %sub3A_190 : i32
      %select_n3A_192 = arith.select %and3A_189, %sub3A_191, %div3A_170 : i32
      %jit3A_193 = arith.constant 2 : i32
      %eq3A_194 = arith.constant 0 : i32
      %eq3A_195 = arith.cmpi eq, %jit3A_193, %eq3A_194 : i32
      %jit3A_196 = arith.constant 1 : i32
      %select_n3A_197 = arith.select %eq3A_195, %jit3A_196, %jit3A_193 : i32
      %rem3A_198 = arith.remsi %add3A_168, %select_n3A_197 : i32
      %ne3A_199 = arith.constant 0 : i32
      %ne3A_200 = arith.cmpi ne, %rem3A_198, %ne3A_199 : i32
      %lt3A_201 = arith.constant 0 : i32
      %lt3A_202 = arith.cmpi slt, %rem3A_198, %lt3A_201 : i32
      %lt3A_203 = arith.constant 0 : i32
      %lt3A_204 = arith.cmpi slt, %select_n3A_197, %lt3A_203 : i32
      %ne3A_205 = arith.xori %lt3A_202, %lt3A_204 : i1
      %and3A_206 = arith.andi %ne3A_205, %ne3A_200 : i1
      %add3A_207 = arith.addi %rem3A_198, %select_n3A_197 : i32
      %select_n3A_208 = arith.select %and3A_206, %add3A_207, %rem3A_198 : i32
      %mul3A_209 = arith.constant 64 : i32
      %mul3A_210 = arith.muli %mul3A_209, %select_n3A_208 : i32
      %dma_wait3A_211 = tpu.memref_slice %arg6[%select_n3A_192, %mul3A_210] : memref<50x128xi32, #tpu.memory_space<vmem>> -> memref<1x64xi32, #tpu.memory_space<vmem>>
      %dma_wait3A_212 = tpu.memref_squeeze %dma_wait3A_211 : memref<1x64xi32, #tpu.memory_space<vmem>> -> memref<64xi32, #tpu.memory_space<vmem>>
      %dma_wait3A_213 = arith.constant 0 : i32
      %dma_wait3A_214 = arith.constant 0 : i32
      %dma_wait3A_215 = tpu.memref_slice %arg5[%dma_wait3A_213, %dma_wait3A_214] : memref<1002x320xf32, #tpu.memory_space<hbm>> -> memref<1002x320xf32, #tpu.memory_space<hbm>>
      tpu.wait_indirect_dma semaphore(%arg14 : memref<!tpu.dma_semaphore, #tpu.memory_space<semaphore_mem>>) src(%dma_wait3A_215 : memref<1002x320xf32, #tpu.memory_space<hbm>>) dst(%arg10 : memref<64x320xf32, #tpu.memory_space<vmem>>)
      %ge3A_216 = arith.constant 1 : i32
      %ge3A_217 = arith.cmpi sge, %scan3A_56, %ge3A_216 : i32
      %convert_element_type3A_218 = arith.extui %ge3A_217 : i1 to i32
      %cond3A_219 = arith.constant 0 : i32
      %cond3A_220 = arith.cmpi ne, %convert_element_type3A_218, %cond3A_219 : i32
      scf.if %cond3A_220 {
        %sub3A_231 = arith.constant 1 : i32
        %sub3A_232 = arith.subi %mul3A_58, %sub3A_231 : i32
        %mul3A_233 = arith.constant 19200 : i32
        %mul3A_234 = arith.muli %sub3A_232, %mul3A_233 : i32
        %add3A_235 = arith.addi %mul3A_4, %mul3A_234 : i32
        %dma_wait3A_236 = tpu.memref_slice %arg4[%add3A_235] : memref<61440000xf32, #tpu.memory_space<hbm>> -> memref<19200xf32, #tpu.memory_space<hbm>>
        %dma_wait3A_237 = tpu.memref_slice %arg4[%add3A_235] : memref<61440000xf32, #tpu.memory_space<hbm>> -> memref<19200xf32, #tpu.memory_space<hbm>>
        tpu.wait_dma2 semaphore(%arg16 : memref<!tpu.dma_semaphore, #tpu.memory_space<semaphore_mem>>) src(%arg12 : memref<19200xf32, #tpu.memory_space<vmem>>) dst(%dma_wait3A_237 : memref<19200xf32, #tpu.memory_space<hbm>>)
      } else {
      }
      %parallel_loop3A_221 = arith.constant 0 : i32
      %parallel_loop3A_222 = arith.constant 64 : i32
      %parallel_loop3A_223 = arith.constant 1 : i32
      scf.for %parallel_loop3A_231 = %parallel_loop3A_221 to %parallel_loop3A_222 step %parallel_loop3A_223  : i32 {
        %parallel_loop3A_232 = arith.index_cast %parallel_loop3A_231 : i32 to index
        %parallel_loop3A_233 = arith.constant 0 : index
        %parallel_loop3A_234 = tpu.vector_load %arg10[%parallel_loop3A_232, %parallel_loop3A_233] {strides = array<i32>} : memref<64x320xf32, #tpu.memory_space<vmem>>, vector<1x16xf32>,
        %parallel_loop3A_235 = vector.shape_cast %parallel_loop3A_234 : vector<1x16xf32> to vector<16xf32>
        %parallel_loop3A_236 = arith.constant 300 : i32
        %parallel_loop3A_237 = arith.muli %parallel_loop3A_236, %parallel_loop3A_231 : i32
        %parallel_loop3A_238 = arith.constant 0 : i32
        %parallel_loop3A_239 = arith.addi %parallel_loop3A_237, %parallel_loop3A_238 : i32
        %parallel_loop3A_240 = arith.index_cast %parallel_loop3A_239 : i32 to index
        %parallel_loop3A_241 = tpu.vector_load %arg12[%parallel_loop3A_240] {strides = array<i32>} : memref<19200xf32, #tpu.memory_space<vmem>>, vector<16xf32>,
        %parallel_loop3A_242 = vector.shape_cast %parallel_loop3A_241 : vector<16xf32> to vector<16xf32>
        %parallel_loop3A_243 = vector.shape_cast %parallel_loop3A_235 : vector<16xf32> to vector<16xf32>
        tpu.vector_store %arg12[%parallel_loop3A_240], %parallel_loop3A_243 {strides = array<i32>} : memref<19200xf32, #tpu.memory_space<vmem>>, vector<16xf32>,
        %parallel_loop3A_244 = arith.index_cast %parallel_loop3A_231 : i32 to index
        %parallel_loop3A_245 = arith.constant 16 : index
        %parallel_loop3A_246 = tpu.vector_load %arg10[%parallel_loop3A_244, %parallel_loop3A_245] {strides = array<i32>} : memref<64x320xf32, #tpu.memory_space<vmem>>, vector<1x16xf32>,
        %parallel_loop3A_247 = vector.shape_cast %parallel_loop3A_246 : vector<1x16xf32> to vector<16xf32>
        %parallel_loop3A_248 = arith.constant 300 : i32
        %parallel_loop3A_249 = arith.muli %parallel_loop3A_248, %parallel_loop3A_231 : i32
        %parallel_loop3A_250 = arith.constant 16 : i32
        %parallel_loop3A_251 = arith.addi %parallel_loop3A_249, %parallel_loop3A_250 : i32
        %parallel_loop3A_252 = arith.index_cast %parallel_loop3A_251 : i32 to index
        %parallel_loop3A_253 = tpu.vector_load %arg12[%parallel_loop3A_252] {strides = array<i32>} : memref<19200xf32, #tpu.memory_space<vmem>>, vector<16xf32>,
        %parallel_loop3A_254 = vector.shape_cast %parallel_loop3A_253 : vector<16xf32> to vector<16xf32>
        %parallel_loop3A_255 = vector.shape_cast %parallel_loop3A_247 : vector<16xf32> to vector<16xf32>
        tpu.vector_store %arg12[%parallel_loop3A_252], %parallel_loop3A_255 {strides = array<i32>} : memref<19200xf32, #tpu.memory_space<vmem>>, vector<16xf32>,
        %parallel_loop3A_256 = arith.index_cast %parallel_loop3A_231 : i32 to index
        %parallel_loop3A_257 = arith.constant 32 : index
        %parallel_loop3A_258 = tpu.vector_load %arg10[%parallel_loop3A_256, %parallel_loop3A_257] {strides = array<i32>} : memref<64x320xf32, #tpu.memory_space<vmem>>, vector<1x16xf32>,
        %parallel_loop3A_259 = vector.shape_cast %parallel_loop3A_258 : vector<1x16xf32> to vector<16xf32>
        %parallel_loop3A_260 = arith.constant 300 : i32
        %parallel_loop3A_261 = arith.muli %parallel_loop3A_260, %parallel_loop3A_231 : i32
        %parallel_loop3A_262 = arith.constant 32 : i32
        %parallel_loop3A_263 = arith.addi %parallel_loop3A_261, %parallel_loop3A_262 : i32
        %parallel_loop3A_264 = arith.index_cast %parallel_loop3A_263 : i32 to index
        %parallel_loop3A_265 = tpu.vector_load %arg12[%parallel_loop3A_264] {strides = array<i32>} : memref<19200xf32, #tpu.memory_space<vmem>>, vector<16xf32>,
        %parallel_loop3A_266 = vector.shape_cast %parallel_loop3A_265 : vector<16xf32> to vector<16xf32>
        %parallel_loop3A_267 = vector.shape_cast %parallel_loop3A_259 : vector<16xf32> to vector<16xf32>
        tpu.vector_store %arg12[%parallel_loop3A_264], %parallel_loop3A_267 {strides = array<i32>} : memref<19200xf32, #tpu.memory_space<vmem>>, vector<16xf32>,
        %parallel_loop3A_268 = arith.index_cast %parallel_loop3A_231 : i32 to index
        %parallel_loop3A_269 = arith.constant 48 : index
        %parallel_loop3A_270 = tpu.vector_load %arg10[%parallel_loop3A_268, %parallel_loop3A_269] {strides = array<i32>} : memref<64x320xf32, #tpu.memory_space<vmem>>, vector<1x16xf32>,
        %parallel_loop3A_271 = vector.shape_cast %parallel_loop3A_270 : vector<1x16xf32> to vector<16xf32>
        %parallel_loop3A_272 = arith.constant 300 : i32
        %parallel_loop3A_273 = arith.muli %parallel_loop3A_272, %parallel_loop3A_231 : i32
        %parallel_loop3A_274 = arith.constant 48 : i32
        %parallel_loop3A_275 = arith.addi %parallel_loop3A_273, %parallel_loop3A_274 : i32
        %parallel_loop3A_276 = arith.index_cast %parallel_loop3A_275 : i32 to index
        %parallel_loop3A_277 = tpu.vector_load %arg12[%parallel_loop3A_276] {strides = array<i32>} : memref<19200xf32, #tpu.memory_space<vmem>>, vector<16xf32>,
        %parallel_loop3A_278 = vector.shape_cast %parallel_loop3A_277 : vector<16xf32> to vector<16xf32>
        %parallel_loop3A_279 = vector.shape_cast %parallel_loop3A_271 : vector<16xf32> to vector<16xf32>
        tpu.vector_store %arg12[%parallel_loop3A_276], %parallel_loop3A_279 {strides = array<i32>} : memref<19200xf32, #tpu.memory_space<vmem>>, vector<16xf32>,
        %parallel_loop3A_280 = arith.index_cast %parallel_loop3A_231 : i32 to index
        %parallel_loop3A_281 = arith.constant 64 : index
        %parallel_loop3A_282 = tpu.vector_load %arg10[%parallel_loop3A_280, %parallel_loop3A_281] {strides = array<i32>} : memref<64x320xf32, #tpu.memory_space<vmem>>, vector<1x16xf32>,
        %parallel_loop3A_283 = vector.shape_cast %parallel_loop3A_282 : vector<1x16xf32> to vector<16xf32>
        %parallel_loop3A_284 = arith.constant 300 : i32
        %parallel_loop3A_285 = arith.muli %parallel_loop3A_284, %parallel_loop3A_231 : i32
        %parallel_loop3A_286 = arith.constant 64 : i32
        %parallel_loop3A_287 = arith.addi %parallel_loop3A_285, %parallel_loop3A_286 : i32
        %parallel_loop3A_288 = arith.index_cast %parallel_loop3A_287 : i32 to index
        %parallel_loop3A_289 = tpu.vector_load %arg12[%parallel_loop3A_288] {strides = array<i32>} : memref<19200xf32, #tpu.memory_space<vmem>>, vector<16xf32>,
        %parallel_loop3A_290 = vector.shape_cast %parallel_loop3A_289 : vector<16xf32> to vector<16xf32>
        %parallel_loop3A_291 = vector.shape_cast %parallel_loop3A_283 : vector<16xf32> to vector<16xf32>
        tpu.vector_store %arg12[%parallel_loop3A_288], %parallel_loop3A_291 {strides = array<i32>} : memref<19200xf32, #tpu.memory_space<vmem>>, vector<16xf32>,
        %parallel_loop3A_292 = arith.index_cast %parallel_loop3A_231 : i32 to index
        %parallel_loop3A_293 = arith.constant 80 : index
        %parallel_loop3A_294 = tpu.vector_load %arg10[%parallel_loop3A_292, %parallel_loop3A_293] {strides = array<i32>} : memref<64x320xf32, #tpu.memory_space<vmem>>, vector<1x16xf32>,
        %parallel_loop3A_295 = vector.shape_cast %parallel_loop3A_294 : vector<1x16xf32> to vector<16xf32>
        %parallel_loop3A_296 = arith.constant 300 : i32
        %parallel_loop3A_297 = arith.muli %parallel_loop3A_296, %parallel_loop3A_231 : i32
        %parallel_loop3A_298 = arith.constant 80 : i32
        %parallel_loop3A_299 = arith.addi %parallel_loop3A_297, %parallel_loop3A_298 : i32
        %parallel_loop3A_300 = arith.index_cast %parallel_loop3A_299 : i32 to index
        %parallel_loop3A_301 = tpu.vector_load %arg12[%parallel_loop3A_300] {strides = array<i32>} : memref<19200xf32, #tpu.memory_space<vmem>>, vector<16xf32>,
        %parallel_loop3A_302 = vector.shape_cast %parallel_loop3A_301 : vector<16xf32> to vector<16xf32>
        %parallel_loop3A_303 = vector.shape_cast %parallel_loop3A_295 : vector<16xf32> to vector<16xf32>
        tpu.vector_store %arg12[%parallel_loop3A_300], %parallel_loop3A_303 {strides = array<i32>} : memref<19200xf32, #tpu.memory_space<vmem>>, vector<16xf32>,
        %parallel_loop3A_304 = arith.index_cast %parallel_loop3A_231 : i32 to index
        %parallel_loop3A_305 = arith.constant 96 : index
        %parallel_loop3A_306 = tpu.vector_load %arg10[%parallel_loop3A_304, %parallel_loop3A_305] {strides = array<i32>} : memref<64x320xf32, #tpu.memory_space<vmem>>, vector<1x16xf32>,
        %parallel_loop3A_307 = vector.shape_cast %parallel_loop3A_306 : vector<1x16xf32> to vector<16xf32>
        %parallel_loop3A_308 = arith.constant 300 : i32
        %parallel_loop3A_309 = arith.muli %parallel_loop3A_308, %parallel_loop3A_231 : i32
        %parallel_loop3A_310 = arith.constant 96 : i32
        %parallel_loop3A_311 = arith.addi %parallel_loop3A_309, %parallel_loop3A_310 : i32
        %parallel_loop3A_312 = arith.index_cast %parallel_loop3A_311 : i32 to index
        %parallel_loop3A_313 = tpu.vector_load %arg12[%parallel_loop3A_312] {strides = array<i32>} : memref<19200xf32, #tpu.memory_space<vmem>>, vector<16xf32>,
        %parallel_loop3A_314 = vector.shape_cast %parallel_loop3A_313 : vector<16xf32> to vector<16xf32>
        %parallel_loop3A_315 = vector.shape_cast %parallel_loop3A_307 : vector<16xf32> to vector<16xf32>
        tpu.vector_store %arg12[%parallel_loop3A_312], %parallel_loop3A_315 {strides = array<i32>} : memref<19200xf32, #tpu.memory_space<vmem>>, vector<16xf32>,
        %parallel_loop3A_316 = arith.index_cast %parallel_loop3A_231 : i32 to index
        %parallel_loop3A_317 = arith.constant 112 : index
        %parallel_loop3A_318 = tpu.vector_load %arg10[%parallel_loop3A_316, %parallel_loop3A_317] {strides = array<i32>} : memref<64x320xf32, #tpu.memory_space<vmem>>, vector<1x16xf32>,
        %parallel_loop3A_319 = vector.shape_cast %parallel_loop3A_318 : vector<1x16xf32> to vector<16xf32>
        %parallel_loop3A_320 = arith.constant 300 : i32
        %parallel_loop3A_321 = arith.muli %parallel_loop3A_320, %parallel_loop3A_231 : i32
        %parallel_loop3A_322 = arith.constant 112 : i32
        %parallel_loop3A_323 = arith.addi %parallel_loop3A_321, %parallel_loop3A_322 : i32
        %parallel_loop3A_324 = arith.index_cast %parallel_loop3A_323 : i32 to index
        %parallel_loop3A_325 = tpu.vector_load %arg12[%parallel_loop3A_324] {strides = array<i32>} : memref<19200xf32, #tpu.memory_space<vmem>>, vector<16xf32>,
        %parallel_loop3A_326 = vector.shape_cast %parallel_loop3A_325 : vector<16xf32> to vector<16xf32>
        %parallel_loop3A_327 = vector.shape_cast %parallel_loop3A_319 : vector<16xf32> to vector<16xf32>
        tpu.vector_store %arg12[%parallel_loop3A_324], %parallel_loop3A_327 {strides = array<i32>} : memref<19200xf32, #tpu.memory_space<vmem>>, vector<16xf32>,
        %parallel_loop3A_328 = arith.index_cast %parallel_loop3A_231 : i32 to index
        %parallel_loop3A_329 = arith.constant 128 : index
        %parallel_loop3A_330 = tpu.vector_load %arg10[%parallel_loop3A_328, %parallel_loop3A_329] {strides = array<i32>} : memref<64x320xf32, #tpu.memory_space<vmem>>, vector<1x16xf32>,
        %parallel_loop3A_331 = vector.shape_cast %parallel_loop3A_330 : vector<1x16xf32> to vector<16xf32>
        %parallel_loop3A_332 = arith.constant 300 : i32
        %parallel_loop3A_333 = arith.muli %parallel_loop3A_332, %parallel_loop3A_231 : i32
        %parallel_loop3A_334 = arith.constant 128 : i32
        %parallel_loop3A_335 = arith.addi %parallel_loop3A_333, %parallel_loop3A_334 : i32
        %parallel_loop3A_336 = arith.index_cast %parallel_loop3A_335 : i32 to index
        %parallel_loop3A_337 = tpu.vector_load %arg12[%parallel_loop3A_336] {strides = array<i32>} : memref<19200xf32, #tpu.memory_space<vmem>>, vector<16xf32>,
        %parallel_loop3A_338 = vector.shape_cast %parallel_loop3A_337 : vector<16xf32> to vector<16xf32>
        %parallel_loop3A_339 = vector.shape_cast %parallel_loop3A_331 : vector<16xf32> to vector<16xf32>
        tpu.vector_store %arg12[%parallel_loop3A_336], %parallel_loop3A_339 {strides = array<i32>} : memref<19200xf32, #tpu.memory_space<vmem>>, vector<16xf32>,
        %parallel_loop3A_340 = arith.index_cast %parallel_loop3A_231 : i32 to index
        %parallel_loop3A_341 = arith.constant 144 : index
        %parallel_loop3A_342 = tpu.vector_load %arg10[%parallel_loop3A_340, %parallel_loop3A_341] {strides = array<i32>} : memref<64x320xf32, #tpu.memory_space<vmem>>, vector<1x16xf32>,
        %parallel_loop3A_343 = vector.shape_cast %parallel_loop3A_342 : vector<1x16xf32> to vector<16xf32>
        %parallel_loop3A_344 = arith.constant 300 : i32
        %parallel_loop3A_345 = arith.muli %parallel_loop3A_344, %parallel_loop3A_231 : i32
        %parallel_loop3A_346 = arith.constant 144 : i32
        %parallel_loop3A_347 = arith.addi %parallel_loop3A_345, %parallel_loop3A_346 : i32
        %parallel_loop3A_348 = arith.index_cast %parallel_loop3A_347 : i32 to index
        %parallel_loop3A_349 = tpu.vector_load %arg12[%parallel_loop3A_348] {strides = array<i32>} : memref<19200xf32, #tpu.memory_space<vmem>>, vector<16xf32>,
        %parallel_loop3A_350 = vector.shape_cast %parallel_loop3A_349 : vector<16xf32> to vector<16xf32>
        %parallel_loop3A_351 = vector.shape_cast %parallel_loop3A_343 : vector<16xf32> to vector<16xf32>
        tpu.vector_store %arg12[%parallel_loop3A_348], %parallel_loop3A_351 {strides = array<i32>} : memref<19200xf32, #tpu.memory_space<vmem>>, vector<16xf32>,
        %parallel_loop3A_352 = arith.index_cast %parallel_loop3A_231 : i32 to index
        %parallel_loop3A_353 = arith.constant 160 : index
        %parallel_loop3A_354 = tpu.vector_load %arg10[%parallel_loop3A_352, %parallel_loop3A_353] {strides = array<i32>} : memref<64x320xf32, #tpu.memory_space<vmem>>, vector<1x16xf32>,
        %parallel_loop3A_355 = vector.shape_cast %parallel_loop3A_354 : vector<1x16xf32> to vector<16xf32>
        %parallel_loop3A_356 = arith.constant 300 : i32
        %parallel_loop3A_357 = arith.muli %parallel_loop3A_356, %parallel_loop3A_231 : i32
        %parallel_loop3A_358 = arith.constant 160 : i32
        %parallel_loop3A_359 = arith.addi %parallel_loop3A_357, %parallel_loop3A_358 : i32
        %parallel_loop3A_360 = arith.index_cast %parallel_loop3A_359 : i32 to index
        %parallel_loop3A_361 = tpu.vector_load %arg12[%parallel_loop3A_360] {strides = array<i32>} : memref<19200xf32, #tpu.memory_space<vmem>>, vector<16xf32>,
        %parallel_loop3A_362 = vector.shape_cast %parallel_loop3A_361 : vector<16xf32> to vector<16xf32>
        %parallel_loop3A_363 = vector.shape_cast %parallel_loop3A_355 : vector<16xf32> to vector<16xf32>
        tpu.vector_store %arg12[%parallel_loop3A_360], %parallel_loop3A_363 {strides = array<i32>} : memref<19200xf32, #tpu.memory_space<vmem>>, vector<16xf32>,
        %parallel_loop3A_364 = arith.index_cast %parallel_loop3A_231 : i32 to index
        %parallel_loop3A_365 = arith.constant 176 : index
        %parallel_loop3A_366 = tpu.vector_load %arg10[%parallel_loop3A_364, %parallel_loop3A_365] {strides = array<i32>} : memref<64x320xf32, #tpu.memory_space<vmem>>, vector<1x16xf32>,
        %parallel_loop3A_367 = vector.shape_cast %parallel_loop3A_366 : vector<1x16xf32> to vector<16xf32>
        %parallel_loop3A_368 = arith.constant 300 : i32
        %parallel_loop3A_369 = arith.muli %parallel_loop3A_368, %parallel_loop3A_231 : i32
        %parallel_loop3A_370 = arith.constant 176 : i32
        %parallel_loop3A_371 = arith.addi %parallel_loop3A_369, %parallel_loop3A_370 : i32
        %parallel_loop3A_372 = arith.index_cast %parallel_loop3A_371 : i32 to index
        %parallel_loop3A_373 = tpu.vector_load %arg12[%parallel_loop3A_372] {strides = array<i32>} : memref<19200xf32, #tpu.memory_space<vmem>>, vector<16xf32>,
        %parallel_loop3A_374 = vector.shape_cast %parallel_loop3A_373 : vector<16xf32> to vector<16xf32>
        %parallel_loop3A_375 = vector.shape_cast %parallel_loop3A_367 : vector<16xf32> to vector<16xf32>
        tpu.vector_store %arg12[%parallel_loop3A_372], %parallel_loop3A_375 {strides = array<i32>} : memref<19200xf32, #tpu.memory_space<vmem>>, vector<16xf32>,
        %parallel_loop3A_376 = arith.index_cast %parallel_loop3A_231 : i32 to index
        %parallel_loop3A_377 = arith.constant 192 : index
        %parallel_loop3A_378 = tpu.vector_load %arg10[%parallel_loop3A_376, %parallel_loop3A_377] {strides = array<i32>} : memref<64x320xf32, #tpu.memory_space<vmem>>, vector<1x16xf32>,
        %parallel_loop3A_379 = vector.shape_cast %parallel_loop3A_378 : vector<1x16xf32> to vector<16xf32>
        %parallel_loop3A_380 = arith.constant 300 : i32
        %parallel_loop3A_381 = arith.muli %parallel_loop3A_380, %parallel_loop3A_231 : i32
        %parallel_loop3A_382 = arith.constant 192 : i32
        %parallel_loop3A_383 = arith.addi %parallel_loop3A_381, %parallel_loop3A_382 : i32
        %parallel_loop3A_384 = arith.index_cast %parallel_loop3A_383 : i32 to index
        %parallel_loop3A_385 = tpu.vector_load %arg12[%parallel_loop3A_384] {strides = array<i32>} : memref<19200xf32, #tpu.memory_space<vmem>>, vector<16xf32>,
        %parallel_loop3A_386 = vector.shape_cast %parallel_loop3A_385 : vector<16xf32> to vector<16xf32>
        %parallel_loop3A_387 = vector.shape_cast %parallel_loop3A_379 : vector<16xf32> to vector<16xf32>
        tpu.vector_store %arg12[%parallel_loop3A_384], %parallel_loop3A_387 {strides = array<i32>} : memref<19200xf32, #tpu.memory_space<vmem>>, vector<16xf32>,
        %parallel_loop3A_388 = arith.index_cast %parallel_loop3A_231 : i32 to index
        %parallel_loop3A_389 = arith.constant 208 : index
        %parallel_loop3A_390 = tpu.vector_load %arg10[%parallel_loop3A_388, %parallel_loop3A_389] {strides = array<i32>} : memref<64x320xf32, #tpu.memory_space<vmem>>, vector<1x16xf32>,
        %parallel_loop3A_391 = vector.shape_cast %parallel_loop3A_390 : vector<1x16xf32> to vector<16xf32>
        %parallel_loop3A_392 = arith.constant 300 : i32
        %parallel_loop3A_393 = arith.muli %parallel_loop3A_392, %parallel_loop3A_231 : i32
        %parallel_loop3A_394 = arith.constant 208 : i32
        %parallel_loop3A_395 = arith.addi %parallel_loop3A_393, %parallel_loop3A_394 : i32
        %parallel_loop3A_396 = arith.index_cast %parallel_loop3A_395 : i32 to index
        %parallel_loop3A_397 = tpu.vector_load %arg12[%parallel_loop3A_396] {strides = array<i32>} : memref<19200xf32, #tpu.memory_space<vmem>>, vector<16xf32>,
        %parallel_loop3A_398 = vector.shape_cast %parallel_loop3A_397 : vector<16xf32> to vector<16xf32>
        %parallel_loop3A_399 = vector.shape_cast %parallel_loop3A_391 : vector<16xf32> to vector<16xf32>
        tpu.vector_store %arg12[%parallel_loop3A_396], %parallel_loop3A_399 {strides = array<i32>} : memref<19200xf32, #tpu.memory_space<vmem>>, vector<16xf32>,
        %parallel_loop3A_400 = arith.index_cast %parallel_loop3A_231 : i32 to index
        %parallel_loop3A_401 = arith.constant 224 : index
        %parallel_loop3A_402 = tpu.vector_load %arg10[%parallel_loop3A_400, %parallel_loop3A_401] {strides = array<i32>} : memref<64x320xf32, #tpu.memory_space<vmem>>, vector<1x16xf32>,
        %parallel_loop3A_403 = vector.shape_cast %parallel_loop3A_402 : vector<1x16xf32> to vector<16xf32>
        %parallel_loop3A_404 = arith.constant 300 : i32
        %parallel_loop3A_405 = arith.muli %parallel_loop3A_404, %parallel_loop3A_231 : i32
        %parallel_loop3A_406 = arith.constant 224 : i32
        %parallel_loop3A_407 = arith.addi %parallel_loop3A_405, %parallel_loop3A_406 : i32
        %parallel_loop3A_408 = arith.index_cast %parallel_loop3A_407 : i32 to index
        %parallel_loop3A_409 = tpu.vector_load %arg12[%parallel_loop3A_408] {strides = array<i32>} : memref<19200xf32, #tpu.memory_space<vmem>>, vector<16xf32>,
        %parallel_loop3A_410 = vector.shape_cast %parallel_loop3A_409 : vector<16xf32> to vector<16xf32>
        %parallel_loop3A_411 = vector.shape_cast %parallel_loop3A_403 : vector<16xf32> to vector<16xf32>
        tpu.vector_store %arg12[%parallel_loop3A_408], %parallel_loop3A_411 {strides = array<i32>} : memref<19200xf32, #tpu.memory_space<vmem>>, vector<16xf32>,
        %parallel_loop3A_412 = arith.index_cast %parallel_loop3A_231 : i32 to index
        %parallel_loop3A_413 = arith.constant 240 : index
        %parallel_loop3A_414 = tpu.vector_load %arg10[%parallel_loop3A_412, %parallel_loop3A_413] {strides = array<i32>} : memref<64x320xf32, #tpu.memory_space<vmem>>, vector<1x16xf32>,
        %parallel_loop3A_415 = vector.shape_cast %parallel_loop3A_414 : vector<1x16xf32> to vector<16xf32>
        %parallel_loop3A_416 = arith.constant 300 : i32
        %parallel_loop3A_417 = arith.muli %parallel_loop3A_416, %parallel_loop3A_231 : i32
        %parallel_loop3A_418 = arith.constant 240 : i32
        %parallel_loop3A_419 = arith.addi %parallel_loop3A_417, %parallel_loop3A_418 : i32
        %parallel_loop3A_420 = arith.index_cast %parallel_loop3A_419 : i32 to index
        %parallel_loop3A_421 = tpu.vector_load %arg12[%parallel_loop3A_420] {strides = array<i32>} : memref<19200xf32, #tpu.memory_space<vmem>>, vector<16xf32>,
        %parallel_loop3A_422 = vector.shape_cast %parallel_loop3A_421 : vector<16xf32> to vector<16xf32>
        %parallel_loop3A_423 = vector.shape_cast %parallel_loop3A_415 : vector<16xf32> to vector<16xf32>
        tpu.vector_store %arg12[%parallel_loop3A_420], %parallel_loop3A_423 {strides = array<i32>} : memref<19200xf32, #tpu.memory_space<vmem>>, vector<16xf32>,
        %parallel_loop3A_424 = arith.index_cast %parallel_loop3A_231 : i32 to index
        %parallel_loop3A_425 = arith.constant 256 : index
        %parallel_loop3A_426 = tpu.vector_load %arg10[%parallel_loop3A_424, %parallel_loop3A_425] {strides = array<i32>} : memref<64x320xf32, #tpu.memory_space<vmem>>, vector<1x16xf32>,
        %parallel_loop3A_427 = vector.shape_cast %parallel_loop3A_426 : vector<1x16xf32> to vector<16xf32>
        %parallel_loop3A_428 = arith.constant 300 : i32
        %parallel_loop3A_429 = arith.muli %parallel_loop3A_428, %parallel_loop3A_231 : i32
        %parallel_loop3A_430 = arith.constant 256 : i32
        %parallel_loop3A_431 = arith.addi %parallel_loop3A_429, %parallel_loop3A_430 : i32
        %parallel_loop3A_432 = arith.index_cast %parallel_loop3A_431 : i32 to index
        %parallel_loop3A_433 = tpu.vector_load %arg12[%parallel_loop3A_432] {strides = array<i32>} : memref<19200xf32, #tpu.memory_space<vmem>>, vector<16xf32>,
        %parallel_loop3A_434 = vector.shape_cast %parallel_loop3A_433 : vector<16xf32> to vector<16xf32>
        %parallel_loop3A_435 = vector.shape_cast %parallel_loop3A_427 : vector<16xf32> to vector<16xf32>
        tpu.vector_store %arg12[%parallel_loop3A_432], %parallel_loop3A_435 {strides = array<i32>} : memref<19200xf32, #tpu.memory_space<vmem>>, vector<16xf32>,
        %parallel_loop3A_436 = arith.index_cast %parallel_loop3A_231 : i32 to index
        %parallel_loop3A_437 = arith.constant 272 : index
        %parallel_loop3A_438 = tpu.vector_load %arg10[%parallel_loop3A_436, %parallel_loop3A_437] {strides = array<i32>} : memref<64x320xf32, #tpu.memory_space<vmem>>, vector<1x16xf32>,
        %parallel_loop3A_439 = vector.shape_cast %parallel_loop3A_438 : vector<1x16xf32> to vector<16xf32>
        %parallel_loop3A_440 = arith.constant 300 : i32
        %parallel_loop3A_441 = arith.muli %parallel_loop3A_440, %parallel_loop3A_231 : i32
        %parallel_loop3A_442 = arith.constant 272 : i32
        %parallel_loop3A_443 = arith.addi %parallel_loop3A_441, %parallel_loop3A_442 : i32
        %parallel_loop3A_444 = arith.index_cast %parallel_loop3A_443 : i32 to index
        %parallel_loop3A_445 = tpu.vector_load %arg12[%parallel_loop3A_444] {strides = array<i32>} : memref<19200xf32, #tpu.memory_space<vmem>>, vector<16xf32>,
        %parallel_loop3A_446 = vector.shape_cast %parallel_loop3A_445 : vector<16xf32> to vector<16xf32>
        %parallel_loop3A_447 = vector.shape_cast %parallel_loop3A_439 : vector<16xf32> to vector<16xf32>
        tpu.vector_store %arg12[%parallel_loop3A_444], %parallel_loop3A_447 {strides = array<i32>} : memref<19200xf32, #tpu.memory_space<vmem>>, vector<16xf32>,
        %parallel_loop3A_448 = arith.index_cast %parallel_loop3A_231 : i32 to index
        %parallel_loop3A_449 = arith.constant 284 : index
        %parallel_loop3A_450 = tpu.vector_load %arg10[%parallel_loop3A_448, %parallel_loop3A_449] {strides = array<i32>} : memref<64x320xf32, #tpu.memory_space<vmem>>, vector<1x16xf32>,
        %parallel_loop3A_451 = vector.shape_cast %parallel_loop3A_450 : vector<1x16xf32> to vector<16xf32>
        %parallel_loop3A_452 = arith.constant 300 : i32
        %parallel_loop3A_453 = arith.muli %parallel_loop3A_452, %parallel_loop3A_231 : i32
        %parallel_loop3A_454 = arith.constant 300 : i32
        %parallel_loop3A_455 = arith.addi %parallel_loop3A_453, %parallel_loop3A_454 : i32
        %parallel_loop3A_456 = arith.constant 16 : i32
        %parallel_loop3A_457 = arith.subi %parallel_loop3A_455, %parallel_loop3A_456 : i32
        %parallel_loop3A_458 = arith.index_cast %parallel_loop3A_457 : i32 to index
        %parallel_loop3A_459 = tpu.vector_load %arg12[%parallel_loop3A_458] {strides = array<i32>} : memref<19200xf32, #tpu.memory_space<vmem>>, vector<16xf32>,
        %parallel_loop3A_460 = vector.shape_cast %parallel_loop3A_459 : vector<16xf32> to vector<16xf32>
        %parallel_loop3A_461 = vector.shape_cast %parallel_loop3A_451 : vector<16xf32> to vector<16xf32>
        tpu.vector_store %arg12[%parallel_loop3A_458], %parallel_loop3A_461 {strides = array<i32>} : memref<19200xf32, #tpu.memory_space<vmem>>, vector<16xf32>,
      } {sc.loop_unroll_factor = 4 : i64, sc.parallel_access}
      %add3A_224 = arith.constant 1 : i32
      %add3A_225 = arith.addi %mul3A_58, %add3A_224 : i32
      %mul3A_226 = arith.constant 19200 : i32
      %mul3A_227 = arith.muli %add3A_225, %mul3A_226 : i32
      %add3A_228 = arith.addi %mul3A_4, %mul3A_227 : i32
      %dma_start3A_229 = tpu.memref_slice %arg4[%add3A_228] : memref<61440000xf32, #tpu.memory_space<hbm>> -> memref<19200xf32, #tpu.memory_space<hbm>>
      %dma_start3A_230 = tpu.memref_slice %arg4[%add3A_228] : memref<61440000xf32, #tpu.memory_space<hbm>> -> memref<19200xf32, #tpu.memory_space<hbm>>
      tpu.enqueue_dma source(%arg12 : memref<19200xf32, #tpu.memory_space<vmem>>) target(%dma_start3A_230 : memref<19200xf32, #tpu.memory_space<hbm>>) target_semaphore(%arg16 : memref<!tpu.dma_semaphore, #tpu.memory_space<semaphore_mem>>)
    }
    %scan3A_48 = arith.constant 50 : i32
    %add3A_49 = arith.constant 1881600 : i32
    %add3A_50 = arith.addi %mul3A_4, %add3A_49 : i32
    %dma_wait3A = tpu.memref_slice %arg4[%add3A_50] : memref<61440000xf32, #tpu.memory_space<hbm>> -> memref<19200xf32, #tpu.memory_space<hbm>>
    %dma_wait3A_51 = tpu.memref_slice %arg4[%add3A_50] : memref<61440000xf32, #tpu.memory_space<hbm>> -> memref<19200xf32, #tpu.memory_space<hbm>>
    tpu.wait_dma2 semaphore(%arg15 : memref<!tpu.dma_semaphore, #tpu.memory_space<semaphore_mem>>) src(%arg11 : memref<19200xf32, #tpu.memory_space<vmem>>) dst(%dma_wait3A_51 : memref<19200xf32, #tpu.memory_space<hbm>>)
    %add3A_52 = arith.constant 1900800 : i32
    %add3A_53 = arith.addi %mul3A_4, %add3A_52 : i32
    %dma_wait3A_54 = tpu.memref_slice %arg4[%add3A_53] : memref<61440000xf32, #tpu.memory_space<hbm>> -> memref<19200xf32, #tpu.memory_space<hbm>>
    %dma_wait3A_55 = tpu.memref_slice %arg4[%add3A_53] : memref<61440000xf32, #tpu.memory_space<hbm>> -> memref<19200xf32, #tpu.memory_space<hbm>>
    tpu.wait_dma2 semaphore(%arg16 : memref<!tpu.dma_semaphore, #tpu.memory_space<semaphore_mem>>) src(%arg12 : memref<19200xf32, #tpu.memory_space<vmem>>) dst(%dma_wait3A_55 : memref<19200xf32, #tpu.memory_space<hbm>>)
    return
  }
}

</mosaic_0001>

<sc_bundles>
// kernel: kernel.3.cloned.1.call-start
scs
__scs_entry_jumppad:
0x0: {  	(pc) =	sbr.rel $0x88, $3  }
0x1: {  	(tag) =	ssettag $0x0;
	lr =	simm.s32 $0x1  }
0x2: {  	[smem:$0x3F9F] =	sst lr;
	_ =	strace $0xD0000000  }
0x3: {  	_ = 	snop  }
0x4: {  	_ = 	snop  }
0x5: {  	_ = 	snop  }
0x6: {  	_ = 	snop  }
0x7: {  	_ = 	snop  }
__scs_overlays_trampoline_lowered:
0x8: {  	[smem:$0x3FAE] =	sst s0  }
0x9: {  	[smem:$0x3FAF] =	sst s1  }
0xa: {  	[smem:$0x3FB0] =	sst s2  }
0xb: {  	[smem:$0x3FB1] =	sst s3  }
0xc: {  	[smem:$0x3FB2] =	sst s4  }
0xd: {  	[smem:$0x3FB3] =	sst s5  }
0xe: {  	[smem:$0x3FB4] =	sst s6  }
0xf: {  	[smem:$0x3FB5] =	sst s7  }
0x10: {  	[smem:$0x3FB6] =	sst s8  }
0x11: {  	[smem:$0x3FB7] =	sst s9;
	s0 =	simm.s32 @!p0 $0x0  }
0x12: {  	s1 =	sld [smem:$0x3F9D];
	s0 =	simm.s32 @p0 $0x1  }
0x13: {  	[smem:$0x3FB8] =	sst s0;
	s0 =	simm.s32 @!p1 $0x0  }
0x14: {  	s2 =	sld [smem:$0x3F9C];
	s0 =	simm.s32 @p1 $0x1  }
0x15: {  	[smem:$0x3FB9] =	sst s0;
	s0 =	simm.s32 @!p2 $0x0  }
0x16: {  	s3 =	sld [smem:$0x3FDB];
	s0 =	simm.s32 @p2 $0x1  }
0x17: {  	s4 =	simm.s32 $0x1BF5;
	[smem:$0x3FBB] =	sst s0  }
0x18: {  	s0 =	sld [smem:$0x3F9E];
	_ =	swait.ge [sflag:s4], $0x0  }
0x19: {  	s7 =	sld [smem:$0x3F9F]  }
0x1a: {  	s8 =	sadd.s32 $0xFFFFE003, lr  }
0x1b: {  	s9 =	sadd.s32 $0xFFFFFEF7, lr;
	s5 =	simm.s32 $0xFFFFFFFF;
	p2 =	slt.u32 s8, $0xFFFFF086  }
0x1c: {  	p1 =	slt.u32 s9, $0xF7A;
	s5 =	simm.s32 @!p2 $0x0  }
0x1d: {  	s5 =	simm.s32 @p1 $0x1;
	p0 =	seq.s32 s7, s2  }
0x1e: {  	s7 =	smul.u32 @!p0 $0xF7A, s2;
	p2 =	seq.s32 @!p0 s5, $0x0  }
0x1f: {  	s9 =	smul.u32 $0xF7A, s1;
	s8 =	simm.s32 @!p0 $0x1BF5;
	p2 =	por !p2, p0  }
0x20: {  	[sflag:s8] =	ssyncset.s32 @!p0 $0xFFFFF086;
	s6 =	sadd.s32 @!p0 s3, s7;
	s7 =	simm.s32 @!p0 $0x108  }
0x21: {  	s3 =	sadd.s32 s3, s9;
	s6 =	sadd.s32 @!p0 $0x88, s6;
	s7 =	simm.s32 @p2 $0x1082  }
0x22: {  	[simem:s7], [sflag:s8] =	dma.local @!p0 [hbm:s6], $0xF7A  }
0x23: {  	s9 =	sor.u32 $0xD0000000, s2;
	s6 =	simm.s32 $0x108;
	_ =	swait.ge @!p0 [sflag:s8], $0x0  }
0x24: {  	s3 =	sadd.s32 $0x88, s3;
	s6 =	simm.s32 @!p1 $0x1082;
	[sflag:s4] =	ssyncset.s32 $0xFFFFF086  }
0x25: {  	[simem:s6], [sflag:s4] =	dma.local [hbm:s3], $0xF7A  }
0x26: {  	[smem:$0x3F9F] =	sst s1;
	(tag) =	ssettag s2;
	_ =	strace s9  }
0x27: {  	s1 =	sld [smem:$0x3FAF]  }
0x28: {  	s2 =	sld [smem:$0x3FB0]  }
0x29: {  	s4 =	sld [smem:$0x3FB2]  }
0x2a: {  	p0 =	seq.s32 s5, $0x0;
	s5 =	sld [smem:$0x3FB3]  }
0x2b: {  	s6 =	sld [smem:$0x3FB4]  }
0x2c: {  	s7 =	sld [smem:$0x3FB5]  }
0x2d: {  	s3 =	simm.s32 $0x108;
	s8 =	sld [smem:$0x3FB6]  }
0x2e: {  	s3 =	simm.s32 @!p0 $0x1082;
	s9 =	sld [smem:$0x3FB7]  }
0x2f: {  	lr =	sadd.s32 s0, s3;
	s0 =	sld [smem:$0x3FAE]  }
0x30: {  	s3 =	sld [smem:$0x3FB1]  }
0x31: {  	[smem:$0x3FBA] =	sst s10  }
0x32: {  	s10 =	sld [smem:$0x3FB8];
	_ =	sdelay $0x3  }
0x33: {  	p0 =	seq.s32 s10, $0x1;
	s10 =	sld [smem:$0x3FBA];
	_ =	sdelay $0x3  }
0x34: {  	[smem:$0x3FBA] =	sst s10  }
0x35: {  	s10 =	sld [smem:$0x3FB9];
	_ =	sdelay $0x3  }
0x36: {  	p1 =	seq.s32 s10, $0x1;
	s10 =	sld [smem:$0x3FBA];
	_ =	sdelay $0x3  }
0x37: {  	[smem:$0x3FBA] =	sst s10  }
0x38: {  	s10 =	sld [smem:$0x3FBB]  }
0x39: {  	_ = 	snop;
	(pc) =	sbr.ind lr, $3  }
0x3a: {  	_ = 	snop  }
0x3b: {  	_ = 	snop  }
0x3c: {  	p2 =	seq.s32 s10, $0x1;
	s10 =	sld [smem:$0x3FBA]  }
0x3d: {  	_ =	shalt  }
0x3e: {  	_ =	shalt  }
0x3f: {  	_ =	shalt  }
0x40: {  	_ =	shalt  }
0x41: {  	_ =	shalt  }
0x42: {  	_ =	shalt  }
0x43: {  	_ =	shalt  }
0x44: {  	_ =	shalt  }
0x45: {  	_ =	shalt  }
0x46: {  	_ =	shalt  }
0x47: {  	_ =	shalt  }
0x48: {  	_ =	shalt  }
0x49: {  	_ =	shalt  }
0x4a: {  	_ =	shalt  }
0x4b: {  	_ =	shalt  }
0x4c: {  	_ =	shalt  }
0x4d: {  	_ =	shalt  }
0x4e: {  	_ =	shalt  }
0x4f: {  	_ =	shalt  }
0x50: {  	_ =	shalt  }
0x51: {  	_ =	shalt  }
0x52: {  	_ =	shalt  }
0x53: {  	_ =	shalt  }
0x54: {  	_ =	shalt  }
0x55: {  	_ =	shalt  }
0x56: {  	_ =	shalt  }
0x57: {  	_ =	shalt  }
0x58: {  	_ =	shalt  }
0x59: {  	_ =	shalt  }
0x5a: {  	_ =	shalt  }
0x5b: {  	_ =	shalt  }
0x5c: {  	_ =	shalt  }
0x5d: {  	_ =	shalt  }
0x5e: {  	_ =	shalt  }
0x5f: {  	_ =	shalt  }
0x60: {  	_ =	shalt  }
0x61: {  	_ =	shalt  }
0x62: {  	_ =	shalt  }
0x63: {  	_ =	shalt  }
0x64: {  	_ =	shalt  }
0x65: {  	_ =	shalt  }
0x66: {  	_ =	shalt  }
0x67: {  	_ =	shalt  }
0x68: {  	_ =	shalt  }
0x69: {  	_ =	shalt  }
0x6a: {  	_ =	shalt  }
0x6b: {  	_ =	shalt  }
0x6c: {  	_ =	shalt  }
0x6d: {  	_ =	shalt  }
0x6e: {  	_ =	shalt  }
0x6f: {  	_ =	shalt  }
0x70: {  	_ =	shalt  }
0x71: {  	_ =	shalt  }
0x72: {  	_ =	shalt  }
0x73: {  	_ =	shalt  }
0x74: {  	_ =	shalt  }
0x75: {  	_ =	shalt  }
0x76: {  	_ =	shalt  }
0x77: {  	_ =	shalt  }
0x78: {  	_ =	shalt  }
0x79: {  	_ =	shalt  }
0x7a: {  	_ =	shalt  }
0x7b: {  	_ =	shalt  }
0x7c: {  	_ =	shalt  }
0x7d: {  	_ =	shalt  }
0x7e: {  	_ =	shalt  }
0x7f: {  	_ =	shalt  }
0x80: {  	_ =	shalt  }
0x81: {  	_ =	shalt  }
0x82: {  	_ =	shalt  }
0x83: {  	_ =	shalt  }
0x84: {  	_ =	shalt  }
0x85: {  	_ =	shalt  }
0x86: {  	_ =	shalt  }
0x87: {  	_ =	shalt  }
.Lfunc_end0:
.L_simem_size_0:
called_computation.1_lowered:
.L_overlay_start_0:
0x88: {  	s2 =	sld [smem:$0x3FD9]  }
0x89: {  	s3 =	sld [smem:$0x3FFE];
	_ =	sdelay $0x1  }
0x8a: {  	s1 =	srdreg.scid  }
0x8b: {  	s0 =	sand.u32 $0x1, s1  }
0x8c: {  	s18 =	sshll.u32 s0, $0xA;
	s2 =	sadd.s32 s3, s2  }
0x8d: {  	s3 =	sadd.s32 s2, s18  }
0x8e: {  	[smem:$0x3FC6] =	sst s3  }
0x8f: {  	_ = 	snop  }
0x90: {  	s3 =	sld [smem:$0x3FD0];
	(tm) =	ssettm $0x1  }
0x91: {  	s4 =	sld [smem:$0x3FFB];
	_ =	sdelay $0x3  }
0x92: {  	_ =	strace s4  }
0x93: {  	s4 =	sld [smem:$0x3FFC];
	_ =	sdelay $0x3  }
0x94: {  	_ =	strace s4  }
0x95: {  	s4 =	sld [smem:$0x3FFD];
	_ =	sdelay $0x3  }
0x96: {  	_ =	strace s4  }
0x97: {  	_ =	strace $0x8FFFFFFF  }
0x98: {  	s19 =	sld [smem:$0x3FDB];
	_ =	sdelay $0x1  }
0x99: {  	s5 =	simm.s32 $_scs_section_size  }
0x9a: {  	s6 =	simm.s32 $_size__tile_overlayer_lowered;
	s7 =	simm.s32 $_tile_overlayer_lowered  }
0x9b: {  	s22 =	simm.s32 $0x1BFF;
	s21 =	sshll.u32 s7, $0x1;
	s4 =	sadd.s32 s5, s19  }
0x9c: {  	s8 =	simm.s32 $0x0;
	s20 =	sshll.u32 s6, $0x1;
	s6 =	sadd.s32 s21, s4  }
0x9d: {  	[timem:s8], [sflag:s22] =	dma.local [hbm:s6], s20  }
0x9e: {  	_ =	swait.ge [sflag:s22], s20  }
0x9f: {  	s5 =	ssub.s32 $0x0, s20;
	[sflag:s22] =	ssyncset.done $0x0  }
0xa0: {  	[sflag:s22] =	ssyncadd.s32 s5;
	_ =	sdelay $0x1  }
0xa1: {  	s23 =	simm.s32 $0x1B8B  }
0xa2: {  	_ =	swait.ge [sflag:s23], $0x1  }
0xa3: {  	[sflag:s23] =	ssyncset.done $0x0  }
0xa4: {  	s25 =	simm.s32 $0x1B8E;
	s24 =	sld [smem:$0x3FFE];
	[sflag:s23] =	ssyncadd.s32 $0xFFFFFFFF  }
0xa5: {  	s26 =	simm.s32 $execute0_lowered;
	[smem:$0x3FD2] =	sst s25  }
0xa6: {  	s6 =	sshll.u32 s26, $0x1;
	_ =	strace $0x80000046;
	[dreg:$0x1] =	wrdreg $0xFFFFFFFF  }
0xa7: {  	s28 =	simm.s32 $_size_execute0_lowered;
	s4 =	sadd.s32 s4, s6;
	[dreg:$0x0] =	wrdreg $0x0  }
0xa8: {  	s6 =	sshll.u32 s28, $0x1;
	[dreg:$0x2] =	wrdreg s4  }
0xa9: {  	[dreg:$0x3] =	wrdreg s6  }
0xaa: {  	[dreg:$0x4] =	wrdreg $0xC0  }
0xab: {  	_ =	task [dreg:s8], $0x5FFFF  }
0xac: {  	[dreg:$0x1] =	wrdreg $0xFFFFFFFF  }
0xad: {  	[dreg:$0x0] =	wrdreg $0x60  }
0xae: {  	[dreg:$0x2] =	wrdreg s24  }
0xaf: {  	s2 =	sadd.s32 $0x800, s2;
	[dreg:$0x3] =	wrdreg s3  }
0xb0: {  	[dreg:$0x4] =	wrdreg s2  }
0xb1: {  	[dreg:$0x5] =	wrdreg $0x9  }
0xb2: {  	_ =	task.clear_ibuf [dreg:s8], $0x6FFFF;
	_ =	strace $0x90000046  }
0xb3: {  	s29 =	simm.s32 $0x9;
	_ =	strace $0x80000048  }
0xb4: {  	_ =	swait.ge [sflag:s29], $0x1  }
0xb5: {  	[sflag:s29] =	ssyncadd.s32 $0xFFFFFFFF  }
0xb6: {  	_ =	strace $0x90000048  }
0xb7: {  	_ =	sfence  }
0xb8: {  	s30 =	sld [smem:$0x0];
	_ =	sdelay $0x2  }
0xb9: {  	s31 =	sshll.u32 s1, $0xD;
	s1 =	sshrl.u32 s1, $0x2  }
0xba: {  	s3 =	sand.u32 $0x4000, s31;
	s1 =	sadd.s32 s1, s30  }
0xbb: {  	s0 =	sor.u32 s3, s0;
	s1 =	sshll.u32 s1, $0x11  }
0xbc: {  	s0 =	sor.u32 s1, s0  }
0xbd: {  	s0 =	sadd.s32 $0x8F2B, s0  }
0xbe: {  	[sflag:s0] =	ssyncadd.remote.s32 $0x1  }
0xbf: {  	_ =	sfence.sel $0xFFFF  }
0xc0: {  	[dreg:$0x0] =	wrdreg $0xFFFFFFFF;
	(pc) =	sbr.abs _section_cstart, $3  }
0xc1: {  	[dreg:$0x1] =	wrdreg $0xFFFFFFFF  }
0xc2: {  	_ =	task.clear_ibuf [dreg:s8], $0x2FFFF;
	_ =	strace $0x9FFFFFFF  }
0xc3: {  	(tm) =	ssettm $0x7FFFFFFF  }
tec
execute0_lowered:
.L_overlay_start_1:
0x0: {  	(tag) =	ssettag $0x1  }
0x1: {  	s1 =	rddreg [dreg:$0x0]  }
0x2: {  	s2 =	rddreg [dreg:$0x1];
	s4 =	srdreg.scid  }
0x3: {  	s0 =	stileid.u32;
	s3 =	rddreg [dreg:$0x2];
	s12 =	simm.s32 $0x1900  }
0x4: {  	s13 =	simm.s32 $0x5;
	s14 =	simm.s32 $0x1B58;
	s15 =	simm.s32 $0x40  }
0x5: {  	s16 =	simm.s32 $0x1DD8;
	s17 =	simm.s32 $0x6DD8;
	s18 =	simm.s32 $0x1  }
0x6: {  	s19 =	simm.s32 $0xBDD8;
	s20 =	simm.s32 $0x2;
	s21 =	simm.s32 $0x4  }
0x7: {  	s22 =	simm.s32 $0x108D8;
	s23 =	simm.s32 $0x3;
	s24 =	simm.s32 $0x0  }
0x8: {  	s5 =	sand.u32 $0x1, s4;
	s6 =	sshll.u32 s0, $0x1;
	s4 =	simm.s32 $0x0  }
0x9: {  	s8 =	smul.u32 $0x4B, s0;
	s31 =	ssub.s32 $0x204, s0;
	s6 =	sor.u32 s5, s6  }
0xa: {  	[smem:$0x7FF] =	sst s4;
	s9 =	ssub.s32 $0x2, s5;
	s7 =	smul.u32 $0x320, s6  }
0xb: {  	_ =	strace $0x80000047;
	s10 =	sshrl.u32 s9, $0x1;
	s5 =	smul.u32 $0x1D4C00, s6  }
0xc: {  	s6 =	sshrl.u32 s31, $0x4;
	s9 =	ssub.s32 s9, s10;
	s10 =	smul.u32 $0x50, s0  }
0xd: {  	s7 =	sadd.s32 s7, s1;
	s1 =	sadd.s32 s8, s1;
	s8 =	sadd.s32 $0x4B00, s5  }
0xe: {  	s9 =	smax.u32 s9, $0x1;
	s7 =	sadd.s32 $0xA00, s7;
	s11 =	sadd.s32 $0x6E00, s1  }
.LBB2_1:
0xf: {  	p1 =	sne.s32 s6, $0x1  }
.Ltmp0:
0x10: {  	_ = 	snop;
	(pc) =	sbr.rel @!p1 .LBB2_5-.Ltmp0, $3  }
0x11: {  	_ =	sdelay $0x1  }
0x12: {  	s28 =	sadd.s32 $0xFFFFFFFF, s6  }
0x13: {  	p0 =	por $0x0, $0x0;
	s25 =	smov.u32 s10;
	s1 =	smov.u32 s11  }
0x14: {  	[tilespmem:s12], [sflag:$0x5] =	stream.linear.gather [hbm4b:s11+s4], $0x258, $0x38;
	[tilespmem:$0x153D8] =	vst v63  }
0x15: {  	_ =	swait.ge [sflag:s13], $0x258  }
0x16: {  	[sflag:s13] =	ssyncset.done $0x0  }
0x17: {  	[sflag:s13] =	ssyncadd.s32 $0xFFFFFDA8  }
0x18: {  	v0 =	vld [tilespmem:$0x19C0]  }
0x19: {  	v1 =	vld [tilespmem:$0x1960]  }
0x1a: {  	v2 =	vld [tilespmem:$0x1950]  }
0x1b: {  	v3 =	vld [tilespmem:$0x1A9C]  }
0x1c: {  	v4 =	vld [tilespmem:$0x1930]  }
0x1d: {  	v5 =	vld [tilespmem:$0x1920];
	[tilespmem:$0x1C18] =	vst v0  }
0x1e: {  	v6 =	vld [tilespmem:$0x1980];
	[tilespmem:$0x1BB8] =	vst v1  }
0x1f: {  	v7 =	vld [tilespmem:$0x1A3C];
	[tilespmem:$0x1BA8] =	vst v2  }
0x20: {  	v0 =	vld [tilespmem:$0x1900];
	[tilespmem:$0x1D08] =	vst v3  }
0x21: {  	v1 =	vld [tilespmem:$0x1A10];
	[tilespmem:$0x1B88] =	vst v4  }
0x22: {  	v2 =	vld [tilespmem:$0x1B3C];
	[tilespmem:$0x1B78] =	vst v5  }
0x23: {  	v3 =	vld [tilespmem:$0x19F0];
	[tilespmem:$0x1BD8] =	vst v6  }
0x24: {  	v4 =	vld [tilespmem:$0x1A2C];
	[tilespmem:$0x1CA8] =	vst v7  }
0x25: {  	v5 =	vld [tilespmem:$0x1A00];
	[tilespmem:$0x1B58] =	vst v0  }
0x26: {  	v0 =	vld [tilespmem:$0x1B2C];
	[tilespmem:$0x1C68] =	vst v1  }
0x27: {  	[tilespmem:$0x1DA8] =	vst v2;
	v1 =	vld [tilespmem:$0x1B48]  }
0x28: {  	[tilespmem:$0x1C48] =	vst v3;
	v3 =	vld [tilespmem:$0x1A5C]  }
0x29: {  	[tilespmem:$0x1C98] =	vst v4;
	v4 =	vld [tilespmem:$0x19A0]  }
0x2a: {  	v2 =	vld [tilespmem:$0x19D0];
	[tilespmem:$0x1C58] =	vst v5  }
0x2b: {  	v5 =	vld [tilespmem:$0x1A4C];
	[tilespmem:$0x1D98] =	vst v0  }
0x2c: {  	v0 =	vld [tilespmem:$0x19B0];
	[tilespmem:$0x1DB4] =	vst v1  }
0x2d: {  	[tilespmem:$0x1CC8] =	vst v3;
	v3 =	vld [tilespmem:$0x1A6C]  }
0x2e: {  	p1 =	sne.s32 s28, $0x1;
	[tilespmem:$0x1BF8] =	vst v4;
	v4 =	vld [tilespmem:$0x1A7C]  }
.Ltmp1:
0x2f: {  	[tilespmem:$0x1C28] =	vst v2;
	v1 =	vld [tilespmem:$0x1A8C];
	(pc) =	sbr.rel @!p1 .LBB2_3-.Ltmp1, $4  }
0x30: {  	[tilespmem:$0x1CB8] =	vst v5;
	v2 =	vld [tilespmem:$0x1AAC]  }
0x31: {  	s25 =	sadd.s32 $0x500, s10;
	[tilespmem:$0x1C08] =	vst v0;
	v0 =	vld [tilespmem:$0x1940]  }
0x32: {  	s1 =	sadd.s32 $0x4B0, s11;
	s28 =	sadd.s32 $0xFFFFFFFF, s28;
	p0 =	por $0x1, $0x1;
	[tilespmem:$0x1CD8] =	vst v3;
	v3 =	vld [tilespmem:$0x1ABC]  }
0x33: {  	s26 =	smov.u32 s10;
	s29 =	smov.u32 s25;
	s30 =	smov.u32 s1;
	[tilespmem:$0x1CE8] =	vst v4;
	v4 =	vld [tilespmem:$0x1ACC]  }
.LBB2_4:
0x34: {  	p1 =	sne.s32 s28, $0x1;
	s29 =	sadd.s32 $0x500, s29;
	s30 =	sadd.s32 $0x4B0, s30;
	[tilespmem:$0x1CF8] =	vst v1;
	v1 =	vld [tilespmem:$0x1ADC]  }
0x35: {  	s28 =	sadd.s32 $0xFFFFFFFF, s28;
	[tilespmem:$0x1D18] =	vst v2;
	v2 =	vld [tilespmem:$0x1AFC]  }
0x36: {  	[tilespmem:$0x1B98] =	vst v0;
	v0 =	vld [tilespmem:$0x1AEC]  }
0x37: {  	[tilespmem:$0x1D28] =	vst v3;
	v3 =	vld [tilespmem:$0x1B0C]  }
0x38: {  	v5 =	vld [tilespmem:$0x1970];
	[tilespmem:$0x1D38] =	vst v4  }
0x39: {  	v4 =	vld [tilespmem:$0x1990];
	[tilespmem:$0x1D48] =	vst v1  }
0x3a: {  	[tilespmem:$0x1D68] =	vst v2;
	v1 =	vld [tilespmem:$0x1B1C]  }
0x3b: {  	v2 =	vld [tilespmem:$0x1910];
	[tilespmem:$0x1D58] =	vst v0  }
0x3c: {  	v0 =	vld [tilespmem:$0x1A1C];
	[tilespmem:$0x1D78] =	vst v3  }
0x3d: {  	[tilespmem:$0x1BC8] =	vst v5;
	v3 =	vld [tilespmem:$0x19E0]  }
0x3e: {  	[tilespmem:$0x1BE8] =	vst v4  }
0x3f: {  	[tilespmem:$0x1D88] =	vst v1  }
0x40: {  	[tilespmem:$0x1B68] =	vst v2  }
0x41: {  	s31 =	sadd.s32 s26, s3;
	s26 =	smov.u32 s25;
	s25 =	smov.u32 s29;
	[tilespmem:$0x1C74] =	vst v0  }
0x42: {  	[tilespmem:$0x1C38] =	vst v3  }
0x43: {  	[hbm4b:s31+s4] =	stream.linear.scatter [tilespmem:s14], [sflag:$0x5], $0x280, $0x38;
	[tilespmem:$0x153D8] =	vst v63  }
0x44: {  	_ =	swait.ge [sflag:s13], $0x280  }
0x45: {  	[sflag:s13] =	ssyncset.done $0x0  }
0x46: {  	[sflag:s13] =	ssyncadd.s32 $0xFFFFFD80  }
0x47: {  	[tilespmem:s12], [sflag:$0x5] =	stream.linear.gather [hbm4b:s1+s4], $0x258, $0x38;
	[tilespmem:$0x153D8] =	vst v63  }
0x48: {  	s1 =	smov.u32 s30;
	_ =	swait.ge [sflag:s13], $0x258  }
0x49: {  	[sflag:s13] =	ssyncset.done $0x0  }
0x4a: {  	[sflag:s13] =	ssyncadd.s32 $0xFFFFFDA8  }
0x4b: {  	v0 =	vld [tilespmem:$0x19C0]  }
0x4c: {  	v1 =	vld [tilespmem:$0x1960]  }
0x4d: {  	v2 =	vld [tilespmem:$0x1950]  }
0x4e: {  	v3 =	vld [tilespmem:$0x1A9C]  }
0x4f: {  	v4 =	vld [tilespmem:$0x1930]  }
0x50: {  	v5 =	vld [tilespmem:$0x1920];
	[tilespmem:$0x1C18] =	vst v0  }
0x51: {  	v0 =	vld [tilespmem:$0x1900];
	[tilespmem:$0x1BB8] =	vst v1  }
0x52: {  	[tilespmem:$0x1BA8] =	vst v2;
	v1 =	vld [tilespmem:$0x1A10]  }
0x53: {  	[tilespmem:$0x1D08] =	vst v3;
	v2 =	vld [tilespmem:$0x1B3C]  }
0x54: {  	[tilespmem:$0x1B88] =	vst v4;
	v3 =	vld [tilespmem:$0x19F0]  }
0x55: {  	[tilespmem:$0x1B78] =	vst v5;
	v4 =	vld [tilespmem:$0x1A2C]  }
0x56: {  	[tilespmem:$0x1B58] =	vst v0;
	v0 =	vld [tilespmem:$0x1B2C]  }
0x57: {  	v5 =	vld [tilespmem:$0x1A00];
	[tilespmem:$0x1C68] =	vst v1  }
0x58: {  	[tilespmem:$0x1DA8] =	vst v2;
	v1 =	vld [tilespmem:$0x1B48]  }
0x59: {  	v2 =	vld [tilespmem:$0x19D0];
	[tilespmem:$0x1C48] =	vst v3  }
0x5a: {  	[tilespmem:$0x1C98] =	vst v4;
	v3 =	vld [tilespmem:$0x1A5C]  }
0x5b: {  	v4 =	vld [tilespmem:$0x19A0];
	[tilespmem:$0x1D98] =	vst v0  }
0x5c: {  	v0 =	vld [tilespmem:$0x19B0];
	[tilespmem:$0x1C58] =	vst v5  }
0x5d: {  	v5 =	vld [tilespmem:$0x1A4C];
	[tilespmem:$0x1DB4] =	vst v1  }
0x5e: {  	v6 =	vld [tilespmem:$0x1980];
	[tilespmem:$0x1C28] =	vst v2  }
0x5f: {  	[tilespmem:$0x1CC8] =	vst v3;
	v3 =	vld [tilespmem:$0x1A6C]  }
0x60: {  	[tilespmem:$0x1BF8] =	vst v4;
	v4 =	vld [tilespmem:$0x1A7C]  }
0x61: {  	[tilespmem:$0x1C08] =	vst v0;
	v7 =	vld [tilespmem:$0x1A3C]  }
.Ltmp2:
0x62: {  	[tilespmem:$0x1CB8] =	vst v5;
	v1 =	vld [tilespmem:$0x1A8C];
	(pc) =	sbr.rel @p1 .LBB2_4-.Ltmp2, $4  }
0x63: {  	[tilespmem:$0x1BD8] =	vst v6;
	v2 =	vld [tilespmem:$0x1AAC]  }
0x64: {  	v0 =	vld [tilespmem:$0x1940];
	[tilespmem:$0x1CD8] =	vst v3  }
0x65: {  	[tilespmem:$0x1CE8] =	vst v4;
	v3 =	vld [tilespmem:$0x1ABC]  }
0x66: {  	[tilespmem:$0x1CA8] =	vst v7;
	v4 =	vld [tilespmem:$0x1ACC]  }
.LBB2_5:
0x67: {  	[tilespmem:$0x1CF8] =	vst @p0 v1;
	v1 =	vld @p0 [tilespmem:$0x1ADC]  }
0x68: {  	v5 =	vld @p0 [tilespmem:$0x1970];
	[tilespmem:$0x1D18] =	vst @p0 v2  }
0x69: {  	v2 =	vld @p0 [tilespmem:$0x1AFC];
	[tilespmem:$0x1B98] =	vst @p0 v0  }
0x6a: {  	v0 =	vld @p0 [tilespmem:$0x1AEC];
	[tilespmem:$0x1D28] =	vst @p0 v3  }
0x6b: {  	v3 =	vld @p0 [tilespmem:$0x1B0C];
	[tilespmem:$0x1D38] =	vst @p0 v4  }
0x6c: {  	v4 =	vld @p0 [tilespmem:$0x1990];
	[tilespmem:$0x1D48] =	vst @p0 v1  }
0x6d: {  	v1 =	vld @p0 [tilespmem:$0x1B1C];
	[tilespmem:$0x1BC8] =	vst @p0 v5  }
0x6e: {  	[tilespmem:$0x1D68] =	vst @p0 v2;
	v2 =	vld @p0 [tilespmem:$0x1910]  }
0x6f: {  	[tilespmem:$0x1D58] =	vst @p0 v0;
	v0 =	vld @p0 [tilespmem:$0x1A1C]  }
0x70: {  	[tilespmem:$0x1D78] =	vst @p0 v3;
	v3 =	vld @p0 [tilespmem:$0x19E0]  }
0x71: {  	[tilespmem:$0x1BE8] =	vst @p0 v4  }
0x72: {  	[tilespmem:$0x1D88] =	vst @p0 v1  }
0x73: {  	[tilespmem:$0x1B68] =	vst @p0 v2  }
0x74: {  	[tilespmem:$0x1C74] =	vst @p0 v0  }
0x75: {  	s26 =	sadd.s32 @p0 s26, s3;
	[tilespmem:$0x1C38] =	vst @p0 v3  }
0x76: {  	[hbm4b:s26+s4] =	stream.linear.scatter @p0 [tilespmem:s14], [sflag:$0x5], $0x280, $0x38;
	[tilespmem:$0x153D8] =	vst v63  }
0x77: {  	_ =	swait.ge @p0 [sflag:s13], $0x280  }
0x78: {  	[sflag:s13] =	ssyncset.done @p0 $0x0  }
0x79: {  	[sflag:s13] =	ssyncadd.s32 @p0 $0xFFFFFD80  }
0x7a: {  	[tilespmem:s12], [sflag:$0x5] =	stream.linear.gather [hbm4b:s1+s4], $0x258, $0x38;
	[tilespmem:$0x153D8] =	vst v63  }
0x7b: {  	_ =	swait.ge [sflag:s13], $0x258  }
0x7c: {  	[sflag:s13] =	ssyncset.done $0x0  }
0x7d: {  	[sflag:s13] =	ssyncadd.s32 $0xFFFFFDA8  }
0x7e: {  	v26 =	vld [tilespmem:$0x19C0]  }
0x7f: {  	v27 =	vld [tilespmem:$0x1960]  }
0x80: {  	v28 =	vld [tilespmem:$0x1950]  }
0x81: {  	v29 =	vld [tilespmem:$0x1A9C]  }
0x82: {  	v30 =	vld [tilespmem:$0x1930]  }
0x83: {  	v31 =	vld [tilespmem:$0x1920];
	[tilespmem:$0x1C18] =	vst v26  }
0x84: {  	v32 =	vld [tilespmem:$0x1900];
	[tilespmem:$0x1BB8] =	vst v27  }
0x85: {  	v33 =	vld [tilespmem:$0x1A10];
	[tilespmem:$0x1BA8] =	vst v28  }
0x86: {  	v34 =	vld [tilespmem:$0x1B3C];
	[tilespmem:$0x1D08] =	vst v29  }
0x87: {  	v35 =	vld [tilespmem:$0x19F0];
	[tilespmem:$0x1B88] =	vst v30  }
0x88: {  	v36 =	vld [tilespmem:$0x1A2C];
	[tilespmem:$0x1B78] =	vst v31  }
0x89: {  	v37 =	vld [tilespmem:$0x1B2C];
	[tilespmem:$0x1B58] =	vst v32  }
0x8a: {  	v38 =	vld [tilespmem:$0x1A00];
	[tilespmem:$0x1C68] =	vst v33  }
0x8b: {  	v40 =	vld [tilespmem:$0x19D0];
	[tilespmem:$0x1DA8] =	vst v34  }
0x8c: {  	v41 =	vld [tilespmem:$0x1A5C];
	[tilespmem:$0x1C48] =	vst v35  }
0x8d: {  	v42 =	vld [tilespmem:$0x19A0];
	[tilespmem:$0x1C98] =	vst v36  }
0x8e: {  	v43 =	vld [tilespmem:$0x19B0];
	[tilespmem:$0x1D98] =	vst v37  }
0x8f: {  	v44 =	vld [tilespmem:$0x1A4C];
	[tilespmem:$0x1C58] =	vst v38  }
0x90: {  	v45 =	vld [tilespmem:$0x1980];
	[tilespmem:$0x1C28] =	vst v40  }
0x91: {  	v46 =	vld [tilespmem:$0x1A6C];
	[tilespmem:$0x1CC8] =	vst v41  }
0x92: {  	v47 =	vld [tilespmem:$0x1A7C];
	[tilespmem:$0x1BF8] =	vst v42  }
0x93: {  	v48 =	vld [tilespmem:$0x1A3C];
	[tilespmem:$0x1C08] =	vst v43  }
0x94: {  	v49 =	vld [tilespmem:$0x1A8C];
	[tilespmem:$0x1CB8] =	vst v44  }
0x95: {  	v50 =	vld [tilespmem:$0x1AAC];
	[tilespmem:$0x1BD8] =	vst v45  }
0x96: {  	v51 =	vld [tilespmem:$0x1940];
	[tilespmem:$0x1CD8] =	vst v46  }
0x97: {  	v52 =	vld [tilespmem:$0x1ABC];
	[tilespmem:$0x1CE8] =	vst v47  }
0x98: {  	v53 =	vld [tilespmem:$0x1ACC];
	[tilespmem:$0x1CA8] =	vst v48  }
0x99: {  	v54 =	vld [tilespmem:$0x1ADC];
	[tilespmem:$0x1CF8] =	vst v49  }
0x9a: {  	v55 =	vld [tilespmem:$0x1AFC];
	[tilespmem:$0x1D18] =	vst v50  }
0x9b: {  	v56 =	vld [tilespmem:$0x1AEC];
	[tilespmem:$0x1B98] =	vst v51  }
0x9c: {  	v57 =	vld [tilespmem:$0x1B0C];
	[tilespmem:$0x1D28] =	vst v52  }
0x9d: {  	v58 =	vld [tilespmem:$0x1970];
	[tilespmem:$0x1D38] =	vst v53  }
0x9e: {  	v59 =	vld [tilespmem:$0x1990];
	[tilespmem:$0x1D48] =	vst v54  }
0x9f: {  	v60 =	vld [tilespmem:$0x1B1C];
	[tilespmem:$0x1D68] =	vst v55  }
0xa0: {  	v61 =	vld [tilespmem:$0x1910];
	[tilespmem:$0x1D58] =	vst v56  }
0xa1: {  	v63 =	vld [tilespmem:$0x19E0];
	[tilespmem:$0x1D78] =	vst v57  }
0xa2: {  	v39 =	vld [tilespmem:$0x1B48];
	[tilespmem:$0x1BC8] =	vst v58  }
0xa3: {  	v62 =	vld [tilespmem:$0x1A1C];
	[tilespmem:$0x1BE8] =	vst v59  }
0xa4: {  	[tilespmem:$0x1D88] =	vst v60  }
0xa5: {  	[tilespmem:$0x1B68] =	vst v61  }
0xa6: {  	[tilespmem:$0x1C38] =	vst v63  }
0xa7: {  	[tilespmem:$0x1DB4] =	vst v39  }
0xa8: {  	s31 =	sadd.s32 s25, s3;
	[tilespmem:$0x1C74] =	vst v62  }
0xa9: {  	[hbm4b:s31+s4] =	stream.linear.scatter [tilespmem:s14], [sflag:$0x5], $0x280, $0x38;
	[tilespmem:$0x153D8] =	vst v63  }
0xaa: {  	_ =	swait.ge [sflag:s13], $0x280  }
0xab: {  	[sflag:s13] =	ssyncset.done $0x0  }
0xac: {  	[sflag:s13] =	ssyncadd.s32 $0xFFFFFD80  }
0xad: {  	s25 =	simm.s32 $0x0;
	[bflag:$0x0] =	sbarrier.arrive $0xFFFF  }
0xae: {  	[tilespmem:s25], [sflag:$0x5] =	stream.linear.gather [hbm4b:s7+s25], $0x1900, $0x38;
	[tilespmem:$0x153D8] =	vst v63  }
0xaf: {  	_ =	swait.ge [sflag:s13], $0x1900  }
0xb0: {  	[sflag:s13] =	ssyncset.done $0x0  }
0xb1: {  	[sflag:s13] =	ssyncadd.s32 $0xFFFFE700  }
0xb2: {  	[tilespmem:s16], [sflag:$0x1] =	stream.indirect.gather [hbm4b:s3+s15], $0x140, s25, s15, $0xb8;
	[tilespmem:$0x153D8] =	vst v63  }
.LBB2_6:
0xb3: {  	s1 =	sshll.u32 s25, $0x7  }
0xb4: {  	s28 =	sand.u32 $0x3FFFFF80, s1  }
0xb5: {  	s1 =	sor.u32 $0x40, s28  }
0xb6: {  	[tilespmem:s17], [sflag:$0x2] =	stream.indirect.gather [hbm4b:s3+s15], $0x140, s1, s15, $0xb8;
	[tilespmem:$0x153D8] =	vst v63  }
0xb7: {  	_ =	swait.ge [sflag:s18], $0x5000  }
0xb8: {  	p0 =	seq.s32 s25, $0x0;
	[sflag:s18] =	ssyncset.done $0x0  }
0xb9: {  	s1 =	simm.s32 @!p0 $0x3;
	[sflag:s18] =	ssyncadd.s32 $0xFFFFB000  }
0xba: {  	_ =	swait.ge @!p0 [sflag:s1], $0x4B00  }
0xbb: {  	[sflag:s1] =	ssyncset.done @!p0 $0x0  }
0xbc: {  	s31 =	simm.s32 $0x2058;
	[sflag:s1] =	ssyncadd.s32 @!p0 $0xFFFFB500  }
0xbd: {  	v1 =	vld [tilespmem:s31+$0xFFFFFEC0];
	_ =	sdelay $0x2  }
0xbe: {  	v0 =	vld [tilespmem:s31+$0x140]  }
0xbf: {  	s26 =	simm.s32 $0xC030;
	v2 =	vld [tilespmem:s31+$0x0]  }
0xc0: {  	[tilespmem:s26+$0xFFFFFED4] =	vst v1  }
0xc1: {  	v1 =	vld [tilespmem:s31+$0xFFFFFED0]  }
0xc2: {  	v3 =	vld [tilespmem:s31+$0xFFFFFD80]  }
0xc3: {  	[tilespmem:s26+$0x12C] =	vst v0  }
0xc4: {  	[tilespmem:s26+$0x0] =	vst v2;
	v0 =	vld [tilespmem:s31+$0x150]  }
0xc5: {  	v2 =	vld [tilespmem:s31+$0x10]  }
0xc6: {  	[tilespmem:s26+$0xFFFFFEE4] =	vst v1  }
0xc7: {  	[tilespmem:s26+$0xFFFFFDA8] =	vst v3;
	v1 =	vld [tilespmem:s31+$0xFFFFFEE0]  }
0xc8: {  	v3 =	vld [tilespmem:s31+$0xFFFFFD90]  }
0xc9: {  	[tilespmem:s26+$0x13C] =	vst v0  }
0xca: {  	[tilespmem:s26+$0x10] =	vst v2;
	v0 =	vld [tilespmem:s31+$0x160]  }
0xcb: {  	v2 =	vld [tilespmem:s31+$0x20]  }
0xcc: {  	[tilespmem:s26+$0xFFFFFEF4] =	vst v1  }
0xcd: {  	[tilespmem:s26+$0xFFFFFDB8] =	vst v3;
	v1 =	vld [tilespmem:s31+$0xFFFFFEF0]  }
0xce: {  	v3 =	vld [tilespmem:s31+$0xFFFFFDA0]  }
0xcf: {  	[tilespmem:s26+$0x14C] =	vst v0  }
0xd0: {  	[tilespmem:s26+$0x20] =	vst v2;
	v0 =	vld [tilespmem:s31+$0x170]  }
0xd1: {  	v2 =	vld [tilespmem:s31+$0x30]  }
0xd2: {  	[tilespmem:s26+$0xFFFFFF04] =	vst v1  }
0xd3: {  	[tilespmem:s26+$0xFFFFFDC8] =	vst v3;
	v1 =	vld [tilespmem:s31+$0xFFFFFF00]  }
0xd4: {  	v3 =	vld [tilespmem:s31+$0xFFFFFDB0]  }
0xd5: {  	[tilespmem:s26+$0x15C] =	vst v0  }
0xd6: {  	[tilespmem:s26+$0x30] =	vst v2;
	v0 =	vld [tilespmem:s31+$0x180]  }
0xd7: {  	v2 =	vld [tilespmem:s31+$0x40]  }
0xd8: {  	[tilespmem:s26+$0xFFFFFF14] =	vst v1  }
0xd9: {  	[tilespmem:s26+$0xFFFFFDD8] =	vst v3;
	v1 =	vld [tilespmem:s31+$0xFFFFFF10]  }
0xda: {  	v3 =	vld [tilespmem:s31+$0xFFFFFDC0]  }
0xdb: {  	[tilespmem:s26+$0x16C] =	vst v0  }
0xdc: {  	[tilespmem:s26+$0x40] =	vst v2;
	v0 =	vld [tilespmem:s31+$0x190]  }
0xdd: {  	v2 =	vld [tilespmem:s31+$0x50]  }
0xde: {  	[tilespmem:s26+$0xFFFFFF24] =	vst v1  }
0xdf: {  	[tilespmem:s26+$0xFFFFFDE8] =	vst v3;
	v1 =	vld [tilespmem:s31+$0xFFFFFF20]  }
0xe0: {  	v3 =	vld [tilespmem:s31+$0xFFFFFDD0]  }
0xe1: {  	[tilespmem:s26+$0x17C] =	vst v0  }
0xe2: {  	[tilespmem:s26+$0x50] =	vst v2;
	v0 =	vld [tilespmem:s31+$0x1A0]  }
0xe3: {  	v2 =	vld [tilespmem:s31+$0x60]  }
0xe4: {  	[tilespmem:s26+$0xFFFFFF34] =	vst v1  }
0xe5: {  	[tilespmem:s26+$0xFFFFFDF8] =	vst v3;
	v1 =	vld [tilespmem:s31+$0xFFFFFF30]  }
0xe6: {  	v3 =	vld [tilespmem:s31+$0xFFFFFDE0]  }
0xe7: {  	[tilespmem:s26+$0x18C] =	vst v0  }
0xe8: {  	[tilespmem:s26+$0x60] =	vst v2;
	v0 =	vld [tilespmem:s31+$0x1B0]  }
0xe9: {  	v2 =	vld [tilespmem:s31+$0x70]  }
0xea: {  	[tilespmem:s26+$0xFFFFFF44] =	vst v1  }
0xeb: {  	[tilespmem:s26+$0xFFFFFE08] =	vst v3;
	v1 =	vld [tilespmem:s31+$0xFFFFFF40]  }
0xec: {  	v3 =	vld [tilespmem:s31+$0xFFFFFDF0]  }
0xed: {  	[tilespmem:s26+$0x19C] =	vst v0  }
0xee: {  	[tilespmem:s26+$0x70] =	vst v2;
	v0 =	vld [tilespmem:s31+$0x1C0]  }
0xef: {  	v2 =	vld [tilespmem:s31+$0x80]  }
0xf0: {  	[tilespmem:s26+$0xFFFFFF54] =	vst v1  }
0xf1: {  	[tilespmem:s26+$0xFFFFFE18] =	vst v3;
	v1 =	vld [tilespmem:s31+$0xFFFFFF50]  }
0xf2: {  	v3 =	vld [tilespmem:s31+$0xFFFFFE00]  }
0xf3: {  	[tilespmem:s26+$0x1AC] =	vst v0  }
0xf4: {  	[tilespmem:s26+$0x80] =	vst v2;
	v0 =	vld [tilespmem:s31+$0x1D0]  }
0xf5: {  	v2 =	vld [tilespmem:s31+$0x90]  }
0xf6: {  	[tilespmem:s26+$0xFFFFFF64] =	vst v1  }
0xf7: {  	[tilespmem:s26+$0xFFFFFE28] =	vst v3;
	v1 =	vld [tilespmem:s31+$0xFFFFFF60]  }
0xf8: {  	v3 =	vld [tilespmem:s31+$0xFFFFFE10]  }
0xf9: {  	[tilespmem:s26+$0x1BC] =	vst v0  }
0xfa: {  	[tilespmem:s26+$0x90] =	vst v2;
	v0 =	vld [tilespmem:s31+$0x1E0]  }
0xfb: {  	v2 =	vld [tilespmem:s31+$0xA0]  }
0xfc: {  	[tilespmem:s26+$0xFFFFFF74] =	vst v1  }
0xfd: {  	[tilespmem:s26+$0xFFFFFE38] =	vst v3;
	v1 =	vld [tilespmem:s31+$0xFFFFFF70]  }
0xfe: {  	s29 =	simm.s32 $0x2558;
	v3 =	vld [tilespmem:s31+$0xFFFFFE20]  }
0xff: {  	v4 =	vld [tilespmem:s29+$0x140];
	[tilespmem:s26+$0x1CC] =	vst v0  }
0x100: {  	[tilespmem:s26+$0xA0] =	vst v2;
	v0 =	vld [tilespmem:s31+$0x1F0]  }
0x101: {  	v2 =	vld [tilespmem:s31+$0xB0]  }
0x102: {  	v5 =	vld [tilespmem:s29+$0xFFFFFEC0];
	[tilespmem:s26+$0xFFFFFF84] =	vst v1  }
0x103: {  	s30 =	simm.s32 $0xC4E0;
	[tilespmem:s26+$0xFFFFFE48] =	vst v3;
	v1 =	vld [tilespmem:s31+$0xFFFFFF80]  }
0x104: {  	[tilespmem:s30+$0x12C] =	vst v4;
	v3 =	vld [tilespmem:s31+$0xFFFFFE30]  }
0x105: {  	v4 =	vld [tilespmem:s29+$0x150];
	[tilespmem:s26+$0x1DC] =	vst v0  }
0x106: {  	[tilespmem:s26+$0xB0] =	vst v2;
	v0 =	vld [tilespmem:s31+$0x200]  }
0x107: {  	[tilespmem:s30+$0xFFFFFED4] =	vst v5;
	v2 =	vld [tilespmem:s31+$0xC0]  }
0x108: {  	[tilespmem:s26+$0xFFFFFF94] =	vst v1;
	v1 =	vld [tilespmem:s29+$0x0]  }
0x109: {  	[tilespmem:s26+$0xFFFFFE58] =	vst v3;
	v3 =	vld [tilespmem:s29+$0xFFFFFD80]  }
0x10a: {  	v5 =	vld [tilespmem:s29+$0xFFFFFED0];
	[tilespmem:s30+$0x13C] =	vst v4  }
0x10b: {  	v4 =	vld [tilespmem:s29+$0x160];
	[tilespmem:s26+$0x1EC] =	vst v0  }
0x10c: {  	[tilespmem:s26+$0xC0] =	vst v2;
	v2 =	vld [tilespmem:s31+$0xFFFFFE40]  }
0x10d: {  	v0 =	vld [tilespmem:s31+$0x210];
	[tilespmem:s30+$0x0] =	vst v1  }
0x10e: {  	[tilespmem:s30+$0xFFFFFDA8] =	vst v3;
	v1 =	vld [tilespmem:s29+$0x10]  }
0x10f: {  	[tilespmem:s30+$0xFFFFFEE4] =	vst v5;
	v3 =	vld [tilespmem:s29+$0xFFFFFD90]  }
0x110: {  	v5 =	vld [tilespmem:s29+$0xFFFFFEE0];
	[tilespmem:s30+$0x14C] =	vst v4  }
0x111: {  	v4 =	vld [tilespmem:s29+$0x170];
	[tilespmem:s26+$0xFFFFFE68] =	vst v2  }
0x112: {  	[tilespmem:s26+$0x1FC] =	vst v0;
	v2 =	vld [tilespmem:s31+$0xFFFFFE50]  }
0x113: {  	v0 =	vld [tilespmem:s31+$0x220];
	[tilespmem:s30+$0x10] =	vst v1  }
0x114: {  	[tilespmem:s30+$0xFFFFFDB8] =	vst v3;
	v1 =	vld [tilespmem:s29+$0x20]  }
0x115: {  	[tilespmem:s30+$0xFFFFFEF4] =	vst v5;
	v3 =	vld [tilespmem:s29+$0xFFFFFDA0]  }
0x116: {  	v5 =	vld [tilespmem:s29+$0xFFFFFEF0];
	[tilespmem:s30+$0x15C] =	vst v4  }
0x117: {  	v4 =	vld [tilespmem:s29+$0x180];
	[tilespmem:s26+$0xFFFFFE78] =	vst v2  }
0x118: {  	v2 =	vld [tilespmem:s31+$0xFFFFFF90];
	[tilespmem:s26+$0x20C] =	vst v0  }
0x119: {  	v0 =	vld [tilespmem:s31+$0x230];
	[tilespmem:s30+$0x20] =	vst v1  }
0x11a: {  	[tilespmem:s30+$0xFFFFFDC8] =	vst v3;
	v1 =	vld [tilespmem:s29+$0x30]  }
0x11b: {  	[tilespmem:s30+$0xFFFFFF04] =	vst v5;
	v3 =	vld [tilespmem:s29+$0xFFFFFDB0]  }
0x11c: {  	v5 =	vld [tilespmem:s29+$0xFFFFFF00];
	[tilespmem:s30+$0x16C] =	vst v4  }
0x11d: {  	v4 =	vld [tilespmem:s29+$0x190];
	[tilespmem:s26+$0xFFFFFFA4] =	vst v2  }
0x11e: {  	v2 =	vld [tilespmem:s31+$0xD0];
	[tilespmem:s26+$0x21C] =	vst v0  }
0x11f: {  	v0 =	vld [tilespmem:s31+$0x240];
	[tilespmem:s30+$0x30] =	vst v1  }
0x120: {  	[tilespmem:s30+$0xFFFFFDD8] =	vst v3;
	v1 =	vld [tilespmem:s29+$0x40]  }
0x121: {  	[tilespmem:s30+$0xFFFFFF14] =	vst v5;
	v3 =	vld [tilespmem:s29+$0xFFFFFDC0]  }
0x122: {  	v5 =	vld [tilespmem:s29+$0xFFFFFF10];
	[tilespmem:s30+$0x17C] =	vst v4  }
0x123: {  	v4 =	vld [tilespmem:s29+$0x1A0];
	[tilespmem:s26+$0xD0] =	vst v2  }
0x124: {  	v2 =	vld [tilespmem:s31+$0xFFFFFE60];
	[tilespmem:s26+$0x22C] =	vst v0  }
0x125: {  	v0 =	vld [tilespmem:s31+$0x250];
	[tilespmem:s30+$0x40] =	vst v1  }
0x126: {  	[tilespmem:s30+$0xFFFFFDE8] =	vst v3;
	v1 =	vld [tilespmem:s29+$0x50]  }
0x127: {  	[tilespmem:s30+$0xFFFFFF24] =	vst v5;
	v3 =	vld [tilespmem:s29+$0xFFFFFDD0]  }
0x128: {  	v5 =	vld [tilespmem:s29+$0xFFFFFF20];
	[tilespmem:s30+$0x18C] =	vst v4  }
0x129: {  	v4 =	vld [tilespmem:s29+$0x1B0];
	[tilespmem:s26+$0xFFFFFE88] =	vst v2  }
0x12a: {  	v2 =	vld [tilespmem:s31+$0xFFFFFFA0];
	[tilespmem:s26+$0x23C] =	vst v0  }
0x12b: {  	v0 =	vld [tilespmem:s31+$0x25C];
	[tilespmem:s30+$0x50] =	vst v1  }
0x12c: {  	[tilespmem:s30+$0xFFFFFDF8] =	vst v3;
	v1 =	vld [tilespmem:s29+$0x60]  }
0x12d: {  	[tilespmem:s30+$0xFFFFFF34] =	vst v5;
	v3 =	vld [tilespmem:s29+$0xFFFFFDE0]  }
0x12e: {  	v5 =	vld [tilespmem:s29+$0xFFFFFF30];
	[tilespmem:s30+$0x19C] =	vst v4  }
0x12f: {  	v4 =	vld [tilespmem:s29+$0x1C0];
	[tilespmem:s26+$0xFFFFFFB4] =	vst v2  }
0x130: {  	v2 =	vld [tilespmem:s31+$0xFFFFFE70];
	[tilespmem:s26+$0x248] =	vst v0  }
0x131: {  	v0 =	vld [tilespmem:s31+$0xE0];
	[tilespmem:s30+$0x60] =	vst v1  }
0x132: {  	[tilespmem:s30+$0xFFFFFE08] =	vst v3;
	v1 =	vld [tilespmem:s29+$0x70]  }
0x133: {  	[tilespmem:s30+$0xFFFFFF44] =	vst v5;
	v3 =	vld [tilespmem:s29+$0xFFFFFDF0]  }
0x134: {  	v5 =	vld [tilespmem:s29+$0xFFFFFF40];
	[tilespmem:s30+$0x1AC] =	vst v4  }
0x135: {  	v4 =	vld [tilespmem:s29+$0x1D0];
	[tilespmem:s26+$0xFFFFFE98] =	vst v2  }
0x136: {  	[tilespmem:s26+$0xE0] =	vst v0;
	v0 =	vld [tilespmem:s31+$0xFFFFFFB0]  }
0x137: {  	v2 =	vld [tilespmem:s31+$0xF0];
	[tilespmem:s30+$0x70] =	vst v1  }
0x138: {  	[tilespmem:s30+$0xFFFFFE18] =	vst v3;
	v1 =	vld [tilespmem:s29+$0x80]  }
0x139: {  	[tilespmem:s30+$0xFFFFFF54] =	vst v5;
	v3 =	vld [tilespmem:s29+$0xFFFFFE00]  }
0x13a: {  	v5 =	vld [tilespmem:s29+$0xFFFFFF50];
	[tilespmem:s30+$0x1BC] =	vst v4  }
0x13b: {  	v4 =	vld [tilespmem:s29+$0x1E0];
	[tilespmem:s26+$0xFFFFFFC4] =	vst v0  }
0x13c: {  	v0 =	vld [tilespmem:s31+$0xFFFFFE80];
	[tilespmem:s26+$0xF0] =	vst v2  }
0x13d: {  	v2 =	vld [tilespmem:s31+$0xFFFFFFC0];
	[tilespmem:s30+$0x80] =	vst v1  }
0x13e: {  	[tilespmem:s30+$0xFFFFFE28] =	vst v3;
	v1 =	vld [tilespmem:s29+$0x90]  }
0x13f: {  	[tilespmem:s30+$0xFFFFFF64] =	vst v5;
	v3 =	vld [tilespmem:s29+$0xFFFFFE10]  }
0x140: {  	v5 =	vld [tilespmem:s29+$0xFFFFFF60];
	[tilespmem:s30+$0x1CC] =	vst v4  }
0x141: {  	[tilespmem:s26+$0xFFFFFEA8] =	vst v0;
	v0 =	vld [tilespmem:s31+$0x100]  }
0x142: {  	v4 =	vld [tilespmem:s29+$0x1F0];
	[tilespmem:s26+$0xFFFFFFD4] =	vst v2  }
0x143: {  	v2 =	vld [tilespmem:s31+$0xFFFFFE90];
	[tilespmem:s30+$0x90] =	vst v1  }
0x144: {  	[tilespmem:s30+$0xFFFFFE38] =	vst v3;
	v1 =	vld [tilespmem:s29+$0xA0]  }
0x145: {  	[tilespmem:s30+$0xFFFFFF74] =	vst v5;
	v3 =	vld [tilespmem:s29+$0xFFFFFE20]  }
0x146: {  	[tilespmem:s26+$0x100] =	vst v0;
	v0 =	vld [tilespmem:s31+$0xFFFFFFD0]  }
0x147: {  	v5 =	vld [tilespmem:s29+$0xFFFFFF70];
	[tilespmem:s30+$0x1DC] =	vst v4  }
0x148: {  	[tilespmem:s26+$0xFFFFFEB8] =	vst v2;
	v2 =	vld [tilespmem:s31+$0x110]  }
0x149: {  	[tilespmem:s30+$0xA0] =	vst v1;
	v1 =	vld [tilespmem:s31+$0xFFFFFE9C]  }
0x14a: {  	[tilespmem:s30+$0xFFFFFE48] =	vst v3;
	v6 =	vld [tilespmem:s29+$0xB0]  }
0x14b: {  	v7 =	vld [tilespmem:s29+$0xFFFFFE30];
	[tilespmem:s26+$0xFFFFFFE4] =	vst v0  }
0x14c: {  	[tilespmem:s30+$0xFFFFFF84] =	vst v5;
	v0 =	vld [tilespmem:s31+$0xFFFFFFDC]  }
0x14d: {  	v3 =	vld [tilespmem:s29+$0x200];
	[tilespmem:s26+$0x110] =	vst v2  }
0x14e: {  	v2 =	vld [tilespmem:s29+$0xFFFFFF80];
	[tilespmem:s26+$0xFFFFFEC4] =	vst v1  }
0x14f: {  	v1 =	vld [tilespmem:s31+$0x11C];
	[tilespmem:s30+$0xB0] =	vst v6  }
0x150: {  	s1 =	simm.s32 $0x2A58;
	[tilespmem:s30+$0xFFFFFE58] =	vst v7;
	s31 =	simm.s32 $0x4;
	v4 =	vld [tilespmem:s29+$0xC0]  }
.LBB2_7:
0x151: {  	v5 =	vld [tilespmem:s1+$0x140];
	s31 =	sadd.s32 $0x4, s31;
	[tilespmem:s26+$0xFFFFFFF0] =	vst v0  }
0x152: {  	v0 =	vld [tilespmem:s1+$0xFFFFFEC0];
	p1 =	slt.u32 s31, $0x3C;
	[tilespmem:s30+$0x1EC] =	vst v3  }
0x153: {  	[tilespmem:s30+$0xFFFFFF94] =	vst v2;
	v2 =	vld [tilespmem:s29+$0x210]  }
0x154: {  	v3 =	vld [tilespmem:s1+$0x0];
	[tilespmem:s26+$0x11C] =	vst v1;
	s26 =	smov.u32 s30  }
0x155: {  	s30 =	sadd.s32 $0x4B0, s30;
	v1 =	vld [tilespmem:s1+$0xFFFFFD80];
	[tilespmem:s26+$0xC0] =	vst v4  }
0x156: {  	[tilespmem:s30+$0x12C] =	vst v5;
	v4 =	vld [tilespmem:s29+$0xFFFFFE40]  }
0x157: {  	[tilespmem:s30+$0xFFFFFED4] =	vst v0;
	v0 =	vld [tilespmem:s1+$0x150]  }
0x158: {  	v5 =	vld [tilespmem:s1+$0xFFFFFED0];
	[tilespmem:s26+$0x1FC] =	vst v2  }
0x159: {  	[tilespmem:s30+$0x0] =	vst v3;
	v2 =	vld [tilespmem:s29+$0x220]  }
0x15a: {  	[tilespmem:s30+$0xFFFFFDA8] =	vst v1;
	v1 =	vld [tilespmem:s1+$0x10]  }
0x15b: {  	v3 =	vld [tilespmem:s1+$0xFFFFFD90];
	[tilespmem:s26+$0xFFFFFE68] =	vst v4  }
0x15c: {  	[tilespmem:s30+$0x13C] =	vst v0;
	v0 =	vld [tilespmem:s29+$0xFFFFFE50]  }
0x15d: {  	[tilespmem:s30+$0xFFFFFEE4] =	vst v5;
	v4 =	vld [tilespmem:s1+$0x160]  }
0x15e: {  	v5 =	vld [tilespmem:s1+$0xFFFFFEE0];
	[tilespmem:s26+$0x20C] =	vst v2  }
0x15f: {  	[tilespmem:s30+$0x10] =	vst v1;
	v1 =	vld [tilespmem:s29+$0x230]  }
0x160: {  	[tilespmem:s30+$0xFFFFFDB8] =	vst v3;
	v2 =	vld [tilespmem:s1+$0x20]  }
0x161: {  	v3 =	vld [tilespmem:s1+$0xFFFFFDA0];
	[tilespmem:s26+$0xFFFFFE78] =	vst v0  }
0x162: {  	[tilespmem:s30+$0x14C] =	vst v4;
	v0 =	vld [tilespmem:s29+$0xFFFFFF90]  }
0x163: {  	[tilespmem:s30+$0xFFFFFEF4] =	vst v5;
	v4 =	vld [tilespmem:s1+$0x170]  }
0x164: {  	v5 =	vld [tilespmem:s1+$0xFFFFFEF0];
	[tilespmem:s26+$0x21C] =	vst v1  }
0x165: {  	[tilespmem:s30+$0x20] =	vst v2;
	v1 =	vld [tilespmem:s29+$0x240]  }
0x166: {  	[tilespmem:s30+$0xFFFFFDC8] =	vst v3;
	v2 =	vld [tilespmem:s1+$0x30]  }
0x167: {  	v3 =	vld [tilespmem:s1+$0xFFFFFDB0];
	[tilespmem:s26+$0xFFFFFFA4] =	vst v0  }
0x168: {  	[tilespmem:s30+$0x15C] =	vst v4;
	v0 =	vld [tilespmem:s29+$0xD0]  }
0x169: {  	[tilespmem:s30+$0xFFFFFF04] =	vst v5;
	v4 =	vld [tilespmem:s1+$0x180]  }
0x16a: {  	v5 =	vld [tilespmem:s1+$0xFFFFFF00];
	[tilespmem:s26+$0x22C] =	vst v1  }
0x16b: {  	[tilespmem:s30+$0x30] =	vst v2;
	v1 =	vld [tilespmem:s29+$0x250]  }
0x16c: {  	[tilespmem:s30+$0xFFFFFDD8] =	vst v3;
	v2 =	vld [tilespmem:s1+$0x40]  }
0x16d: {  	v3 =	vld [tilespmem:s1+$0xFFFFFDC0];
	[tilespmem:s26+$0xD0] =	vst v0  }
0x16e: {  	[tilespmem:s30+$0x16C] =	vst v4;
	v0 =	vld [tilespmem:s29+$0xFFFFFE60]  }
0x16f: {  	[tilespmem:s30+$0xFFFFFF14] =	vst v5;
	v4 =	vld [tilespmem:s1+$0x190]  }
0x170: {  	v5 =	vld [tilespmem:s1+$0xFFFFFF10];
	[tilespmem:s26+$0x23C] =	vst v1  }
0x171: {  	[tilespmem:s30+$0x40] =	vst v2;
	v1 =	vld [tilespmem:s29+$0x25C]  }
0x172: {  	[tilespmem:s30+$0xFFFFFDE8] =	vst v3;
	v2 =	vld [tilespmem:s1+$0x50]  }
0x173: {  	v3 =	vld [tilespmem:s1+$0xFFFFFDD0];
	[tilespmem:s26+$0xFFFFFE88] =	vst v0  }
0x174: {  	[tilespmem:s30+$0x17C] =	vst v4;
	v0 =	vld [tilespmem:s29+$0xFFFFFFA0]  }
0x175: {  	[tilespmem:s30+$0xFFFFFF24] =	vst v5;
	v4 =	vld [tilespmem:s1+$0x1A0]  }
0x176: {  	v5 =	vld [tilespmem:s1+$0xFFFFFF20];
	[tilespmem:s26+$0x248] =	vst v1  }
0x177: {  	[tilespmem:s30+$0x50] =	vst v2;
	v1 =	vld [tilespmem:s29+$0xE0]  }
0x178: {  	[tilespmem:s30+$0xFFFFFDF8] =	vst v3;
	v2 =	vld [tilespmem:s1+$0x60]  }
0x179: {  	v3 =	vld [tilespmem:s1+$0xFFFFFDE0];
	[tilespmem:s26+$0xFFFFFFB4] =	vst v0  }
0x17a: {  	[tilespmem:s30+$0x18C] =	vst v4;
	v0 =	vld [tilespmem:s29+$0xFFFFFE70]  }
0x17b: {  	[tilespmem:s30+$0xFFFFFF34] =	vst v5;
	v4 =	vld [tilespmem:s1+$0x1B0]  }
0x17c: {  	v5 =	vld [tilespmem:s1+$0xFFFFFF30];
	[tilespmem:s26+$0xE0] =	vst v1  }
0x17d: {  	[tilespmem:s30+$0x60] =	vst v2;
	v1 =	vld [tilespmem:s29+$0xFFFFFFB0]  }
0x17e: {  	[tilespmem:s30+$0xFFFFFE08] =	vst v3;
	v2 =	vld [tilespmem:s1+$0x70]  }
0x17f: {  	v3 =	vld [tilespmem:s1+$0xFFFFFDF0];
	[tilespmem:s26+$0xFFFFFE98] =	vst v0  }
0x180: {  	[tilespmem:s30+$0x19C] =	vst v4;
	v0 =	vld [tilespmem:s29+$0xF0]  }
0x181: {  	[tilespmem:s30+$0xFFFFFF44] =	vst v5;
	v4 =	vld [tilespmem:s1+$0x1C0]  }
0x182: {  	v5 =	vld [tilespmem:s1+$0xFFFFFF40];
	[tilespmem:s26+$0xFFFFFFC4] =	vst v1  }
0x183: {  	[tilespmem:s30+$0x70] =	vst v2;
	v1 =	vld [tilespmem:s29+$0xFFFFFE80]  }
0x184: {  	[tilespmem:s30+$0xFFFFFE18] =	vst v3;
	v2 =	vld [tilespmem:s1+$0x80]  }
0x185: {  	v3 =	vld [tilespmem:s1+$0xFFFFFE00];
	[tilespmem:s26+$0xF0] =	vst v0  }
0x186: {  	[tilespmem:s30+$0x1AC] =	vst v4;
	v0 =	vld [tilespmem:s29+$0xFFFFFFC0]  }
0x187: {  	[tilespmem:s30+$0xFFFFFF54] =	vst v5;
	v4 =	vld [tilespmem:s1+$0x1D0]  }
0x188: {  	v5 =	vld [tilespmem:s1+$0xFFFFFF50];
	[tilespmem:s26+$0xFFFFFEA8] =	vst v1  }
0x189: {  	[tilespmem:s30+$0x80] =	vst v2;
	v1 =	vld [tilespmem:s29+$0x100]  }
0x18a: {  	[tilespmem:s30+$0xFFFFFE28] =	vst v3;
	v2 =	vld [tilespmem:s1+$0x90]  }
0x18b: {  	v3 =	vld [tilespmem:s1+$0xFFFFFE10];
	[tilespmem:s26+$0xFFFFFFD4] =	vst v0  }
0x18c: {  	[tilespmem:s30+$0x1BC] =	vst v4;
	v0 =	vld [tilespmem:s29+$0xFFFFFE90]  }
0x18d: {  	[tilespmem:s30+$0xFFFFFF64] =	vst v5;
	v4 =	vld [tilespmem:s1+$0x1E0]  }
0x18e: {  	v5 =	vld [tilespmem:s1+$0xFFFFFF60];
	[tilespmem:s26+$0x100] =	vst v1  }
0x18f: {  	[tilespmem:s30+$0x90] =	vst v2;
	v1 =	vld [tilespmem:s29+$0xFFFFFFD0]  }
0x190: {  	[tilespmem:s30+$0xFFFFFE38] =	vst v3;
	v2 =	vld [tilespmem:s1+$0xA0]  }
0x191: {  	v3 =	vld [tilespmem:s1+$0xFFFFFE20];
	[tilespmem:s26+$0xFFFFFEB8] =	vst v0  }
0x192: {  	[tilespmem:s30+$0x1CC] =	vst v4;
	v0 =	vld [tilespmem:s29+$0x110]  }
0x193: {  	[tilespmem:s30+$0xFFFFFF74] =	vst v5;
	v4 =	vld [tilespmem:s1+$0x1F0]  }
0x194: {  	v5 =	vld [tilespmem:s1+$0xFFFFFF70];
	[tilespmem:s26+$0xFFFFFFE4] =	vst v1  }
0x195: {  	[tilespmem:s30+$0xA0] =	vst v2;
	v1 =	vld [tilespmem:s29+$0xFFFFFE9C]  }
0x196: {  	[tilespmem:s30+$0xFFFFFE48] =	vst v3;
	v6 =	vld [tilespmem:s1+$0xB0]  }
0x197: {  	v7 =	vld [tilespmem:s1+$0xFFFFFE30];
	[tilespmem:s26+$0x110] =	vst v0  }
.Ltmp3:
0x198: {  	[tilespmem:s30+$0x1DC] =	vst v4;
	v0 =	vld [tilespmem:s29+$0xFFFFFFDC];
	(pc) =	sbr.rel @p1 .LBB2_7-.Ltmp3, $4  }
0x199: {  	[tilespmem:s30+$0xFFFFFF84] =	vst v5;
	v3 =	vld [tilespmem:s1+$0x200]  }
0x19a: {  	v2 =	vld [tilespmem:s1+$0xFFFFFF80];
	[tilespmem:s26+$0xFFFFFEC4] =	vst v1  }
0x19b: {  	[tilespmem:s30+$0xB0] =	vst v6;
	v1 =	vld [tilespmem:s29+$0x11C];
	s29 =	smov.u32 s1  }
0x19c: {  	s1 =	sadd.s32 $0x500, s1;
	[tilespmem:s30+$0xFFFFFE58] =	vst v7;
	v4 =	vld [tilespmem:s29+$0xC0]  }
0x19d: {  	v5 =	vld [tilespmem:s29+$0xFFFFFE40];
	_ =	sdelay $0x1  }
0x19e: {  	[tilespmem:s30+$0x1EC] =	vst v3  }
0x19f: {  	v3 =	vld [tilespmem:s29+$0x210];
	[tilespmem:s30+$0xFFFFFF94] =	vst v2  }
0x1a0: {  	v59 =	vld [tilespmem:s29+$0xFFFFFF90];
	[tilespmem:s30+$0xC0] =	vst v4  }
0x1a1: {  	[tilespmem:s30+$0xFFFFFE68] =	vst v5;
	v60 =	vld [tilespmem:s29+$0xD0]  }
0x1a2: {  	v58 =	vld [tilespmem:s29+$0xFFFFFE50];
	_ =	sdelay $0x1  }
0x1a3: {  	[tilespmem:s30+$0x1FC] =	vst v3  }
0x1a4: {  	v3 =	vld [tilespmem:s29+$0x220];
	[tilespmem:s30+$0xFFFFFFA4] =	vst v59  }
0x1a5: {  	v4 =	vld [tilespmem:s29+$0xFFFFFFA0];
	[tilespmem:s30+$0xD0] =	vst v60  }
0x1a6: {  	[tilespmem:s30+$0xFFFFFE78] =	vst v58;
	v5 =	vld [tilespmem:s29+$0xE0]  }
0x1a7: {  	v2 =	vld [tilespmem:s29+$0xFFFFFE60];
	_ =	sdelay $0x1  }
0x1a8: {  	[tilespmem:s30+$0x20C] =	vst v3  }
0x1a9: {  	v3 =	vld [tilespmem:s29+$0x230];
	[tilespmem:s30+$0xFFFFFFB4] =	vst v4  }
0x1aa: {  	v4 =	vld [tilespmem:s29+$0xFFFFFFB0];
	[tilespmem:s30+$0xE0] =	vst v5  }
0x1ab: {  	[tilespmem:s30+$0xFFFFFE88] =	vst v2;
	v5 =	vld [tilespmem:s29+$0xF0]  }
0x1ac: {  	v2 =	vld [tilespmem:s29+$0xFFFFFE70];
	_ =	sdelay $0x1  }
0x1ad: {  	[tilespmem:s30+$0x21C] =	vst v3  }
0x1ae: {  	v3 =	vld [tilespmem:s29+$0x240];
	[tilespmem:s30+$0xFFFFFFC4] =	vst v4  }
0x1af: {  	v4 =	vld [tilespmem:s29+$0xFFFFFFC0];
	[tilespmem:s30+$0xF0] =	vst v5  }
0x1b0: {  	[tilespmem:s30+$0xFFFFFE98] =	vst v2;
	v5 =	vld [tilespmem:s29+$0x100]  }
0x1b1: {  	v2 =	vld [tilespmem:s29+$0xFFFFFE80];
	_ =	sdelay $0x1  }
0x1b2: {  	[tilespmem:s30+$0x22C] =	vst v3  }
0x1b3: {  	v3 =	vld [tilespmem:s29+$0x250];
	[tilespmem:s30+$0xFFFFFFD4] =	vst v4  }
0x1b4: {  	v4 =	vld [tilespmem:s29+$0xFFFFFFD0];
	[tilespmem:s30+$0x100] =	vst v5  }
0x1b5: {  	[tilespmem:s30+$0xFFFFFEA8] =	vst v2;
	v5 =	vld [tilespmem:s29+$0x110]  }
0x1b6: {  	v2 =	vld [tilespmem:s29+$0xFFFFFE90];
	_ =	sdelay $0x1  }
0x1b7: {  	[tilespmem:s30+$0x23C] =	vst v3  }
0x1b8: {  	v61 =	vld [tilespmem:s29+$0x25C];
	[tilespmem:s30+$0xFFFFFFE4] =	vst v4  }
0x1b9: {  	v4 =	vld [tilespmem:s29+$0xFFFFFFDC];
	[tilespmem:s30+$0x110] =	vst v5  }
0x1ba: {  	[tilespmem:s30+$0xFFFFFEB8] =	vst v2;
	v63 =	vld [tilespmem:s29+$0x11C]  }
0x1bb: {  	[tilespmem:s26+$0xFFFFFFF0] =	vst v0;
	v62 =	vld [tilespmem:s29+$0xFFFFFE9C]  }
0x1bc: {  	p1 =	sne.s32 s25, $0x31;
	[tilespmem:s26+$0x11C] =	vst v1;
	s26 =	smul.u32 $0x9600, s25  }
.Ltmp4:
0x1bd: {  	[tilespmem:s30+$0x248] =	vst v61;
	(pc) =	sbr.rel @p1 .LBB2_10-.Ltmp4, $4  }
0x1be: {  	s1 =	sadd.s32 s5, s26;
	[tilespmem:s30+$0xFFFFFFF0] =	vst v4  }
0x1bf: {  	s1 =	sshrl.u32 s1, $0x3;
	[tilespmem:s30+$0x11C] =	vst v63  }
0x1c0: {  	s1 =	sadd.s32 s2, s1;
	[tilespmem:s30+$0xFFFFFEC4] =	vst v62  }
0x1c1: {  	[hbm4b:s1+s4] =	stream.linear.scatter [tilespmem:s19], [sflag:$0x3], $0x4B00, $0x38;
	[tilespmem:$0x153D8] =	vst v63  }
.Ltmp5:
0x1c2: {  	(pc) =	sbr.rel .LBB2_11-.Ltmp5, $4  }
0x1c3: {  	_ = 	snop  }
0x1c4: {  	_ =	swait.ge [sflag:s20], $0x5000  }
0x1c5: {  	[sflag:s20] =	ssyncset.done $0x0  }
0x1c6: {  	[sflag:s20] =	ssyncadd.s32 $0xFFFFB000  }
.LBB2_10:
.Ltmp6:
0x1c7: {  	s1 =	sadd.s32 $0x80, s28;
	(pc) =	sbr.rel @p0 .LBB2_12-.Ltmp6, $4  }
0x1c8: {  	[tilespmem:s16], [sflag:$0x1] =	stream.indirect.gather [hbm4b:s3+s15], $0x140, s1, s15, $0xb8;
	[tilespmem:$0x153D8] =	vst v63  }
0x1c9: {  	_ =	swait.ge [sflag:s20], $0x5000  }
0x1ca: {  	[sflag:s20] =	ssyncset.done $0x0  }
0x1cb: {  	[sflag:s20] =	ssyncadd.s32 $0xFFFFB000  }
.LBB2_11:
0x1cc: {  	_ =	swait.ge [sflag:s21], $0x4B00  }
0x1cd: {  	[sflag:s21] =	ssyncset.done $0x0  }
0x1ce: {  	[sflag:s21] =	ssyncadd.s32 $0xFFFFB500  }
.LBB2_12:
0x1cf: {  	s31 =	simm.s32 $0x7058  }
0x1d0: {  	v1 =	vld [tilespmem:s31+$0xFFFFFEC0];
	_ =	sdelay $0x2  }
0x1d1: {  	v0 =	vld [tilespmem:s31+$0x140]  }
0x1d2: {  	s28 =	simm.s32 $0x10B30;
	v2 =	vld [tilespmem:s31+$0x0]  }
0x1d3: {  	[tilespmem:s28+$0xFFFFFED4] =	vst v1  }
0x1d4: {  	v1 =	vld [tilespmem:s31+$0xFFFFFED0]  }
0x1d5: {  	v3 =	vld [tilespmem:s31+$0xFFFFFD80]  }
0x1d6: {  	[tilespmem:s28+$0x12C] =	vst v0  }
0x1d7: {  	[tilespmem:s28+$0x0] =	vst v2;
	v0 =	vld [tilespmem:s31+$0x150]  }
0x1d8: {  	v2 =	vld [tilespmem:s31+$0x10]  }
0x1d9: {  	[tilespmem:s28+$0xFFFFFEE4] =	vst v1  }
0x1da: {  	[tilespmem:s28+$0xFFFFFDA8] =	vst v3;
	v1 =	vld [tilespmem:s31+$0xFFFFFEE0]  }
0x1db: {  	v3 =	vld [tilespmem:s31+$0xFFFFFD90]  }
0x1dc: {  	[tilespmem:s28+$0x13C] =	vst v0  }
0x1dd: {  	[tilespmem:s28+$0x10] =	vst v2;
	v0 =	vld [tilespmem:s31+$0x160]  }
0x1de: {  	v2 =	vld [tilespmem:s31+$0x20]  }
0x1df: {  	[tilespmem:s28+$0xFFFFFEF4] =	vst v1  }
0x1e0: {  	[tilespmem:s28+$0xFFFFFDB8] =	vst v3;
	v1 =	vld [tilespmem:s31+$0xFFFFFEF0]  }
0x1e1: {  	v3 =	vld [tilespmem:s31+$0xFFFFFDA0]  }
0x1e2: {  	[tilespmem:s28+$0x14C] =	vst v0  }
0x1e3: {  	[tilespmem:s28+$0x20] =	vst v2;
	v0 =	vld [tilespmem:s31+$0x170]  }
0x1e4: {  	v2 =	vld [tilespmem:s31+$0x30]  }
0x1e5: {  	[tilespmem:s28+$0xFFFFFF04] =	vst v1  }
0x1e6: {  	[tilespmem:s28+$0xFFFFFDC8] =	vst v3;
	v1 =	vld [tilespmem:s31+$0xFFFFFF00]  }
0x1e7: {  	v3 =	vld [tilespmem:s31+$0xFFFFFDB0]  }
0x1e8: {  	[tilespmem:s28+$0x15C] =	vst v0  }
0x1e9: {  	[tilespmem:s28+$0x30] =	vst v2;
	v0 =	vld [tilespmem:s31+$0x180]  }
0x1ea: {  	v2 =	vld [tilespmem:s31+$0x40]  }
0x1eb: {  	[tilespmem:s28+$0xFFFFFF14] =	vst v1  }
0x1ec: {  	[tilespmem:s28+$0xFFFFFDD8] =	vst v3;
	v1 =	vld [tilespmem:s31+$0xFFFFFF10]  }
0x1ed: {  	v3 =	vld [tilespmem:s31+$0xFFFFFDC0]  }
0x1ee: {  	[tilespmem:s28+$0x16C] =	vst v0  }
0x1ef: {  	[tilespmem:s28+$0x40] =	vst v2;
	v0 =	vld [tilespmem:s31+$0x190]  }
0x1f0: {  	v2 =	vld [tilespmem:s31+$0x50]  }
0x1f1: {  	[tilespmem:s28+$0xFFFFFF24] =	vst v1  }
0x1f2: {  	[tilespmem:s28+$0xFFFFFDE8] =	vst v3;
	v1 =	vld [tilespmem:s31+$0xFFFFFF20]  }
0x1f3: {  	v3 =	vld [tilespmem:s31+$0xFFFFFDD0]  }
0x1f4: {  	[tilespmem:s28+$0x17C] =	vst v0  }
0x1f5: {  	[tilespmem:s28+$0x50] =	vst v2;
	v0 =	vld [tilespmem:s31+$0x1A0]  }
0x1f6: {  	v2 =	vld [tilespmem:s31+$0x60]  }
0x1f7: {  	[tilespmem:s28+$0xFFFFFF34] =	vst v1  }
0x1f8: {  	[tilespmem:s28+$0xFFFFFDF8] =	vst v3;
	v1 =	vld [tilespmem:s31+$0xFFFFFF30]  }
0x1f9: {  	v3 =	vld [tilespmem:s31+$0xFFFFFDE0]  }
0x1fa: {  	[tilespmem:s28+$0x18C] =	vst v0  }
0x1fb: {  	[tilespmem:s28+$0x60] =	vst v2;
	v0 =	vld [tilespmem:s31+$0x1B0]  }
0x1fc: {  	v2 =	vld [tilespmem:s31+$0x70]  }
0x1fd: {  	[tilespmem:s28+$0xFFFFFF44] =	vst v1  }
0x1fe: {  	[tilespmem:s28+$0xFFFFFE08] =	vst v3;
	v1 =	vld [tilespmem:s31+$0xFFFFFF40]  }
0x1ff: {  	v3 =	vld [tilespmem:s31+$0xFFFFFDF0]  }
0x200: {  	[tilespmem:s28+$0x19C] =	vst v0  }
0x201: {  	[tilespmem:s28+$0x70] =	vst v2;
	v0 =	vld [tilespmem:s31+$0x1C0]  }
0x202: {  	v2 =	vld [tilespmem:s31+$0x80]  }
0x203: {  	[tilespmem:s28+$0xFFFFFF54] =	vst v1  }
0x204: {  	[tilespmem:s28+$0xFFFFFE18] =	vst v3;
	v1 =	vld [tilespmem:s31+$0xFFFFFF50]  }
0x205: {  	v3 =	vld [tilespmem:s31+$0xFFFFFE00]  }
0x206: {  	[tilespmem:s28+$0x1AC] =	vst v0  }
0x207: {  	[tilespmem:s28+$0x80] =	vst v2;
	v0 =	vld [tilespmem:s31+$0x1D0]  }
0x208: {  	v2 =	vld [tilespmem:s31+$0x90]  }
0x209: {  	[tilespmem:s28+$0xFFFFFF64] =	vst v1  }
0x20a: {  	[tilespmem:s28+$0xFFFFFE28] =	vst v3;
	v1 =	vld [tilespmem:s31+$0xFFFFFF60]  }
0x20b: {  	v3 =	vld [tilespmem:s31+$0xFFFFFE10]  }
0x20c: {  	[tilespmem:s28+$0x1BC] =	vst v0  }
0x20d: {  	[tilespmem:s28+$0x90] =	vst v2;
	v0 =	vld [tilespmem:s31+$0x1E0]  }
0x20e: {  	v2 =	vld [tilespmem:s31+$0xA0]  }
0x20f: {  	[tilespmem:s28+$0xFFFFFF74] =	vst v1  }
0x210: {  	[tilespmem:s28+$0xFFFFFE38] =	vst v3;
	v1 =	vld [tilespmem:s31+$0xFFFFFF70]  }
0x211: {  	s29 =	simm.s32 $0x7558;
	v3 =	vld [tilespmem:s31+$0xFFFFFE20]  }
0x212: {  	v4 =	vld [tilespmem:s29+$0x140];
	[tilespmem:s28+$0x1CC] =	vst v0  }
0x213: {  	[tilespmem:s28+$0xA0] =	vst v2;
	v0 =	vld [tilespmem:s31+$0x1F0]  }
0x214: {  	v2 =	vld [tilespmem:s31+$0xB0]  }
0x215: {  	v5 =	vld [tilespmem:s29+$0xFFFFFEC0];
	[tilespmem:s28+$0xFFFFFF84] =	vst v1  }
0x216: {  	s30 =	simm.s32 $0x10FE0;
	[tilespmem:s28+$0xFFFFFE48] =	vst v3;
	v1 =	vld [tilespmem:s31+$0xFFFFFF80]  }
0x217: {  	[tilespmem:s30+$0x12C] =	vst v4;
	v3 =	vld [tilespmem:s31+$0xFFFFFE30]  }
0x218: {  	v4 =	vld [tilespmem:s29+$0x150];
	[tilespmem:s28+$0x1DC] =	vst v0  }
0x219: {  	[tilespmem:s28+$0xB0] =	vst v2;
	v0 =	vld [tilespmem:s31+$0x200]  }
0x21a: {  	[tilespmem:s30+$0xFFFFFED4] =	vst v5;
	v2 =	vld [tilespmem:s31+$0xC0]  }
0x21b: {  	[tilespmem:s28+$0xFFFFFF94] =	vst v1;
	v1 =	vld [tilespmem:s29+$0x0]  }
0x21c: {  	[tilespmem:s28+$0xFFFFFE58] =	vst v3;
	v3 =	vld [tilespmem:s29+$0xFFFFFD80]  }
0x21d: {  	v5 =	vld [tilespmem:s29+$0xFFFFFED0];
	[tilespmem:s30+$0x13C] =	vst v4  }
0x21e: {  	v4 =	vld [tilespmem:s29+$0x160];
	[tilespmem:s28+$0x1EC] =	vst v0  }
0x21f: {  	[tilespmem:s28+$0xC0] =	vst v2;
	v2 =	vld [tilespmem:s31+$0xFFFFFE40]  }
0x220: {  	v0 =	vld [tilespmem:s31+$0x210];
	[tilespmem:s30+$0x0] =	vst v1  }
0x221: {  	[tilespmem:s30+$0xFFFFFDA8] =	vst v3;
	v1 =	vld [tilespmem:s29+$0x10]  }
0x222: {  	[tilespmem:s30+$0xFFFFFEE4] =	vst v5;
	v3 =	vld [tilespmem:s29+$0xFFFFFD90]  }
0x223: {  	v5 =	vld [tilespmem:s29+$0xFFFFFEE0];
	[tilespmem:s30+$0x14C] =	vst v4  }
0x224: {  	v4 =	vld [tilespmem:s29+$0x170];
	[tilespmem:s28+$0xFFFFFE68] =	vst v2  }
0x225: {  	[tilespmem:s28+$0x1FC] =	vst v0;
	v2 =	vld [tilespmem:s31+$0xFFFFFE50]  }
0x226: {  	v0 =	vld [tilespmem:s31+$0x220];
	[tilespmem:s30+$0x10] =	vst v1  }
0x227: {  	[tilespmem:s30+$0xFFFFFDB8] =	vst v3;
	v1 =	vld [tilespmem:s29+$0x20]  }
0x228: {  	[tilespmem:s30+$0xFFFFFEF4] =	vst v5;
	v3 =	vld [tilespmem:s29+$0xFFFFFDA0]  }
0x229: {  	v5 =	vld [tilespmem:s29+$0xFFFFFEF0];
	[tilespmem:s30+$0x15C] =	vst v4  }
0x22a: {  	v4 =	vld [tilespmem:s29+$0x180];
	[tilespmem:s28+$0xFFFFFE78] =	vst v2  }
0x22b: {  	v2 =	vld [tilespmem:s31+$0xFFFFFF90];
	[tilespmem:s28+$0x20C] =	vst v0  }
0x22c: {  	v0 =	vld [tilespmem:s31+$0x230];
	[tilespmem:s30+$0x20] =	vst v1  }
0x22d: {  	[tilespmem:s30+$0xFFFFFDC8] =	vst v3;
	v1 =	vld [tilespmem:s29+$0x30]  }
0x22e: {  	[tilespmem:s30+$0xFFFFFF04] =	vst v5;
	v3 =	vld [tilespmem:s29+$0xFFFFFDB0]  }
0x22f: {  	v5 =	vld [tilespmem:s29+$0xFFFFFF00];
	[tilespmem:s30+$0x16C] =	vst v4  }
0x230: {  	v4 =	vld [tilespmem:s29+$0x190];
	[tilespmem:s28+$0xFFFFFFA4] =	vst v2  }
0x231: {  	v2 =	vld [tilespmem:s31+$0xD0];
	[tilespmem:s28+$0x21C] =	vst v0  }
0x232: {  	v0 =	vld [tilespmem:s31+$0x240];
	[tilespmem:s30+$0x30] =	vst v1  }
0x233: {  	[tilespmem:s30+$0xFFFFFDD8] =	vst v3;
	v1 =	vld [tilespmem:s29+$0x40]  }
0x234: {  	[tilespmem:s30+$0xFFFFFF14] =	vst v5;
	v3 =	vld [tilespmem:s29+$0xFFFFFDC0]  }
0x235: {  	v5 =	vld [tilespmem:s29+$0xFFFFFF10];
	[tilespmem:s30+$0x17C] =	vst v4  }
0x236: {  	v4 =	vld [tilespmem:s29+$0x1A0];
	[tilespmem:s28+$0xD0] =	vst v2  }
0x237: {  	v2 =	vld [tilespmem:s31+$0xFFFFFE60];
	[tilespmem:s28+$0x22C] =	vst v0  }
0x238: {  	v0 =	vld [tilespmem:s31+$0x250];
	[tilespmem:s30+$0x40] =	vst v1  }
0x239: {  	[tilespmem:s30+$0xFFFFFDE8] =	vst v3;
	v1 =	vld [tilespmem:s29+$0x50]  }
0x23a: {  	[tilespmem:s30+$0xFFFFFF24] =	vst v5;
	v3 =	vld [tilespmem:s29+$0xFFFFFDD0]  }
0x23b: {  	v5 =	vld [tilespmem:s29+$0xFFFFFF20];
	[tilespmem:s30+$0x18C] =	vst v4  }
0x23c: {  	v4 =	vld [tilespmem:s29+$0x1B0];
	[tilespmem:s28+$0xFFFFFE88] =	vst v2  }
0x23d: {  	v2 =	vld [tilespmem:s31+$0xFFFFFFA0];
	[tilespmem:s28+$0x23C] =	vst v0  }
0x23e: {  	v0 =	vld [tilespmem:s31+$0x25C];
	[tilespmem:s30+$0x50] =	vst v1  }
0x23f: {  	[tilespmem:s30+$0xFFFFFDF8] =	vst v3;
	v1 =	vld [tilespmem:s29+$0x60]  }
0x240: {  	[tilespmem:s30+$0xFFFFFF34] =	vst v5;
	v3 =	vld [tilespmem:s29+$0xFFFFFDE0]  }
0x241: {  	v5 =	vld [tilespmem:s29+$0xFFFFFF30];
	[tilespmem:s30+$0x19C] =	vst v4  }
0x242: {  	v4 =	vld [tilespmem:s29+$0x1C0];
	[tilespmem:s28+$0xFFFFFFB4] =	vst v2  }
0x243: {  	v2 =	vld [tilespmem:s31+$0xFFFFFE70];
	[tilespmem:s28+$0x248] =	vst v0  }
0x244: {  	v0 =	vld [tilespmem:s31+$0xE0];
	[tilespmem:s30+$0x60] =	vst v1  }
0x245: {  	[tilespmem:s30+$0xFFFFFE08] =	vst v3;
	v1 =	vld [tilespmem:s29+$0x70]  }
0x246: {  	[tilespmem:s30+$0xFFFFFF44] =	vst v5;
	v3 =	vld [tilespmem:s29+$0xFFFFFDF0]  }
0x247: {  	v5 =	vld [tilespmem:s29+$0xFFFFFF40];
	[tilespmem:s30+$0x1AC] =	vst v4  }
0x248: {  	v4 =	vld [tilespmem:s29+$0x1D0];
	[tilespmem:s28+$0xFFFFFE98] =	vst v2  }
0x249: {  	[tilespmem:s28+$0xE0] =	vst v0;
	v0 =	vld [tilespmem:s31+$0xFFFFFFB0]  }
0x24a: {  	v2 =	vld [tilespmem:s31+$0xF0];
	[tilespmem:s30+$0x70] =	vst v1  }
0x24b: {  	[tilespmem:s30+$0xFFFFFE18] =	vst v3;
	v1 =	vld [tilespmem:s29+$0x80]  }
0x24c: {  	[tilespmem:s30+$0xFFFFFF54] =	vst v5;
	v3 =	vld [tilespmem:s29+$0xFFFFFE00]  }
0x24d: {  	v5 =	vld [tilespmem:s29+$0xFFFFFF50];
	[tilespmem:s30+$0x1BC] =	vst v4  }
0x24e: {  	v4 =	vld [tilespmem:s29+$0x1E0];
	[tilespmem:s28+$0xFFFFFFC4] =	vst v0  }
0x24f: {  	v0 =	vld [tilespmem:s31+$0xFFFFFE80];
	[tilespmem:s28+$0xF0] =	vst v2  }
0x250: {  	v2 =	vld [tilespmem:s31+$0xFFFFFFC0];
	[tilespmem:s30+$0x80] =	vst v1  }
0x251: {  	[tilespmem:s30+$0xFFFFFE28] =	vst v3;
	v1 =	vld [tilespmem:s29+$0x90]  }
0x252: {  	[tilespmem:s30+$0xFFFFFF64] =	vst v5;
	v3 =	vld [tilespmem:s29+$0xFFFFFE10]  }
0x253: {  	v5 =	vld [tilespmem:s29+$0xFFFFFF60];
	[tilespmem:s30+$0x1CC] =	vst v4  }
0x254: {  	[tilespmem:s28+$0xFFFFFEA8] =	vst v0;
	v0 =	vld [tilespmem:s31+$0x100]  }
0x255: {  	v4 =	vld [tilespmem:s29+$0x1F0];
	[tilespmem:s28+$0xFFFFFFD4] =	vst v2  }
0x256: {  	v2 =	vld [tilespmem:s31+$0xFFFFFE90];
	[tilespmem:s30+$0x90] =	vst v1  }
0x257: {  	[tilespmem:s30+$0xFFFFFE38] =	vst v3;
	v1 =	vld [tilespmem:s29+$0xA0]  }
0x258: {  	[tilespmem:s30+$0xFFFFFF74] =	vst v5;
	v3 =	vld [tilespmem:s29+$0xFFFFFE20]  }
0x259: {  	[tilespmem:s28+$0x100] =	vst v0;
	v0 =	vld [tilespmem:s31+$0xFFFFFFD0]  }
0x25a: {  	v5 =	vld [tilespmem:s29+$0xFFFFFF70];
	[tilespmem:s30+$0x1DC] =	vst v4  }
0x25b: {  	[tilespmem:s28+$0xFFFFFEB8] =	vst v2;
	v2 =	vld [tilespmem:s31+$0x110]  }
0x25c: {  	[tilespmem:s30+$0xA0] =	vst v1;
	v1 =	vld [tilespmem:s31+$0xFFFFFE9C]  }
0x25d: {  	[tilespmem:s30+$0xFFFFFE48] =	vst v3;
	v6 =	vld [tilespmem:s29+$0xB0]  }
0x25e: {  	v7 =	vld [tilespmem:s29+$0xFFFFFE30];
	[tilespmem:s28+$0xFFFFFFE4] =	vst v0  }
0x25f: {  	[tilespmem:s30+$0xFFFFFF84] =	vst v5;
	v0 =	vld [tilespmem:s31+$0xFFFFFFDC]  }
0x260: {  	v3 =	vld [tilespmem:s29+$0x200];
	[tilespmem:s28+$0x110] =	vst v2  }
0x261: {  	v2 =	vld [tilespmem:s29+$0xFFFFFF80];
	[tilespmem:s28+$0xFFFFFEC4] =	vst v1  }
0x262: {  	v1 =	vld [tilespmem:s31+$0x11C];
	[tilespmem:s30+$0xB0] =	vst v6  }
0x263: {  	s1 =	simm.s32 $0x7A58;
	[tilespmem:s30+$0xFFFFFE58] =	vst v7;
	s31 =	simm.s32 $0x4;
	v4 =	vld [tilespmem:s29+$0xC0]  }
.LBB2_13:
0x264: {  	v5 =	vld [tilespmem:s1+$0x140];
	s31 =	sadd.s32 $0x4, s31;
	[tilespmem:s28+$0xFFFFFFF0] =	vst v0  }
0x265: {  	v0 =	vld [tilespmem:s1+$0xFFFFFEC0];
	p0 =	slt.u32 s31, $0x3C;
	[tilespmem:s30+$0x1EC] =	vst v3  }
0x266: {  	[tilespmem:s30+$0xFFFFFF94] =	vst v2;
	v2 =	vld [tilespmem:s29+$0x210]  }
0x267: {  	v3 =	vld [tilespmem:s1+$0x0];
	[tilespmem:s28+$0x11C] =	vst v1;
	s28 =	smov.u32 s30  }
0x268: {  	s30 =	sadd.s32 $0x4B0, s30;
	v1 =	vld [tilespmem:s1+$0xFFFFFD80];
	[tilespmem:s28+$0xC0] =	vst v4  }
0x269: {  	[tilespmem:s30+$0x12C] =	vst v5;
	v4 =	vld [tilespmem:s29+$0xFFFFFE40]  }
0x26a: {  	[tilespmem:s30+$0xFFFFFED4] =	vst v0;
	v0 =	vld [tilespmem:s1+$0x150]  }
0x26b: {  	v5 =	vld [tilespmem:s1+$0xFFFFFED0];
	[tilespmem:s28+$0x1FC] =	vst v2  }
0x26c: {  	[tilespmem:s30+$0x0] =	vst v3;
	v2 =	vld [tilespmem:s29+$0x220]  }
0x26d: {  	[tilespmem:s30+$0xFFFFFDA8] =	vst v1;
	v1 =	vld [tilespmem:s1+$0x10]  }
0x26e: {  	v3 =	vld [tilespmem:s1+$0xFFFFFD90];
	[tilespmem:s28+$0xFFFFFE68] =	vst v4  }
0x26f: {  	[tilespmem:s30+$0x13C] =	vst v0;
	v0 =	vld [tilespmem:s29+$0xFFFFFE50]  }
0x270: {  	[tilespmem:s30+$0xFFFFFEE4] =	vst v5;
	v4 =	vld [tilespmem:s1+$0x160]  }
0x271: {  	v5 =	vld [tilespmem:s1+$0xFFFFFEE0];
	[tilespmem:s28+$0x20C] =	vst v2  }
0x272: {  	[tilespmem:s30+$0x10] =	vst v1;
	v1 =	vld [tilespmem:s29+$0x230]  }
0x273: {  	[tilespmem:s30+$0xFFFFFDB8] =	vst v3;
	v2 =	vld [tilespmem:s1+$0x20]  }
0x274: {  	v3 =	vld [tilespmem:s1+$0xFFFFFDA0];
	[tilespmem:s28+$0xFFFFFE78] =	vst v0  }
0x275: {  	[tilespmem:s30+$0x14C] =	vst v4;
	v0 =	vld [tilespmem:s29+$0xFFFFFF90]  }
0x276: {  	[tilespmem:s30+$0xFFFFFEF4] =	vst v5;
	v4 =	vld [tilespmem:s1+$0x170]  }
0x277: {  	v5 =	vld [tilespmem:s1+$0xFFFFFEF0];
	[tilespmem:s28+$0x21C] =	vst v1  }
0x278: {  	[tilespmem:s30+$0x20] =	vst v2;
	v1 =	vld [tilespmem:s29+$0x240]  }
0x279: {  	[tilespmem:s30+$0xFFFFFDC8] =	vst v3;
	v2 =	vld [tilespmem:s1+$0x30]  }
0x27a: {  	v3 =	vld [tilespmem:s1+$0xFFFFFDB0];
	[tilespmem:s28+$0xFFFFFFA4] =	vst v0  }
0x27b: {  	[tilespmem:s30+$0x15C] =	vst v4;
	v0 =	vld [tilespmem:s29+$0xD0]  }
0x27c: {  	[tilespmem:s30+$0xFFFFFF04] =	vst v5;
	v4 =	vld [tilespmem:s1+$0x180]  }
0x27d: {  	v5 =	vld [tilespmem:s1+$0xFFFFFF00];
	[tilespmem:s28+$0x22C] =	vst v1  }
0x27e: {  	[tilespmem:s30+$0x30] =	vst v2;
	v1 =	vld [tilespmem:s29+$0x250]  }
0x27f: {  	[tilespmem:s30+$0xFFFFFDD8] =	vst v3;
	v2 =	vld [tilespmem:s1+$0x40]  }
0x280: {  	v3 =	vld [tilespmem:s1+$0xFFFFFDC0];
	[tilespmem:s28+$0xD0] =	vst v0  }
0x281: {  	[tilespmem:s30+$0x16C] =	vst v4;
	v0 =	vld [tilespmem:s29+$0xFFFFFE60]  }
0x282: {  	[tilespmem:s30+$0xFFFFFF14] =	vst v5;
	v4 =	vld [tilespmem:s1+$0x190]  }
0x283: {  	v5 =	vld [tilespmem:s1+$0xFFFFFF10];
	[tilespmem:s28+$0x23C] =	vst v1  }
0x284: {  	[tilespmem:s30+$0x40] =	vst v2;
	v1 =	vld [tilespmem:s29+$0x25C]  }
0x285: {  	[tilespmem:s30+$0xFFFFFDE8] =	vst v3;
	v2 =	vld [tilespmem:s1+$0x50]  }
0x286: {  	v3 =	vld [tilespmem:s1+$0xFFFFFDD0];
	[tilespmem:s28+$0xFFFFFE88] =	vst v0  }
0x287: {  	[tilespmem:s30+$0x17C] =	vst v4;
	v0 =	vld [tilespmem:s29+$0xFFFFFFA0]  }
0x288: {  	[tilespmem:s30+$0xFFFFFF24] =	vst v5;
	v4 =	vld [tilespmem:s1+$0x1A0]  }
0x289: {  	v5 =	vld [tilespmem:s1+$0xFFFFFF20];
	[tilespmem:s28+$0x248] =	vst v1  }
0x28a: {  	[tilespmem:s30+$0x50] =	vst v2;
	v1 =	vld [tilespmem:s29+$0xE0]  }
0x28b: {  	[tilespmem:s30+$0xFFFFFDF8] =	vst v3;
	v2 =	vld [tilespmem:s1+$0x60]  }
0x28c: {  	v3 =	vld [tilespmem:s1+$0xFFFFFDE0];
	[tilespmem:s28+$0xFFFFFFB4] =	vst v0  }
0x28d: {  	[tilespmem:s30+$0x18C] =	vst v4;
	v0 =	vld [tilespmem:s29+$0xFFFFFE70]  }
0x28e: {  	[tilespmem:s30+$0xFFFFFF34] =	vst v5;
	v4 =	vld [tilespmem:s1+$0x1B0]  }
0x28f: {  	v5 =	vld [tilespmem:s1+$0xFFFFFF30];
	[tilespmem:s28+$0xE0] =	vst v1  }
0x290: {  	[tilespmem:s30+$0x60] =	vst v2;
	v1 =	vld [tilespmem:s29+$0xFFFFFFB0]  }
0x291: {  	[tilespmem:s30+$0xFFFFFE08] =	vst v3;
	v2 =	vld [tilespmem:s1+$0x70]  }
0x292: {  	v3 =	vld [tilespmem:s1+$0xFFFFFDF0];
	[tilespmem:s28+$0xFFFFFE98] =	vst v0  }
0x293: {  	[tilespmem:s30+$0x19C] =	vst v4;
	v0 =	vld [tilespmem:s29+$0xF0]  }
0x294: {  	[tilespmem:s30+$0xFFFFFF44] =	vst v5;
	v4 =	vld [tilespmem:s1+$0x1C0]  }
0x295: {  	v5 =	vld [tilespmem:s1+$0xFFFFFF40];
	[tilespmem:s28+$0xFFFFFFC4] =	vst v1  }
0x296: {  	[tilespmem:s30+$0x70] =	vst v2;
	v1 =	vld [tilespmem:s29+$0xFFFFFE80]  }
0x297: {  	[tilespmem:s30+$0xFFFFFE18] =	vst v3;
	v2 =	vld [tilespmem:s1+$0x80]  }
0x298: {  	v3 =	vld [tilespmem:s1+$0xFFFFFE00];
	[tilespmem:s28+$0xF0] =	vst v0  }
0x299: {  	[tilespmem:s30+$0x1AC] =	vst v4;
	v0 =	vld [tilespmem:s29+$0xFFFFFFC0]  }
0x29a: {  	[tilespmem:s30+$0xFFFFFF54] =	vst v5;
	v4 =	vld [tilespmem:s1+$0x1D0]  }
0x29b: {  	v5 =	vld [tilespmem:s1+$0xFFFFFF50];
	[tilespmem:s28+$0xFFFFFEA8] =	vst v1  }
0x29c: {  	[tilespmem:s30+$0x80] =	vst v2;
	v1 =	vld [tilespmem:s29+$0x100]  }
0x29d: {  	[tilespmem:s30+$0xFFFFFE28] =	vst v3;
	v2 =	vld [tilespmem:s1+$0x90]  }
0x29e: {  	v3 =	vld [tilespmem:s1+$0xFFFFFE10];
	[tilespmem:s28+$0xFFFFFFD4] =	vst v0  }
0x29f: {  	[tilespmem:s30+$0x1BC] =	vst v4;
	v0 =	vld [tilespmem:s29+$0xFFFFFE90]  }
0x2a0: {  	[tilespmem:s30+$0xFFFFFF64] =	vst v5;
	v4 =	vld [tilespmem:s1+$0x1E0]  }
0x2a1: {  	v5 =	vld [tilespmem:s1+$0xFFFFFF60];
	[tilespmem:s28+$0x100] =	vst v1  }
0x2a2: {  	[tilespmem:s30+$0x90] =	vst v2;
	v1 =	vld [tilespmem:s29+$0xFFFFFFD0]  }
0x2a3: {  	[tilespmem:s30+$0xFFFFFE38] =	vst v3;
	v2 =	vld [tilespmem:s1+$0xA0]  }
0x2a4: {  	v3 =	vld [tilespmem:s1+$0xFFFFFE20];
	[tilespmem:s28+$0xFFFFFEB8] =	vst v0  }
0x2a5: {  	[tilespmem:s30+$0x1CC] =	vst v4;
	v0 =	vld [tilespmem:s29+$0x110]  }
0x2a6: {  	[tilespmem:s30+$0xFFFFFF74] =	vst v5;
	v4 =	vld [tilespmem:s1+$0x1F0]  }
0x2a7: {  	v5 =	vld [tilespmem:s1+$0xFFFFFF70];
	[tilespmem:s28+$0xFFFFFFE4] =	vst v1  }
0x2a8: {  	[tilespmem:s30+$0xA0] =	vst v2;
	v1 =	vld [tilespmem:s29+$0xFFFFFE9C]  }
0x2a9: {  	[tilespmem:s30+$0xFFFFFE48] =	vst v3;
	v6 =	vld [tilespmem:s1+$0xB0]  }
0x2aa: {  	v7 =	vld [tilespmem:s1+$0xFFFFFE30];
	[tilespmem:s28+$0x110] =	vst v0  }
.Ltmp7:
0x2ab: {  	[tilespmem:s30+$0x1DC] =	vst v4;
	v0 =	vld [tilespmem:s29+$0xFFFFFFDC];
	(pc) =	sbr.rel @p0 .LBB2_13-.Ltmp7, $4  }
0x2ac: {  	[tilespmem:s30+$0xFFFFFF84] =	vst v5;
	v3 =	vld [tilespmem:s1+$0x200]  }
0x2ad: {  	v2 =	vld [tilespmem:s1+$0xFFFFFF80];
	[tilespmem:s28+$0xFFFFFEC4] =	vst v1  }
0x2ae: {  	[tilespmem:s30+$0xB0] =	vst v6;
	v1 =	vld [tilespmem:s29+$0x11C];
	s29 =	smov.u32 s1  }
0x2af: {  	s1 =	sadd.s32 $0x500, s1;
	[tilespmem:s30+$0xFFFFFE58] =	vst v7;
	v4 =	vld [tilespmem:s29+$0xC0]  }
0x2b0: {  	v5 =	vld [tilespmem:s29+$0xFFFFFE40];
	_ =	sdelay $0x1  }
0x2b1: {  	[tilespmem:s30+$0x1EC] =	vst v3  }
0x2b2: {  	v3 =	vld [tilespmem:s29+$0x210];
	[tilespmem:s30+$0xFFFFFF94] =	vst v2  }
0x2b3: {  	v59 =	vld [tilespmem:s29+$0xFFFFFF90];
	[tilespmem:s30+$0xC0] =	vst v4  }
0x2b4: {  	[tilespmem:s30+$0xFFFFFE68] =	vst v5;
	v60 =	vld [tilespmem:s29+$0xD0]  }
0x2b5: {  	v58 =	vld [tilespmem:s29+$0xFFFFFE50];
	_ =	sdelay $0x1  }
0x2b6: {  	[tilespmem:s30+$0x1FC] =	vst v3  }
0x2b7: {  	v3 =	vld [tilespmem:s29+$0x220];
	[tilespmem:s30+$0xFFFFFFA4] =	vst v59  }
0x2b8: {  	v4 =	vld [tilespmem:s29+$0xFFFFFFA0];
	[tilespmem:s30+$0xD0] =	vst v60  }
0x2b9: {  	[tilespmem:s30+$0xFFFFFE78] =	vst v58;
	v5 =	vld [tilespmem:s29+$0xE0]  }
0x2ba: {  	v2 =	vld [tilespmem:s29+$0xFFFFFE60];
	_ =	sdelay $0x1  }
0x2bb: {  	[tilespmem:s30+$0x20C] =	vst v3  }
0x2bc: {  	v3 =	vld [tilespmem:s29+$0x230];
	[tilespmem:s30+$0xFFFFFFB4] =	vst v4  }
0x2bd: {  	v4 =	vld [tilespmem:s29+$0xFFFFFFB0];
	[tilespmem:s30+$0xE0] =	vst v5  }
0x2be: {  	[tilespmem:s30+$0xFFFFFE88] =	vst v2;
	v5 =	vld [tilespmem:s29+$0xF0]  }
0x2bf: {  	v2 =	vld [tilespmem:s29+$0xFFFFFE70];
	_ =	sdelay $0x1  }
0x2c0: {  	[tilespmem:s30+$0x21C] =	vst v3  }
0x2c1: {  	v3 =	vld [tilespmem:s29+$0x240];
	[tilespmem:s30+$0xFFFFFFC4] =	vst v4  }
0x2c2: {  	v4 =	vld [tilespmem:s29+$0xFFFFFFC0];
	[tilespmem:s30+$0xF0] =	vst v5  }
0x2c3: {  	[tilespmem:s30+$0xFFFFFE98] =	vst v2;
	v5 =	vld [tilespmem:s29+$0x100]  }
0x2c4: {  	v2 =	vld [tilespmem:s29+$0xFFFFFE80];
	_ =	sdelay $0x1  }
0x2c5: {  	[tilespmem:s30+$0x22C] =	vst v3  }
0x2c6: {  	v3 =	vld [tilespmem:s29+$0x250];
	[tilespmem:s30+$0xFFFFFFD4] =	vst v4  }
0x2c7: {  	v4 =	vld [tilespmem:s29+$0xFFFFFFD0];
	[tilespmem:s30+$0x100] =	vst v5  }
0x2c8: {  	[tilespmem:s30+$0xFFFFFEA8] =	vst v2;
	v5 =	vld [tilespmem:s29+$0x110]  }
0x2c9: {  	v2 =	vld [tilespmem:s29+$0xFFFFFE90];
	_ =	sdelay $0x1  }
0x2ca: {  	[tilespmem:s30+$0x23C] =	vst v3  }
0x2cb: {  	v61 =	vld [tilespmem:s29+$0x25C];
	[tilespmem:s30+$0xFFFFFFE4] =	vst v4  }
0x2cc: {  	v4 =	vld [tilespmem:s29+$0xFFFFFFDC];
	[tilespmem:s30+$0x110] =	vst v5  }
0x2cd: {  	[tilespmem:s30+$0xFFFFFEB8] =	vst v2;
	v63 =	vld [tilespmem:s29+$0x11C]  }
0x2ce: {  	[tilespmem:s28+$0xFFFFFFF0] =	vst v0;
	s25 =	sadd.s32 $0x1, s25;
	v62 =	vld [tilespmem:s29+$0xFFFFFE9C]  }
0x2cf: {  	p0 =	sne.s32 s25, $0x32;
	[tilespmem:s28+$0x11C] =	vst v1  }
.Ltmp8:
0x2d0: {  	[tilespmem:s30+$0x248] =	vst v61;
	(pc) =	sbr.rel @p0 .LBB2_6-.Ltmp8, $4  }
0x2d1: {  	s1 =	sadd.s32 s26, s8;
	[tilespmem:s30+$0xFFFFFFF0] =	vst v4  }
0x2d2: {  	s1 =	sshrl.u32 s1, $0x3;
	[tilespmem:s30+$0x11C] =	vst v63  }
0x2d3: {  	s1 =	sadd.s32 s2, s1;
	[tilespmem:s30+$0xFFFFFEC4] =	vst v62  }
0x2d4: {  	[hbm4b:s1+s4] =	stream.linear.scatter [tilespmem:s22], [sflag:$0x4], $0x4B00, $0x38;
	[tilespmem:$0x153D8] =	vst v63  }
0x2d5: {  	s24 =	sadd.s32 $0x1, s24  }
0x2d6: {  	_ =	swait.ge [sflag:s23], $0x4B00;
	p0 =	sne.s32 s24, s9  }
.Ltmp9:
0x2d7: {  	[sflag:s23] =	ssyncset.done $0x0;
	(pc) =	sbr.rel @p0 .LBB2_1-.Ltmp9, $4  }
.Ltmp10:
0x2d8: {  	[sflag:s23] =	ssyncadd.s32 $0xFFFFB500;
	(pc) =	sbr.rel @!p0 .LBB2_16-.Ltmp10, $4  }
0x2d9: {  	_ =	swait.ge [sflag:s21], $0x4B00  }
0x2da: {  	[sflag:s21] =	ssyncset.done $0x0  }
0x2db: {  	[sflag:s21] =	ssyncadd.s32 $0xFFFFB500  }
0x2dc: {  	_ = 	snop  }
.LBB2_3:
.Ltmp11:
0x2dd: {  	(pc) =	sbr.rel .LBB2_5-.Ltmp11, $2  }
0x2de: {  	_ =	sdelay $0x2  }
0x2df: {  	s26 =	smov.u32 s10  }
.LBB2_16:
0x2e0: {  	_ =	sfence.sel $0x180000  }
0x2e1: {  	[bflag:$0x0] =	sbarrier.arrive $0xFFFF  }
0x2e2: {  	_ =	strace $0x90000047  }
0x2e3: {  	[bflag:$0x2] =	sbarrier.arrive $0xFFFF  }
0x2e4: {  	p0 =	sne.s32 s0, $0x0;
	s0 =	rddreg [dreg:$0x3]  }
0x2e5: {  	s0 =	sadd.s32 @!p0 $0x100000, s0  }
0x2e6: {  	[sflag:s0] =	ssyncadd.tile.s32 @!p0 $0x1;
	_ =	shalt  }
.Lfunc_end2:
_tile_overlayer_lowered:
.L_overlay_start_2:
0x2e7: {  	(tag) =	ssettag $0x2  }
0x2e8: {  	s0 =	rddreg [dreg:$0x0];
	s2 =	stileid.u32  }
0x2e9: {  	s1 =	rddreg [dreg:$0x1];
	p0 =	sne.s32 s2, $0x0  }
0x2ea: {  	s3 =	rddreg [dreg:$0x2];
	[bflag:$0x3] =	sbarrier.arrive $0xFFFF;
	s2 =	simm.s32 @!p0 $0x1C05  }
0x2eb: {  	[timem:s3], [sflag:s2] =	dma.local @!p0 [hbm:s0], s1  }
0x2ec: {  	s0 =	simm.s32 @!p0 $0x5  }
0x2ed: {  	_ =	swait.ge @!p0 [sflag:s0], s1  }
0x2ee: {  	s1 =	ssub.s32 @!p0 $0x0, s1;
	[sflag:s0] =	ssyncset.done @!p0 $0x0  }
0x2ef: {  	[sflag:s0] =	ssyncadd.s32 @!p0 s1  }
0x2f0: {  	[bflag:$0x3] =	sbarrier.arrive $0xFFFF  }
0x2f1: {  	_ =	shalt  }

// kernel: sparse-core-data-format-call.cloned.1.call-start
scs
called_computation_lowered:
.L_overlay_start_0:
0x0: {  	s2 =	sld [smem:$0x3FD9]  }
0x1: {  	s3 =	sld [smem:$0x3FFE];
	_ =	sdelay $0x1  }
0x2: {  	s1 =	srdreg.scid  }
0x3: {  	s0 =	sand.u32 $0x1, s1  }
0x4: {  	s18 =	sshll.u32 s0, $0xA;
	s2 =	sadd.s32 s3, s2  }
0x5: {  	s2 =	sadd.s32 s2, s18  }
0x6: {  	[smem:$0x3FC6] =	sst s2  }
0x7: {  	_ = 	snop  }
0x8: {  	s2 =	sld [smem:$0x3FD0];
	(tm) =	ssettm $0x1  }
0x9: {  	s19 =	sld [smem:$0x3FFB];
	_ =	sdelay $0x3  }
0xa: {  	_ =	strace s19  }
0xb: {  	s3 =	sld [smem:$0x3FFC];
	_ =	sdelay $0x3  }
0xc: {  	_ =	strace s3  }
0xd: {  	s3 =	sld [smem:$0x3FFD];
	_ =	sdelay $0x3  }
0xe: {  	_ =	strace s3  }
0xf: {  	_ =	strace $0x8FFFFFFF  }
0x10: {  	s20 =	sld [smem:$0x3FDB];
	_ =	sdelay $0x1  }
0x11: {  	s4 =	simm.s32 $_scs_section_size  }
0x12: {  	s5 =	simm.s32 $_size__tile_overlayer_lowered;
	s6 =	simm.s32 $_tile_overlayer_lowered  }
0x13: {  	s23 =	simm.s32 $0x1BFF;
	s22 =	sshll.u32 s6, $0x1;
	s3 =	sadd.s32 s4, s20  }
0x14: {  	s7 =	simm.s32 $0x0;
	s21 =	sshll.u32 s5, $0x1;
	s5 =	sadd.s32 s22, s3  }
0x15: {  	[timem:s7], [sflag:s23] =	dma.local [hbm:s5], s21  }
0x16: {  	_ =	swait.ge [sflag:s23], s21  }
0x17: {  	s4 =	ssub.s32 $0x0, s21;
	[sflag:s23] =	ssyncset.done $0x0  }
0x18: {  	[sflag:s23] =	ssyncadd.s32 s4;
	_ =	sdelay $0x1  }
0x19: {  	s24 =	simm.s32 $0x1B8B  }
0x1a: {  	_ =	swait.ge [sflag:s24], $0x1  }
0x1b: {  	[sflag:s24] =	ssyncset.done $0x0  }
0x1c: {  	s26 =	simm.s32 $0x1B8E;
	s25 =	sld [smem:$0x3FFE];
	[sflag:s24] =	ssyncadd.s32 $0xFFFFFFFF  }
0x1d: {  	s27 =	simm.s32 $execute0_lowered;
	[smem:$0x3FD2] =	sst s26  }
0x1e: {  	s5 =	sshll.u32 s27, $0x1;
	_ =	strace $0x80000049;
	[dreg:$0x1] =	wrdreg $0xFFFFFFFF  }
0x1f: {  	s28 =	simm.s32 $_size_execute0_lowered;
	s3 =	sadd.s32 s3, s5;
	[dreg:$0x0] =	wrdreg $0x0  }
0x20: {  	s5 =	sshll.u32 s28, $0x1;
	[dreg:$0x2] =	wrdreg s3  }
0x21: {  	[dreg:$0x3] =	wrdreg s5  }
0x22: {  	[dreg:$0x4] =	wrdreg $0xC0  }
0x23: {  	_ =	task [dreg:s7], $0x5FFFF  }
0x24: {  	[dreg:$0x1] =	wrdreg $0xFFFFFFFF  }
0x25: {  	[dreg:$0x0] =	wrdreg $0x60  }
0x26: {  	[dreg:$0x2] =	wrdreg s25  }
0x27: {  	[dreg:$0x3] =	wrdreg s2  }
0x28: {  	[dreg:$0x4] =	wrdreg $0x9  }
0x29: {  	_ =	task.clear_ibuf [dreg:s7], $0x5FFFF;
	_ =	strace $0x90000049  }
0x2a: {  	s29 =	simm.s32 $0x9;
	_ =	strace $0x8000004B  }
0x2b: {  	_ =	swait.ge [sflag:s29], $0x1  }
0x2c: {  	[sflag:s29] =	ssyncadd.s32 $0xFFFFFFFF  }
0x2d: {  	_ =	strace $0x9000004B  }
0x2e: {  	_ =	sfence  }
0x2f: {  	s30 =	sld [smem:$0x0];
	_ =	sdelay $0x2  }
0x30: {  	s31 =	sshll.u32 s1, $0xD;
	s1 =	sshrl.u32 s1, $0x2  }
0x31: {  	s3 =	sand.u32 $0x4000, s31;
	s1 =	sadd.s32 s1, s30  }
0x32: {  	s0 =	sor.u32 s3, s0;
	s1 =	sshll.u32 s1, $0x11  }
0x33: {  	s0 =	sor.u32 s1, s0  }
0x34: {  	s0 =	sadd.s32 $0x8F2B, s0  }
0x35: {  	[sflag:s0] =	ssyncadd.remote.s32 $0x1  }
0x36: {  	_ =	sfence.sel $0xFFFF  }
0x37: {  	[dreg:$0x0] =	wrdreg $0xFFFFFFFF;
	(pc) =	sbr.abs _section_cstart, $3  }
0x38: {  	[dreg:$0x1] =	wrdreg $0xFFFFFFFF  }
0x39: {  	_ =	task.clear_ibuf [dreg:s7], $0x2FFFF;
	_ =	strace $0x9FFFFFFF  }
0x3a: {  	(tm) =	ssettm $0x7FFFFFFF  }
0x3b: {  	_ =	shalt  }
tec
execute0_lowered:
.L_overlay_start_1:
0x0: {  	(tag) =	ssettag $0x1  }
0x1: {  	s0 =	srdreg.scid;
	s6 =	rddreg [dreg:$0x0]  }
0x2: {  	s3 =	rddreg [dreg:$0x1];
	s1 =	sshll.u32 s0, $0x4  }
0x3: {  	s5 =	simm.s32 $0x1;
	s0 =	stileid.u32;
	s1 =	sand.u32 $0x10, s1  }
0x4: {  	s31 =	simm.s32 $0x2;
	s16 =	simm.s32 $0x0;
	s1 =	sor.u32 s0, s1  }
0x5: {  	s8 =	simm.s32 $0x8000;
	s18 =	simm.s32 $0x0;
	s2 =	sshll.u32 s1, $0x7  }
0x6: {  	s17 =	simm.s32 $0x0;
	s9 =	simm.s32 $0x0;
	s4 =	ssub.s32 $0x1000, s2  }
0x7: {  	s10 =	simm.s32 $0x0;
	s11 =	simm.s32 $0x0;
	s30 =	sand.u32 $0xF80, s4  }
0x8: {  	s12 =	simm.s32 $0x0;
	s13 =	simm.s32 $0x0;
	p0 =	sne.s32 s30, $0x0  }
.Ltmp0:
0x9: {  	s7 =	sshrl.u32 s4, $0xC;
	s5 =	simm.s32 @!p0 $0x0;
	(pc) =	sbr.rel .LBB1_1-.Ltmp0, $4  }
0xa: {  	s15 =	simm.s32 $0x0;
	s1 =	rddreg [dreg:$0x2];
	s5 =	sadd.s32 s5, s7  }
0xb: {  	_ =	strace $0x8000004A;
	s4 =	simm.s32 $0x1;
	s5 =	smul.u32 $0x96, s5  }
0xc: {  	s6 =	sadd.s32 $0xA00, s6;
	s14 =	smov.u32 s2;
	[sflag:s4] =	ssyncpa.u1 $0x0  }
0xd: {  	[sflag:s31] =	ssyncpa.u1 $0x0;
	p0 =	por $0x0, $0x0;
	s7 =	sor.u32 $0x1, s5  }
.LBB1_4:
0xe: {  	s23 =	sshra.s32 s23, $0x2;
	s30 =	sshll.u32 s9, $0xC  }
0xf: {  	p1 =	sgt.s32 s10, $0x31;
	s24 =	smov.u32 s10;
	s25 =	sshra.s32 s10, $0x1F  }
0x10: {  	s26 =	sshll.u32 s11, $0x3;
	s28 =	smov.u32 s11;
	s29 =	sshra.s32 s11, $0x1F  }
0x11: {  	s22 =	sadd.s32 s23, s22;
	s24 =	simm.s32 @!p1 $0x31;
	s25 =	sand.u32 s25, s10  }
0x12: {  	s23 =	sand.u32 $0xFFFF8000, s30;
	s27 =	sand.u32 $0xFFFFFC00, s26;
	p1 =	sgt.s32 s9, $0xB0  }
0x13: {  	s31 =	sand.u32 s29, s11;
	s29 =	sshll.u32 s9, $0x7;
	s30 =	sshra.s32 s9, $0x1F  }
0x14: {  	[tilespmem:s21+$0x2040 ss:$0x81] =	vst.msk $0xffff, v4;
	s24 =	ssub.s32 s24, s25;
	s23 =	sadd.s32 s27, s23;
	s27 =	smov.u32 s9  }
0x15: {  	[tilespmem:s21+$0x2850 ss:$0x81] =	vst.msk $0xffff, v3;
	s29 =	sand.u32 $0x380, s29;
	s25 =	sadd.s32 $0xFFFFFFCF, s24;
	s27 =	simm.s32 @!p1 $0xB0  }
0x16: {  	v5 =	vld [tilespmem:s20+$0xFFFFFFD0];
	[tilespmem:s21+$0x3060 ss:$0x81] =	vst.msk $0xffff, v2;
	p1 =	sgt.s32 s11, $0xF80;
	s23 =	sshrl.u32 s23, $0xC;
	s24 =	ssub.s32 $0x32, s24  }
0x17: {  	v58 =	vld [tilespmem:s20+$0xFFFFFFE0];
	[tilespmem:s21+$0x0 ss:$0x81] =	vst.msk $0xffff, v1;
	s28 =	simm.s32 @!p1 $0xF80;
	p1 =	sgt.s32 s25, $0x0;
	s21 =	smulhi.u32 $0xD79436, s23  }
0x18: {  	v59 =	vld [tilespmem:s20+$0xFFFFFFF0];
	s25 =	ssub.s32 s28, s31;
	s28 =	sand.u32 s30, s9;
	s24 =	simm.s32 @p1 $0x0  }
0x19: {  	v60 =	vld [tilespmem:s20+$0x0];
	s27 =	ssub.s32 s27, s28;
	s31 =	sadd.s32 $0xFFFFF080, s25;
	s25 =	ssub.s32 $0x1000, s25  }
0x1a: {  	v61 =	vld [tilespmem:s20+$0x10];
	[tilespmem:s22+$0x3870 ss:$0x81] =	vst.msk $0xffff, v0;
	s21 =	smul.u32 $0x130, s21;
	s28 =	sand.u32 $0x7, s11;
	p1 =	sgt.s32 s31, $0x7F  }
0x1b: {  	v62 =	vld [tilespmem:s20+$0x20];
	[tilespmem:s22+$0x810 ss:$0x81] =	vst.msk $0xffff, v5;
	s30 =	sadd.s32 $0xFFFFFF50, s27;
	s31 =	sand.u32 $0x78, s11;
	s25 =	simm.s32 @p1 $0x0  }
0x1c: {  	v63 =	vld [tilespmem:s20+$0xFFFFFFC0];
	[tilespmem:s22+$0x1020 ss:$0x81] =	vst.msk $0xffff, v58;
	p1 =	sgt.s32 s30, $0x7F;
	s30 =	sand.u32 $0xC00, s26;
	s24 =	smul.u32 s25, s24  }
0x1d: {  	[tilespmem:s22+$0x1830 ss:$0x81] =	vst.msk $0xffff, v59;
	s26 =	ssub.s32 $0x130, s27;
	s20 =	sor.u32 s31, s30;
	s31 =	smul.u32 $0x26000, s10  }
0x1e: {  	[tilespmem:s22+$0x2040 ss:$0x81] =	vst.msk $0xffff, v60;
	s21 =	ssub.s32 s23, s21;
	s26 =	simm.s32 @p1 $0x0;
	s20 =	sor.u32 s29, s20  }
0x1f: {  	[tilespmem:s22+$0x2850 ss:$0x81] =	vst.msk $0xffff, v61;
	s26 =	smul.u32 s26, s24;
	s20 =	sshrl.u32 s20, $0x3;
	s27 =	sadd.s32 s3, s31  }
0x20: {  	[tilespmem:s22+$0x3060 ss:$0x81] =	vst.msk $0xffff, v62;
	s21 =	sshll.u32 s21, $0x9;
	s29 =	sshll.u32 s28, $0x12;
	s20 =	sadd.s32 s20, s27  }
0x21: {  	[tilespmem:s22+$0x0 ss:$0x81] =	vst.msk $0xffff, v63;
	s31 =	sor.u32 $0x400, s29;
	s30 =	sand.u32 $0x3FFFFFFF, s26;
	s20 =	sadd.s32 s21, s20  }
0x22: {  	[hbm4b:s20+s31] =	stream.strided.scatter [tilespmem:s19], [sflag:$0x2], s30, s8, s31, $0x20;
	[tilespmem:$0x10100] =	vst v63  }
.LBB1_5:
0x23: {  	p1 =	slt.u32 s15, $0x2  }
0x24: {  	p2 =	sgt.s32 @!p1 s18, $0x31  }
0x25: {  	s19 =	smov.u32 s18;
	s20 =	sshra.s32 @!p1 s18, $0x1F;
	p2 =	por !p2, p1  }
0x26: {  	s18 =	sand.u32 @!p1 s20, s18;
	s19 =	simm.s32 @p2 $0x31  }
0x27: {  	p3 =	sgt.s32 @!p1 s16, $0xB0;
	s18 =	ssub.s32 @!p1 s19, s18  }
0x28: {  	p4 =	sgt.s32 @!p1 s17, $0xF80;
	s21 =	sshra.s32 @!p1 s17, $0x1F;
	s19 =	sadd.s32 @!p1 $0xFFFFFFCF, s18  }
0x29: {  	s20 =	smov.u32 s16;
	p2 =	sgt.s32 @!p1 s19, $0x0;
	s19 =	sshra.s32 @!p1 s16, $0x1F  }
0x2a: {  	p4 =	por !p4, p1;
	s16 =	sand.u32 @!p1 s19, s16;
	s19 =	smov.u32 s17  }
0x2b: {  	p3 =	por !p3, p1;
	s17 =	sand.u32 @!p1 s21, s17;
	s19 =	simm.s32 @p4 $0xF80  }
0x2c: {  	s20 =	simm.s32 @p3 $0xB0;
	s18 =	ssub.s32 @!p1 $0x32, s18;
	s17 =	ssub.s32 @!p1 s19, s17  }
0x2d: {  	p2 =	por !p2, p1;
	s16 =	ssub.s32 @!p1 s20, s16;
	s20 =	sadd.s32 @!p1 $0xFFFFF080, s17  }
0x2e: {  	s18 =	simm.s32 @!p2 $0x0;
	p3 =	sgt.s32 @!p1 s20, $0x7F  }
0x2f: {  	s19 =	sadd.s32 @!p1 $0xFFFFFF50, s16;
	s17 =	ssub.s32 @!p1 $0x1000, s17;
	p3 =	por !p3, p1  }
0x30: {  	p2 =	sgt.s32 @!p1 s19, $0x7F;
	s19 =	sadd.s32 $0x80, s12;
	s17 =	simm.s32 @!p3 $0x0  }
0x31: {  	p3 =	sgt.s32 s19, $0x12B;
	s17 =	smul.u32 @!p1 s17, s18;
	s18 =	simm.s32 $0x1  }
0x32: {  	s16 =	ssub.s32 @!p1 $0x130, s16;
	p2 =	por !p2, p1;
	s18 =	simm.s32 @!p3 $0x0  }
0x33: {  	s21 =	smov.u32 s14;
	s16 =	simm.s32 @!p2 $0x0;
	s20 =	sadd.s32 s18, s13  }
0x34: {  	s16 =	smul.u32 @!p1 s16, s17;
	s17 =	sadd.s32 $0x1000, s14;
	p2 =	sgt.s32 s20, $0x31  }
0x35: {  	p0 =	por !p0, !p0;
	s22 =	simm.s32 @!p1 $0x2;
	s21 =	smov.u32 @p2 s17  }
0x36: {  	s19 =	simm.s32 @p3 $0x0;
	s20 =	simm.s32 @p2 $0x0;
	p2 =	sgt.s32 s21, $0xFFF  }
0x37: {  	s18 =	smov.u32 s10;
	s21 =	smov.u32 @p2 s2;
	p2 =	sne.s32 s15, s7  }
.Ltmp1:
0x38: {  	s10 =	smov.u32 s13;
	s16 =	sand.u32 @!p1 $0x3FFFFFFF, s16;
	(pc) =	sbr.rel @!p2 .LBB1_6-.Ltmp1, $4  }
0x39: {  	s17 =	smov.u32 s11;
	s11 =	smov.u32 s14;
	_ =	swait.ge @!p1 [sflag:s22], s16  }
0x3a: {  	s23 =	ssub.s32 @!p1 $0x0, s16;
	s16 =	smov.u32 s9;
	s9 =	smov.u32 s12  }
0x3b: {  	s12 =	smov.u32 s19;
	s13 =	smov.u32 s20;
	[sflag:s22] =	ssyncset.done @!p1 $0x0  }
0x3c: {  	s15 =	sadd.s32 $0x1, s15;
	[sflag:s22] =	ssyncadd.s32 @!p1 s23;
	s14 =	smov.u32 s21  }
.LBB1_1:
0x3d: {  	p1 =	sge.u32 s15, s5  }
0x3e: {  	s19 =	sshrl.u32 @!p1 s13, $0x3  }
0x3f: {  	s20 =	sshll.u32 @!p1 s12, $0x3;
	s19 =	smul.u32 @!p1 $0xC00, s19  }
0x40: {  	s21 =	sshll.u32 @!p1 s13, $0x7;
	s20 =	sand.u32 @!p1 $0xFFFFFC00, s20  }
0x41: {  	s19 =	sadd.s32 @!p1 s19, s20;
	s20 =	sand.u32 @!p1 $0x380, s21  }
0x42: {  	s19 =	sor.u32 @!p1 s20, s19  }
0x43: {  	s20 =	sand.u32 @!p1 $0x7F, s12;
	s21 =	smulhi.u32 @!p1 $0xAAAAAAAB, s19  }
0x44: {  	s19 =	sor.u32 @!p1 s20, s19  }
0x45: {  	s20 =	smulhi.u32 @!p1 $0xAAAAAAAB, s19;
	s21 =	sshrl.u32 @!p1 s21, $0x8  }
0x46: {  	s22 =	smulhi.u32 @!p1 $0x4924925, s21;
	_ =	sdelay $0x1  }
0x47: {  	s20 =	sshrl.u32 @!p1 s20, $0x8;
	s22 =	smul.u32 @!p1 $0x38, s22  }
0x48: {  	s31 =	sadd.s32 $0xFFFFFFFF, s15;
	s20 =	smul.u32 @!p1 $0x180, s20  }
0x49: {  	s23 =	sxor.u32 @!p1 $0xFFFFFFFF, s15;
	s21 =	ssub.s32 @!p1 s21, s22;
	s22 =	smul.u32 @!p1 $0xA80, s14  }
0x4a: {  	s23 =	sshll.u32 @!p1 s23, $0xE;
	s19 =	ssub.s32 @!p1 s19, s20;
	s20 =	smul.u32 @!p1 $0x30, s21  }
0x4b: {  	s21 =	sand.u32 @!p1 $0x4000, s23;
	s23 =	sand.u32 @!p1 $0x7, s19;
	s22 =	sadd.s32 @!p1 s6, s22  }
0x4c: {  	s19 =	sshrl.u32 @!p1 s19, $0x3;
	s20 =	sadd.s32 @!p1 s20, s22;
	s22 =	sshll.u32 @!p1 s23, $0x12  }
0x4d: {  	s19 =	sadd.s32 @!p1 s19, s20;
	s20 =	sor.u32 @!p1 $0x80, s22;
	s22 =	simm.s32 @!p1 $0x5400  }
0x4e: {  	[tilespmem:s21], [sflag:$0x1] =	stream.strided.gather @!p1 [hbm4b:s19+s20], $0x4000, s22, s20, $0x38;
	[tilespmem:$0x10100] =	vst v63  }
0x4f: {  	p1 =	sge.u32 s31, s5  }
.Ltmp2:
0x50: {  	_ = 	snop;
	(pc) =	sbr.rel @p1 .LBB1_5-.Ltmp2, $1  }
0x51: {  	_ =	sdelay $0x3  }
0x52: {  	s19 =	simm.s32 $0x1  }
0x53: {  	_ =	swait.ge [sflag:s4], $0x4000;
	s19 =	simm.s32 @!p0 $0x0  }
0x54: {  	[sflag:s4] =	ssyncset.done $0x0;
	s20 =	sshll.u32 s19, $0xE  }
0x55: {  	[sflag:s4] =	ssyncadd.s32 $0xFFFFC000;
	s20 =	sor.u32 $0x40, s20  }
0x56: {  	s19 =	smul.u32 $0x10200, s19;
	v0 =	vld [tilespmem:s20+$0x30]  }
0x57: {  	v1 =	vld [tilespmem:s20+$0xFFFFFFD0]  }
0x58: {  	s19 =	sshrl.u32 s19, $0x2;
	v5 =	vld [tilespmem:s20+$0xFFFFFFE0]  }
0x59: {  	v6 =	vld [tilespmem:s20+$0xFFFFFFF0];
	s22 =	sor.u32 $0x8000, s19  }
0x5a: {  	s31 =	sand.u32 $0x1, s15;
	v4 =	vld [tilespmem:s20+$0x0];
	s21 =	sadd.s32 $0x0, s22  }
0x5b: {  	v3 =	vld [tilespmem:s20+$0x10];
	s19 =	smul.u32 $0x10200, s31;
	[tilespmem:s21+$0x3870 ss:$0x81] =	vst.msk $0xffff, v0  }
0x5c: {  	v2 =	vld [tilespmem:s20+$0x20];
	[tilespmem:s21+$0x810 ss:$0x81] =	vst.msk $0xffff, v1  }
0x5d: {  	s19 =	sshrl.u32 s19, $0x2;
	v1 =	vld [tilespmem:s20+$0xFFFFFFC0];
	[tilespmem:s21+$0x1020 ss:$0x81] =	vst.msk $0xffff, v5;
	s20 =	sadd.s32 $0x80, s20  }
0x5e: {  	s23 =	simm.s32 $0x4;
	s24 =	simm.s32 $0x8;
	s19 =	sor.u32 $0x8000, s19;
	[tilespmem:s21+$0x1830 ss:$0x81] =	vst.msk $0xffff, v6;
	v0 =	vld [tilespmem:s20+$0x30]  }
.LBB1_3:
0x5f: {  	p1 =	sne.s32 s24, $0x1FC;
	v5 =	vld [tilespmem:s20+$0xFFFFFFD0];
	[tilespmem:s21+$0x2040 ss:$0x81] =	vst.msk $0xffff, v4  }
0x60: {  	v6 =	vld [tilespmem:s20+$0xFFFFFFE0];
	[tilespmem:s21+$0x2850 ss:$0x81] =	vst.msk $0xffff, v3  }
0x61: {  	s25 =	sshra.s32 s23, $0x2;
	s23 =	smov.u32 s24;
	v7 =	vld [tilespmem:s20+$0xFFFFFFF0];
	[tilespmem:s21+$0x3060 ss:$0x81] =	vst.msk $0xffff, v2  }
.Ltmp3:
0x62: {  	v4 =	vld [tilespmem:s20+$0x0];
	[tilespmem:s21+$0x0 ss:$0x81] =	vst.msk $0xffff, v1;
	s21 =	sadd.s32 s25, s22;
	(pc) =	sbr.rel @p1 .LBB1_3-.Ltmp3, $4  }
0x63: {  	v3 =	vld [tilespmem:s20+$0x10];
	[tilespmem:s21+$0x3870 ss:$0x81] =	vst.msk $0xffff, v0  }
0x64: {  	[tilespmem:s21+$0x810 ss:$0x81] =	vst.msk $0xffff, v5;
	v2 =	vld [tilespmem:s20+$0x20]  }
0x65: {  	v1 =	vld [tilespmem:s20+$0xFFFFFFC0];
	[tilespmem:s21+$0x1020 ss:$0x81] =	vst.msk $0xffff, v6;
	s20 =	sadd.s32 $0x80, s20  }
0x66: {  	s24 =	sadd.s32 $0x4, s24;
	v0 =	vld [tilespmem:s20+$0x30];
	[tilespmem:s21+$0x1830 ss:$0x81] =	vst.msk $0xffff, v7  }
.Ltmp4:
0x67: {  	_ = 	snop;
	(pc) =	sbr.rel .LBB1_4-.Ltmp4, $1  }
0x68: {  	_ =	sdelay $0x3  }
.LBB1_6:
0x69: {  	_ =	sfence.sel $0x180000  }
0x6a: {  	s2 =	simm.s32 $0x1;
	[bflag:$0x0] =	sbarrier.arrive $0xFFFF  }
0x6b: {  	s31 =	simm.s32 $0x2;
	[sflag:s2] =	ssyncpa.u1 $0x1  }
0x6c: {  	[sflag:s31] =	ssyncpa.u1 $0x1  }
0x6d: {  	p0 =	sne.s32 s0, $0x0;
	_ =	strace $0x9000004A  }
0x6e: {  	s0 =	sadd.s32 @!p0 $0x100000, s1;
	[bflag:$0x2] =	sbarrier.arrive $0xFFFF  }
0x6f: {  	[sflag:s0] =	ssyncadd.tile.s32 @!p0 $0x1;
	_ =	shalt  }
.Lfunc_end1:
_tile_overlayer_lowered:
.L_overlay_start_2:
0x70: {  	(tag) =	ssettag $0x2  }
0x71: {  	s0 =	rddreg [dreg:$0x0];
	s2 =	stileid.u32  }
0x72: {  	s1 =	rddreg [dreg:$0x1];
	p0 =	sne.s32 s2, $0x0  }
0x73: {  	s3 =	rddreg [dreg:$0x2];
	[bflag:$0x3] =	sbarrier.arrive $0xFFFF;
	s2 =	simm.s32 @!p0 $0x1C01  }
0x74: {  	[timem:s3], [sflag:s2] =	dma.local @!p0 [hbm:s0], s1  }
0x75: {  	s0 =	simm.s32 @!p0 $0x1  }
0x76: {  	_ =	swait.ge @!p0 [sflag:s0], s1  }
0x77: {  	s1 =	ssub.s32 @!p0 $0x0, s1;
	[sflag:s0] =	ssyncset.done @!p0 $0x0  }
0x78: {  	[sflag:s0] =	ssyncadd.s32 @!p0 s1  }
0x79: {  	[bflag:$0x3] =	sbarrier.arrive $0xFFFF  }
0x7a: {  	_ =	shalt  }

</sc_bundles>
